<compile_context>
chip_gen: v7x
topology: tpu7x:2x2x1
jax: 0.10.2.dev20260603
libtpu: 0.0.44.dev20260713+nightly
codegen_flags: <defaults>
</compile_context>

<pallas_src>
import functools

import jax
import jax.numpy as jnp
from jax import lax
from jax.experimental import pallas as pl
from jax.experimental.pallas import tpu as pltpu
from jax.experimental.pallas import tpu_sc as plsc

N = 10000
E = 320000
D = 128
G = 64
C = 10

NC = 2
NS = 16
NW = NC * NS

EROWS = 2560
EP = EROWS * 128
ROWS_PER_W = EROWS // NW

PAD_ROWS = 240
ACC_N = N + PAD_ROWS


def _deg_body(dst_hbm, out_hbm, idx_v, hist_v):
  c = lax.axis_index("c")
  s = lax.axis_index("s")
  w = s * NC + c
  pltpu.sync_copy(dst_hbm.at[pl.ds(w * ROWS_PER_W, ROWS_PER_W)], idx_v)
  zeros16 = jnp.zeros((16,), jnp.float32)

  def zbody(i, carry):
    hist_v[pl.ds(i * 16, 16)] = zeros16
    return carry

  lax.fori_loop(0, ACC_N // 16, zbody, 0)
  ones16 = jnp.full((16,), 1.0, jnp.float32)

  def body(r, carry):
    for j in range(8):
      idx = idx_v[r, pl.ds(j * 16, 16)]
      plsc.addupdate_scatter(hist_v, [idx], ones16)
    return carry

  lax.fori_loop(0, ROWS_PER_W, body, 0)
  pltpu.sync_copy(hist_v, out_hbm.at[w])


def _agg_body(p_hbm, src_hbm, dst_hbm, out_hbm, acc, sblk, dblk, rows0,
              rows1, gsem0, gsem1):
  c = lax.axis_index("c")
  s = lax.axis_index("s")
  w = s * NC + c

  zeros16 = jnp.zeros((16,), jnp.float32)

  def zbody(i, carry):
    for j in range(8):
      rows0[i, pl.ds(j * 16, 16)] = zeros16
    return carry

  lax.fori_loop(0, 128, zbody, 0)
  tile_rows = ACC_N // NS
  zbase = s * tile_rows
  for k in range(tile_rows // 128):
    pltpu.sync_copy(rows0, acc.at[pl.ds(zbase + k * 128, 128)])
  plsc.subcore_barrier()

  half = ROWS_PER_W // 2
  for h in range(2):
    base = w * ROWS_PER_W + h * half
    pltpu.sync_copy(src_hbm.at[pl.ds(base, half)], sblk)
    pltpu.sync_copy(dst_hbm.at[pl.ds(base, half)], dblk)
    pltpu.async_copy(p_hbm.at[sblk.at[0]], rows0, gsem0)
    pltpu.async_copy(p_hbm.at[sblk.at[1]], rows1, gsem1)

    def ebody(i, carry):
      c0 = 2 * i
      pltpu.make_async_copy(p_hbm.at[sblk.at[c0]], rows0, gsem0).wait()
      pltpu.sync_copy(rows0, acc.at[dblk.at[c0]], add=True)
      pltpu.async_copy(p_hbm.at[sblk.at[c0 + 2]], rows0, gsem0)
      pltpu.make_async_copy(p_hbm.at[sblk.at[c0 + 1]], rows1, gsem1).wait()
      pltpu.sync_copy(rows1, acc.at[dblk.at[c0 + 1]], add=True)
      pltpu.async_copy(p_hbm.at[sblk.at[c0 + 3]], rows1, gsem1)
      return carry

    lax.fori_loop(0, half // 2 - 1, ebody, 0)
    cl = half - 2
    pltpu.make_async_copy(p_hbm.at[sblk.at[cl]], rows0, gsem0).wait()
    pltpu.sync_copy(rows0, acc.at[dblk.at[cl]], add=True)
    pltpu.make_async_copy(p_hbm.at[sblk.at[cl + 1]], rows1, gsem1).wait()
    pltpu.sync_copy(rows1, acc.at[dblk.at[cl + 1]], add=True)
  plsc.subcore_barrier()

  pltpu.sync_copy(acc.at[pl.ds(zbase, tile_rows)],
                  out_hbm.at[c, pl.ds(zbase, tile_rows)])


@functools.cache
def _sc_kernels():
  mesh = plsc.VectorSubcoreMesh(core_axis_name="c", subcore_axis_name="s",
                                num_cores=NC, num_subcores=NS)
  deg = pl.kernel(
      _deg_body,
      out_type=jax.ShapeDtypeStruct((NW, ACC_N), jnp.float32),
      mesh=mesh,
      scratch_types=[
          pltpu.VMEM((ROWS_PER_W, 128), jnp.int32),
          pltpu.VMEM((ACC_N,), jnp.float32),
      ],
      compiler_params=pltpu.CompilerParams(needs_layout_passes=False),
  )
  agg = pl.kernel(
      _agg_body,
      out_type=jax.ShapeDtypeStruct((NC, ACC_N, 128), jnp.float32),
      mesh=mesh,
      scratch_types=[
          pltpu.VMEM_SHARED((ACC_N, 128), jnp.float32),
          pltpu.VMEM((ROWS_PER_W // 2, 128), jnp.int32),
          pltpu.VMEM((ROWS_PER_W // 2, 128), jnp.int32),
          pltpu.VMEM((128, 128), jnp.float32),
          pltpu.VMEM((128, 128), jnp.float32),
          pltpu.SemaphoreType.DMA,
          pltpu.SemaphoreType.DMA,
      ],
  )
  return deg, agg



def _mm_body(x_ref, w1_ref, h_ref):
  h_ref[...] = jnp.dot(x_ref[...], w1_ref[...],
                       preferred_element_type=jnp.float32,
                       precision=lax.Precision.HIGHEST)


def _prep_body(parts_ref, h_ref, p_ref, dis_ref):
  deg = jnp.sum(parts_ref[...], axis=1, keepdims=True) + 1.0
  dis = lax.rsqrt(deg)
  p_ref[...] = h_ref[...] * dis
  dis_ref[...] = dis


def _mid_body(parts_ref, p_ref, dis_ref, kc_ref, w_ref, pn_ref):
  dis = dis_ref[...]
  agg = p_ref[...] + parts_ref[0] + parts_ref[1]
  t = jnp.maximum(dis * agg * kc_ref[0:1] + kc_ref[1:2], 0.0)
  h = jnp.dot(t, w_ref[...], preferred_element_type=jnp.float32,
              precision=lax.Precision.HIGHEST)
  pn_ref[...] = h * dis


def _final_body(parts_ref, p_ref, dis_ref, cc_ref, batch_ref, w2_ref, b2_ref,
                out_ref):
  dis = dis_ref[...]
  agg = p_ref[...] + parts_ref[0][:N] + parts_ref[1][:N]
  h = jnp.maximum(dis * agg + cc_ref[...], 0.0)
  gids = lax.broadcasted_iota(jnp.int32, (G, N), 0)
  mask = (gids == batch_ref[...]).astype(jnp.float32)
  sums = jnp.dot(mask, h, preferred_element_type=jnp.float32,
                 precision=lax.Precision.HIGHEST)
  counts = jnp.sum(mask, axis=1, keepdims=True)
  pooled = sums / jnp.maximum(counts, 1.0)
  logits = jnp.dot(pooled, w2_ref[...], preferred_element_type=jnp.float32,
                   precision=lax.Precision.HIGHEST) + b2_ref[...]
  m = jnp.max(logits, axis=1, keepdims=True)
  e = jnp.exp(logits - m)
  lse = jnp.log(jnp.sum(e, axis=1, keepdims=True))
  out_ref[...] = (logits - m - lse)[:, :C]


def _tc(body, out_shape, *args):
  return pl.pallas_call(body, out_shape=out_shape)(*args)


BLK = 2000
NB = N // BLK

_row = lambda i: (i, 0)
_whole = lambda i: (0, 0)


def _mm_call(x, w1):
  return pl.pallas_call(
      _mm_body,
      out_shape=jax.ShapeDtypeStruct((N, 128), jnp.float32),
      grid=(NB,),
      in_specs=[pl.BlockSpec((BLK, 128), _row), pl.BlockSpec((128, 128), _whole)],
      out_specs=pl.BlockSpec((BLK, 128), _row),
  )(x, w1)


def _prep_call(parts, h):
  return pl.pallas_call(
      _prep_body,
      out_shape=(jax.ShapeDtypeStruct((N, 128), jnp.float32),
                 jax.ShapeDtypeStruct((N, 1), jnp.float32)),
      grid=(NB,),
      in_specs=[pl.BlockSpec((BLK, NW), _row), pl.BlockSpec((BLK, 128), _row)],
      out_specs=(pl.BlockSpec((BLK, 128), _row), pl.BlockSpec((BLK, 1), _row)),
  )(parts, h)


def _mid_call(parts, p, dis, kc, w):
  return pl.pallas_call(
      _mid_body,
      out_shape=jax.ShapeDtypeStruct((N, 128), jnp.float32),
      grid=(NB,),
      in_specs=[
          pl.BlockSpec((2, BLK, 128), lambda i: (0, i, 0)),
          pl.BlockSpec((BLK, 128), _row),
          pl.BlockSpec((BLK, 1), _row),
          pl.BlockSpec((2, 128), _whole),
          pl.BlockSpec((128, 128), _whole),
      ],
      out_specs=pl.BlockSpec((BLK, 128), _row),
  )(parts, p, dis, kc, w)



def kernel(x, edge_index, batch, W1, b1, gamma, beta, running_mean, running_var,
           Wc0, bc0, Wc1, bc1, W2, b2):
  f32 = jnp.float32
  src = edge_index[0].astype(jnp.int32)
  dst = edge_index[1].astype(jnp.int32)
  pad = EP - E
  pad_i = jnp.arange(pad, dtype=jnp.int32)
  src2d = jnp.concatenate([src, pad_i % N]).reshape(EROWS, 128)
  dst2d = jnp.concatenate([dst, N + pad_i % PAD_ROWS]).reshape(EROWS, 128)

  k1 = gamma * lax.rsqrt(running_var + 1e-5)
  kc1 = jnp.stack([k1, (b1 - running_mean) * k1 + beta])
  kc2 = jnp.stack([jnp.ones((128,), f32), bc0])
  kc3 = jnp.stack([jnp.ones((128,), f32), bc1])
  w2p = jnp.zeros((128, 128), f32).at[:, :C].set(W2)
  b2p = jnp.full((1, 128), -1e30, f32).at[0, :C].set(b2)
  batch2d = batch.astype(jnp.int32).reshape(1, N)

  _deg_kernel, _agg_kernel = _sc_kernels()
  deg_parts = _deg_kernel(dst2d).T

  h1 = _mm_call(x, W1)
  p1, dis = _prep_call(deg_parts, h1)

  agg1 = _agg_kernel(p1, src2d, dst2d)
  p2 = _mid_call(agg1, p1, dis, kc1, Wc0)
  agg2 = _agg_kernel(p2, src2d, dst2d)
  p3 = _mid_call(agg2, p2, dis, kc2, Wc1)
  agg3 = _agg_kernel(p3, src2d, dst2d)
  out = _tc(_final_body, jax.ShapeDtypeStruct((G, C), f32),
            agg3, p3, dis, kc3[1:2], batch2d, w2p, b2p)
  return out

# --- scband reference (transcript-rebuilt; emitter-appended) ---
"""Pipeline reference for scband-gcnnet-32839319945298 (READ-ONLY COPY).

The authoritative reference and input builder live on the scoring server;
editing this copy changes nothing except your own understanding.
"""

import jax, jax.numpy as jnp
import numpy as np

N = 10000
E = 320000
D = 128
H = 128
C = 10
G = 64

def setup_inputs(seed: int = 0):
    key = jax.random.key(seed)
    ks = jax.random.split(key, 16)
    inp = {}
    inp["x"] = jax.random.normal(ks[0], (N, D), dtype=jnp.float32)
    inp["edge_index"] = jax.random.randint(ks[1], (2, E), 0, N, dtype=jnp.int32)
    inp["batch"] = jnp.sort(jax.random.randint(ks[2], (N,), 0, G, dtype=jnp.int32))
    s = 1.0 / np.sqrt(D)
    sh = 1.0 / np.sqrt(H)
    inp["W1"] = jax.random.normal(ks[3], (D, H), dtype=jnp.float32) * s
    inp["b1"] = jnp.zeros((H,), dtype=jnp.float32)
    inp["gamma"] = jnp.ones((H,), dtype=jnp.float32)
    inp["beta"] = jnp.zeros((H,), dtype=jnp.float32)
    inp["running_mean"] = jnp.zeros((H,), dtype=jnp.float32)
    inp["running_var"] = jnp.ones((H,), dtype=jnp.float32)
    inp["Wc0"] = jax.random.normal(ks[4], (H, H), dtype=jnp.float32) * sh
    inp["bc0"] = jnp.zeros((H,), dtype=jnp.float32)
    inp["Wc1"] = jax.random.normal(ks[5], (H, H), dtype=jnp.float32) * sh
    inp["bc1"] = jnp.zeros((H,), dtype=jnp.float32)
    inp["W2"] = jax.random.normal(ks[6], (H, C), dtype=jnp.float32) * sh
    inp["b2"] = jnp.zeros((C,), dtype=jnp.float32)
    return inp

def _gcn_conv(x, edge_index, W, b):
    # PyG GCNConv: add self-loops, symmetric normalization D^{-1/2}(A+I)D^{-1/2}, then x @ W + b
    n = x.shape[0]
    loop = jnp.arange(n, dtype=edge_index.dtype)
    src = jnp.concatenate([edge_index[0], loop])
    dst = jnp.concatenate([edge_index[1], loop])
    deg = jnp.zeros((n,), dtype=x.dtype).at[dst].add(1.0)
    dis = jnp.where(deg > 0, deg ** -0.5, 0.0)
    w = dis[src] * dis[dst]
    h = x @ W
    msg = h[src] * w[:, None]
    out = jnp.zeros((n, W.shape[1]), dtype=x.dtype).at[dst].add(msg)
    return out + b

def reference(x, edge_index, batch, W1, b1, gamma, beta, running_mean, running_var, Wc0, bc0, Wc1, bc1, W2, b2):
    # eval mode: no noise, no dropout; BatchNorm uses running stats
    h = _gcn_conv(x, edge_index, W1, b1)
    h = (h - running_mean) / jnp.sqrt(running_var + 1e-5) * gamma + beta
    h = jax.nn.relu(h)
    h = jax.nn.relu(_gcn_conv(h, edge_index, Wc0, bc0))
    h = jax.nn.relu(_gcn_conv(h, edge_index, Wc1, bc1))
    sums = jax.ops.segment_sum(h, batch, num_segments=G)
    counts = jax.ops.segment_sum(jnp.ones((h.shape[0],), dtype=h.dtype), batch, num_segments=G)
    pooled = sums / jnp.maximum(counts, 1.0)[:, None]
    logits = pooled @ W2 + b2
    return jax.nn.log_softmax(logits, axis=-1)

if __name__ == "__main__":
    import jax
    _d = setup_inputs()
    print(jax.jit(kernel)(*tuple(_d.values())))

</pallas_src>

<mosaic_0001>
#map = affine_map<(d0, d1) -> (0, 0)>
#map1 = affine_map<(d0, d1) -> (0, 0, 0)>
module attributes {stable_mosaic.version = 14 : i64} {
  func.func @_agg_body(%arg0: i32, %arg1: i32, %arg2: memref<10000x128xf32, #tpu.memory_space<hbm>>, %arg3: memref<2560x128xi32, #tpu.memory_space<hbm>>, %arg4: memref<2560x128xi32, #tpu.memory_space<hbm>>, %arg5: memref<2x10240x128xf32, #tpu.memory_space<hbm>>, %arg6: memref<10240x128xf32, #tpu.memory_space<vmem_shared>>, %arg7: memref<40x128xi32, #tpu.memory_space<vmem>>, %arg8: memref<40x128xi32, #tpu.memory_space<vmem>>, %arg9: memref<128x128xf32, #tpu.memory_space<vmem>>, %arg10: memref<128x128xf32, #tpu.memory_space<vmem>>, %arg11: memref<!tpu.dma_semaphore, #tpu.memory_space<semaphore_mem>>, %arg12: memref<!tpu.dma_semaphore, #tpu.memory_space<semaphore_mem>>) attributes {dimension_semantics = [#tpu.dimension_semantics<core_parallel>, #tpu.dimension_semantics<subcore_parallel>], iteration_bounds = array<i64: 2, 16>, scalar_prefetch = 0 : i64, scratch_operands = 7 : i64, tpu.core_type = #tpu.core_type<sc_vector_subcore>, window_params = [{transform_indices = #map}, {transform_indices = #map}, {transform_indices = #map}, {transform_indices = #map1}]} {
    %mul3A = arith.constant 2 : i32
    %mul3A_0 = arith.muli %arg1, %mul3A : i32
    %add3A = arith.addi %mul3A_0, %arg0 : i32
    %broadcast_in_dim3A = arith.constant 0.000000e+00 : f32
    %broadcast_in_dim3A_1 = vector.broadcast %broadcast_in_dim3A : f32 to vector<16xf32>
    %scan3A = arith.constant 0 : i32
    %scan3A_2 = arith.constant 0 : i32
    %scan3A_3 = arith.constant 128 : i32
    %scan3A_4 = arith.addi %scan3A_2, %scan3A_3 : i32
    %scan3A_5 = arith.constant 1 : i32
    scf.for %scan3A_97 = %scan3A_2 to %scan3A_4 step %scan3A_5  : i32 {
      %swap3A = arith.index_cast %scan3A_97 : i32 to index
      %swap3A_98 = arith.constant 0 : index
      %swap3A_99 = tpu.vector_load %arg9[%swap3A, %swap3A_98] {strides = array<i32>} : memref<128x128xf32, #tpu.memory_space<vmem>>, vector<1x16xf32>,
      %swap3A_100 = vector.shape_cast %swap3A_99 : vector<1x16xf32> to vector<16xf32>
      %swap3A_101 = vector.shape_cast %broadcast_in_dim3A_1 : vector<16xf32> to vector<1x16xf32>
      tpu.vector_store %arg9[%swap3A, %swap3A_98], %swap3A_101 {strides = array<i32>} : memref<128x128xf32, #tpu.memory_space<vmem>>, vector<1x16xf32>,
      %swap3A_102 = arith.index_cast %scan3A_97 : i32 to index
      %swap3A_103 = arith.constant 16 : index
      %swap3A_104 = tpu.vector_load %arg9[%swap3A_102, %swap3A_103] {strides = array<i32>} : memref<128x128xf32, #tpu.memory_space<vmem>>, vector<1x16xf32>,
      %swap3A_105 = vector.shape_cast %swap3A_104 : vector<1x16xf32> to vector<16xf32>
      %swap3A_106 = vector.shape_cast %broadcast_in_dim3A_1 : vector<16xf32> to vector<1x16xf32>
      tpu.vector_store %arg9[%swap3A_102, %swap3A_103], %swap3A_106 {strides = array<i32>} : memref<128x128xf32, #tpu.memory_space<vmem>>, vector<1x16xf32>,
      %swap3A_107 = arith.index_cast %scan3A_97 : i32 to index
      %swap3A_108 = arith.constant 32 : index
      %swap3A_109 = tpu.vector_load %arg9[%swap3A_107, %swap3A_108] {strides = array<i32>} : memref<128x128xf32, #tpu.memory_space<vmem>>, vector<1x16xf32>,
      %swap3A_110 = vector.shape_cast %swap3A_109 : vector<1x16xf32> to vector<16xf32>
      %swap3A_111 = vector.shape_cast %broadcast_in_dim3A_1 : vector<16xf32> to vector<1x16xf32>
      tpu.vector_store %arg9[%swap3A_107, %swap3A_108], %swap3A_111 {strides = array<i32>} : memref<128x128xf32, #tpu.memory_space<vmem>>, vector<1x16xf32>,
      %swap3A_112 = arith.index_cast %scan3A_97 : i32 to index
      %swap3A_113 = arith.constant 48 : index
      %swap3A_114 = tpu.vector_load %arg9[%swap3A_112, %swap3A_113] {strides = array<i32>} : memref<128x128xf32, #tpu.memory_space<vmem>>, vector<1x16xf32>,
      %swap3A_115 = vector.shape_cast %swap3A_114 : vector<1x16xf32> to vector<16xf32>
      %swap3A_116 = vector.shape_cast %broadcast_in_dim3A_1 : vector<16xf32> to vector<1x16xf32>
      tpu.vector_store %arg9[%swap3A_112, %swap3A_113], %swap3A_116 {strides = array<i32>} : memref<128x128xf32, #tpu.memory_space<vmem>>, vector<1x16xf32>,
      %swap3A_117 = arith.index_cast %scan3A_97 : i32 to index
      %swap3A_118 = arith.constant 64 : index
      %swap3A_119 = tpu.vector_load %arg9[%swap3A_117, %swap3A_118] {strides = array<i32>} : memref<128x128xf32, #tpu.memory_space<vmem>>, vector<1x16xf32>,
      %swap3A_120 = vector.shape_cast %swap3A_119 : vector<1x16xf32> to vector<16xf32>
      %swap3A_121 = vector.shape_cast %broadcast_in_dim3A_1 : vector<16xf32> to vector<1x16xf32>
      tpu.vector_store %arg9[%swap3A_117, %swap3A_118], %swap3A_121 {strides = array<i32>} : memref<128x128xf32, #tpu.memory_space<vmem>>, vector<1x16xf32>,
      %swap3A_122 = arith.index_cast %scan3A_97 : i32 to index
      %swap3A_123 = arith.constant 80 : index
      %swap3A_124 = tpu.vector_load %arg9[%swap3A_122, %swap3A_123] {strides = array<i32>} : memref<128x128xf32, #tpu.memory_space<vmem>>, vector<1x16xf32>,
      %swap3A_125 = vector.shape_cast %swap3A_124 : vector<1x16xf32> to vector<16xf32>
      %swap3A_126 = vector.shape_cast %broadcast_in_dim3A_1 : vector<16xf32> to vector<1x16xf32>
      tpu.vector_store %arg9[%swap3A_122, %swap3A_123], %swap3A_126 {strides = array<i32>} : memref<128x128xf32, #tpu.memory_space<vmem>>, vector<1x16xf32>,
      %swap3A_127 = arith.index_cast %scan3A_97 : i32 to index
      %swap3A_128 = arith.constant 96 : index
      %swap3A_129 = tpu.vector_load %arg9[%swap3A_127, %swap3A_128] {strides = array<i32>} : memref<128x128xf32, #tpu.memory_space<vmem>>, vector<1x16xf32>,
      %swap3A_130 = vector.shape_cast %swap3A_129 : vector<1x16xf32> to vector<16xf32>
      %swap3A_131 = vector.shape_cast %broadcast_in_dim3A_1 : vector<16xf32> to vector<1x16xf32>
      tpu.vector_store %arg9[%swap3A_127, %swap3A_128], %swap3A_131 {strides = array<i32>} : memref<128x128xf32, #tpu.memory_space<vmem>>, vector<1x16xf32>,
      %swap3A_132 = arith.index_cast %scan3A_97 : i32 to index
      %swap3A_133 = arith.constant 112 : index
      %swap3A_134 = tpu.vector_load %arg9[%swap3A_132, %swap3A_133] {strides = array<i32>} : memref<128x128xf32, #tpu.memory_space<vmem>>, vector<1x16xf32>,
      %swap3A_135 = vector.shape_cast %swap3A_134 : vector<1x16xf32> to vector<16xf32>
      %swap3A_136 = vector.shape_cast %broadcast_in_dim3A_1 : vector<16xf32> to vector<1x16xf32>
      tpu.vector_store %arg9[%swap3A_132, %swap3A_133], %swap3A_136 {strides = array<i32>} : memref<128x128xf32, #tpu.memory_space<vmem>>, vector<1x16xf32>,
    }
    %scan3A_6 = arith.constant 128 : i32
    %mul3A_7 = arith.constant 640 : i32
    %mul3A_8 = arith.muli %arg1, %mul3A_7 : i32
    %add3A_9 = arith.constant 0 : i32
    %add3A_10 = arith.addi %mul3A_8, %add3A_9 : i32
    "tpu.region"() ({
      %run_scoped3A_97 = tpu.sem_alloc : memref<!tpu.dma_semaphore, #tpu.memory_space<semaphore_mem>>
      %dma_start3A_98 = arith.constant 0 : i32
      %dma_start3A_99 = tpu.memref_slice %arg6[%add3A_10, %dma_start3A_98] : memref<10240x128xf32, #tpu.memory_space<vmem_shared>> -> memref<128x128xf32, #tpu.memory_space<vmem_shared>>
      %dma_start3A_100 = arith.constant 0 : i32
      %dma_start3A_101 = tpu.memref_slice %arg6[%add3A_10, %dma_start3A_100] : memref<10240x128xf32, #tpu.memory_space<vmem_shared>> -> memref<128x128xf32, #tpu.memory_space<vmem_shared>>
      tpu.enqueue_dma source(%arg9 : memref<128x128xf32, #tpu.memory_space<vmem>>) target(%dma_start3A_101 : memref<128x128xf32, #tpu.memory_space<vmem_shared>>) target_semaphore(%run_scoped3A_97 : memref<!tpu.dma_semaphore, #tpu.memory_space<semaphore_mem>>)
      %dma_wait3A_102 = arith.constant 0 : i32
      %dma_wait3A_103 = tpu.memref_slice %arg6[%add3A_10, %dma_wait3A_102] : memref<10240x128xf32, #tpu.memory_space<vmem_shared>> -> memref<128x128xf32, #tpu.memory_space<vmem_shared>>
      %dma_wait3A_104 = arith.constant 0 : i32
      %dma_wait3A_105 = tpu.memref_slice %arg6[%add3A_10, %dma_wait3A_104] : memref<10240x128xf32, #tpu.memory_space<vmem_shared>> -> memref<128x128xf32, #tpu.memory_space<vmem_shared>>
      tpu.wait_dma2 semaphore(%run_scoped3A_97 : memref<!tpu.dma_semaphore, #tpu.memory_space<semaphore_mem>>) src(%arg9 : memref<128x128xf32, #tpu.memory_space<vmem>>) dst(%dma_wait3A_105 : memref<128x128xf32, #tpu.memory_space<vmem_shared>>)
      tpu.yield
    }) : () -> ()
    %add3A_11 = arith.constant 128 : i32
    %add3A_12 = arith.addi %mul3A_8, %add3A_11 : i32
    "tpu.region"() ({
      %run_scoped3A_97 = tpu.sem_alloc : memref<!tpu.dma_semaphore, #tpu.memory_space<semaphore_mem>>
      %dma_start3A_98 = arith.constant 0 : i32
      %dma_start3A_99 = tpu.memref_slice %arg6[%add3A_12, %dma_start3A_98] : memref<10240x128xf32, #tpu.memory_space<vmem_shared>> -> memref<128x128xf32, #tpu.memory_space<vmem_shared>>
      %dma_start3A_100 = arith.constant 0 : i32
      %dma_start3A_101 = tpu.memref_slice %arg6[%add3A_12, %dma_start3A_100] : memref<10240x128xf32, #tpu.memory_space<vmem_shared>> -> memref<128x128xf32, #tpu.memory_space<vmem_shared>>
      tpu.enqueue_dma source(%arg9 : memref<128x128xf32, #tpu.memory_space<vmem>>) target(%dma_start3A_101 : memref<128x128xf32, #tpu.memory_space<vmem_shared>>) target_semaphore(%run_scoped3A_97 : memref<!tpu.dma_semaphore, #tpu.memory_space<semaphore_mem>>)
      %dma_wait3A_102 = arith.constant 0 : i32
      %dma_wait3A_103 = tpu.memref_slice %arg6[%add3A_12, %dma_wait3A_102] : memref<10240x128xf32, #tpu.memory_space<vmem_shared>> -> memref<128x128xf32, #tpu.memory_space<vmem_shared>>
      %dma_wait3A_104 = arith.constant 0 : i32
      %dma_wait3A_105 = tpu.memref_slice %arg6[%add3A_12, %dma_wait3A_104] : memref<10240x128xf32, #tpu.memory_space<vmem_shared>> -> memref<128x128xf32, #tpu.memory_space<vmem_shared>>
      tpu.wait_dma2 semaphore(%run_scoped3A_97 : memref<!tpu.dma_semaphore, #tpu.memory_space<semaphore_mem>>) src(%arg9 : memref<128x128xf32, #tpu.memory_space<vmem>>) dst(%dma_wait3A_105 : memref<128x128xf32, #tpu.memory_space<vmem_shared>>)
      tpu.yield
    }) : () -> ()
    %add3A_13 = arith.constant 256 : i32
    %add3A_14 = arith.addi %mul3A_8, %add3A_13 : i32
    "tpu.region"() ({
      %run_scoped3A_97 = tpu.sem_alloc : memref<!tpu.dma_semaphore, #tpu.memory_space<semaphore_mem>>
      %dma_start3A_98 = arith.constant 0 : i32
      %dma_start3A_99 = tpu.memref_slice %arg6[%add3A_14, %dma_start3A_98] : memref<10240x128xf32, #tpu.memory_space<vmem_shared>> -> memref<128x128xf32, #tpu.memory_space<vmem_shared>>
      %dma_start3A_100 = arith.constant 0 : i32
      %dma_start3A_101 = tpu.memref_slice %arg6[%add3A_14, %dma_start3A_100] : memref<10240x128xf32, #tpu.memory_space<vmem_shared>> -> memref<128x128xf32, #tpu.memory_space<vmem_shared>>
      tpu.enqueue_dma source(%arg9 : memref<128x128xf32, #tpu.memory_space<vmem>>) target(%dma_start3A_101 : memref<128x128xf32, #tpu.memory_space<vmem_shared>>) target_semaphore(%run_scoped3A_97 : memref<!tpu.dma_semaphore, #tpu.memory_space<semaphore_mem>>)
      %dma_wait3A_102 = arith.constant 0 : i32
      %dma_wait3A_103 = tpu.memref_slice %arg6[%add3A_14, %dma_wait3A_102] : memref<10240x128xf32, #tpu.memory_space<vmem_shared>> -> memref<128x128xf32, #tpu.memory_space<vmem_shared>>
      %dma_wait3A_104 = arith.constant 0 : i32
      %dma_wait3A_105 = tpu.memref_slice %arg6[%add3A_14, %dma_wait3A_104] : memref<10240x128xf32, #tpu.memory_space<vmem_shared>> -> memref<128x128xf32, #tpu.memory_space<vmem_shared>>
      tpu.wait_dma2 semaphore(%run_scoped3A_97 : memref<!tpu.dma_semaphore, #tpu.memory_space<semaphore_mem>>) src(%arg9 : memref<128x128xf32, #tpu.memory_space<vmem>>) dst(%dma_wait3A_105 : memref<128x128xf32, #tpu.memory_space<vmem_shared>>)
      tpu.yield
    }) : () -> ()
    %add3A_15 = arith.constant 384 : i32
    %add3A_16 = arith.addi %mul3A_8, %add3A_15 : i32
    "tpu.region"() ({
      %run_scoped3A_97 = tpu.sem_alloc : memref<!tpu.dma_semaphore, #tpu.memory_space<semaphore_mem>>
      %dma_start3A_98 = arith.constant 0 : i32
      %dma_start3A_99 = tpu.memref_slice %arg6[%add3A_16, %dma_start3A_98] : memref<10240x128xf32, #tpu.memory_space<vmem_shared>> -> memref<128x128xf32, #tpu.memory_space<vmem_shared>>
      %dma_start3A_100 = arith.constant 0 : i32
      %dma_start3A_101 = tpu.memref_slice %arg6[%add3A_16, %dma_start3A_100] : memref<10240x128xf32, #tpu.memory_space<vmem_shared>> -> memref<128x128xf32, #tpu.memory_space<vmem_shared>>
      tpu.enqueue_dma source(%arg9 : memref<128x128xf32, #tpu.memory_space<vmem>>) target(%dma_start3A_101 : memref<128x128xf32, #tpu.memory_space<vmem_shared>>) target_semaphore(%run_scoped3A_97 : memref<!tpu.dma_semaphore, #tpu.memory_space<semaphore_mem>>)
      %dma_wait3A_102 = arith.constant 0 : i32
      %dma_wait3A_103 = tpu.memref_slice %arg6[%add3A_16, %dma_wait3A_102] : memref<10240x128xf32, #tpu.memory_space<vmem_shared>> -> memref<128x128xf32, #tpu.memory_space<vmem_shared>>
      %dma_wait3A_104 = arith.constant 0 : i32
      %dma_wait3A_105 = tpu.memref_slice %arg6[%add3A_16, %dma_wait3A_104] : memref<10240x128xf32, #tpu.memory_space<vmem_shared>> -> memref<128x128xf32, #tpu.memory_space<vmem_shared>>
      tpu.wait_dma2 semaphore(%run_scoped3A_97 : memref<!tpu.dma_semaphore, #tpu.memory_space<semaphore_mem>>) src(%arg9 : memref<128x128xf32, #tpu.memory_space<vmem>>) dst(%dma_wait3A_105 : memref<128x128xf32, #tpu.memory_space<vmem_shared>>)
      tpu.yield
    }) : () -> ()
    %add3A_17 = arith.constant 512 : i32
    %add3A_18 = arith.addi %mul3A_8, %add3A_17 : i32
    "tpu.region"() ({
      %run_scoped3A_97 = tpu.sem_alloc : memref<!tpu.dma_semaphore, #tpu.memory_space<semaphore_mem>>
      %dma_start3A_98 = arith.constant 0 : i32
      %dma_start3A_99 = tpu.memref_slice %arg6[%add3A_18, %dma_start3A_98] : memref<10240x128xf32, #tpu.memory_space<vmem_shared>> -> memref<128x128xf32, #tpu.memory_space<vmem_shared>>
      %dma_start3A_100 = arith.constant 0 : i32
      %dma_start3A_101 = tpu.memref_slice %arg6[%add3A_18, %dma_start3A_100] : memref<10240x128xf32, #tpu.memory_space<vmem_shared>> -> memref<128x128xf32, #tpu.memory_space<vmem_shared>>
      tpu.enqueue_dma source(%arg9 : memref<128x128xf32, #tpu.memory_space<vmem>>) target(%dma_start3A_101 : memref<128x128xf32, #tpu.memory_space<vmem_shared>>) target_semaphore(%run_scoped3A_97 : memref<!tpu.dma_semaphore, #tpu.memory_space<semaphore_mem>>)
      %dma_wait3A_102 = arith.constant 0 : i32
      %dma_wait3A_103 = tpu.memref_slice %arg6[%add3A_18, %dma_wait3A_102] : memref<10240x128xf32, #tpu.memory_space<vmem_shared>> -> memref<128x128xf32, #tpu.memory_space<vmem_shared>>
      %dma_wait3A_104 = arith.constant 0 : i32
      %dma_wait3A_105 = tpu.memref_slice %arg6[%add3A_18, %dma_wait3A_104] : memref<10240x128xf32, #tpu.memory_space<vmem_shared>> -> memref<128x128xf32, #tpu.memory_space<vmem_shared>>
      tpu.wait_dma2 semaphore(%run_scoped3A_97 : memref<!tpu.dma_semaphore, #tpu.memory_space<semaphore_mem>>) src(%arg9 : memref<128x128xf32, #tpu.memory_space<vmem>>) dst(%dma_wait3A_105 : memref<128x128xf32, #tpu.memory_space<vmem_shared>>)
      tpu.yield
    }) : () -> ()
    %barrier3A = arith.constant 0 : index
    tpu.barrier barrier_id(%barrier3A)
    %mul3A_19 = arith.constant 80 : i32
    %mul3A_20 = arith.muli %add3A, %mul3A_19 : i32
    %add3A_21 = arith.constant 0 : i32
    %add3A_22 = arith.addi %mul3A_20, %add3A_21 : i32
    "tpu.region"() ({
      %run_scoped3A_97 = tpu.sem_alloc : memref<!tpu.dma_semaphore, #tpu.memory_space<semaphore_mem>>
      %dma_start3A_98 = arith.constant 0 : i32
      %dma_start3A_99 = tpu.memref_slice %arg3[%add3A_22, %dma_start3A_98] : memref<2560x128xi32, #tpu.memory_space<hbm>> -> memref<40x128xi32, #tpu.memory_space<hbm>>
      %dma_start3A_100 = arith.constant 0 : i32
      %dma_start3A_101 = tpu.memref_slice %arg3[%add3A_22, %dma_start3A_100] : memref<2560x128xi32, #tpu.memory_space<hbm>> -> memref<40x128xi32, #tpu.memory_space<hbm>>
      tpu.enqueue_dma source(%dma_start3A_101 : memref<40x128xi32, #tpu.memory_space<hbm>>) target(%arg7 : memref<40x128xi32, #tpu.memory_space<vmem>>) target_semaphore(%run_scoped3A_97 : memref<!tpu.dma_semaphore, #tpu.memory_space<semaphore_mem>>)
      %dma_wait3A_102 = arith.constant 0 : i32
      %dma_wait3A_103 = tpu.memref_slice %arg3[%add3A_22, %dma_wait3A_102] : memref<2560x128xi32, #tpu.memory_space<hbm>> -> memref<40x128xi32, #tpu.memory_space<hbm>>
      %dma_wait3A_104 = arith.constant 0 : i32
      %dma_wait3A_105 = tpu.memref_slice %arg3[%add3A_22, %dma_wait3A_104] : memref<2560x128xi32, #tpu.memory_space<hbm>> -> memref<40x128xi32, #tpu.memory_space<hbm>>
      tpu.wait_dma2 semaphore(%run_scoped3A_97 : memref<!tpu.dma_semaphore, #tpu.memory_space<semaphore_mem>>) src(%dma_wait3A_105 : memref<40x128xi32, #tpu.memory_space<hbm>>) dst(%arg7 : memref<40x128xi32, #tpu.memory_space<vmem>>)
      tpu.yield
    }) : () -> ()
    "tpu.region"() ({
      %run_scoped3A_97 = tpu.sem_alloc : memref<!tpu.dma_semaphore, #tpu.memory_space<semaphore_mem>>
      %dma_start3A_98 = arith.constant 0 : i32
      %dma_start3A_99 = tpu.memref_slice %arg4[%add3A_22, %dma_start3A_98] : memref<2560x128xi32, #tpu.memory_space<hbm>> -> memref<40x128xi32, #tpu.memory_space<hbm>>
      %dma_start3A_100 = arith.constant 0 : i32
      %dma_start3A_101 = tpu.memref_slice %arg4[%add3A_22, %dma_start3A_100] : memref<2560x128xi32, #tpu.memory_space<hbm>> -> memref<40x128xi32, #tpu.memory_space<hbm>>
      tpu.enqueue_dma source(%dma_start3A_101 : memref<40x128xi32, #tpu.memory_space<hbm>>) target(%arg8 : memref<40x128xi32, #tpu.memory_space<vmem>>) target_semaphore(%run_scoped3A_97 : memref<!tpu.dma_semaphore, #tpu.memory_space<semaphore_mem>>)
      %dma_wait3A_102 = arith.constant 0 : i32
      %dma_wait3A_103 = tpu.memref_slice %arg4[%add3A_22, %dma_wait3A_102] : memref<2560x128xi32, #tpu.memory_space<hbm>> -> memref<40x128xi32, #tpu.memory_space<hbm>>
      %dma_wait3A_104 = arith.constant 0 : i32
      %dma_wait3A_105 = tpu.memref_slice %arg4[%add3A_22, %dma_wait3A_104] : memref<2560x128xi32, #tpu.memory_space<hbm>> -> memref<40x128xi32, #tpu.memory_space<hbm>>
      tpu.wait_dma2 semaphore(%run_scoped3A_97 : memref<!tpu.dma_semaphore, #tpu.memory_space<semaphore_mem>>) src(%dma_wait3A_105 : memref<40x128xi32, #tpu.memory_space<hbm>>) dst(%arg8 : memref<40x128xi32, #tpu.memory_space<vmem>>)
      tpu.yield
    }) : () -> ()
    %dma_start3A = arith.constant 0 : i32
    %dma_start3A_23 = arith.constant 0 : i32
    %dma_start3A_24 = tpu.memref_slice %arg7[%dma_start3A, %dma_start3A_23] : memref<40x128xi32, #tpu.memory_space<vmem>> -> memref<1x128xi32, #tpu.memory_space<vmem>>
    %dma_start3A_25 = tpu.memref_squeeze %dma_start3A_24 : memref<1x128xi32, #tpu.memory_space<vmem>> -> memref<128xi32, #tpu.memory_space<vmem>>
    %dma_start3A_26 = arith.constant 0 : i32
    %dma_start3A_27 = arith.constant 0 : i32
    %dma_start3A_28 = tpu.memref_slice %arg2[%dma_start3A_26, %dma_start3A_27] : memref<10000x128xf32, #tpu.memory_space<hbm>> -> memref<10000x128xf32, #tpu.memory_space<hbm>>
    tpu.enqueue_indirect_dma source(%dma_start3A_28 : memref<10000x128xf32, #tpu.memory_space<hbm>>) target(%arg9 : memref<128x128xf32, #tpu.memory_space<vmem>>) offsets(%dma_start3A_25 : memref<128xi32, #tpu.memory_space<vmem>>) semaphore(%arg11 : memref<!tpu.dma_semaphore, #tpu.memory_space<semaphore_mem>>)
    %dma_start3A_29 = arith.constant 1 : i32
    %dma_start3A_30 = arith.constant 0 : i32
    %dma_start3A_31 = tpu.memref_slice %arg7[%dma_start3A_29, %dma_start3A_30] : memref<40x128xi32, #tpu.memory_space<vmem>> -> memref<1x128xi32, #tpu.memory_space<vmem>>
    %dma_start3A_32 = tpu.memref_squeeze %dma_start3A_31 : memref<1x128xi32, #tpu.memory_space<vmem>> -> memref<128xi32, #tpu.memory_space<vmem>>
    %dma_start3A_33 = arith.constant 0 : i32
    %dma_start3A_34 = arith.constant 0 : i32
    %dma_start3A_35 = tpu.memref_slice %arg2[%dma_start3A_33, %dma_start3A_34] : memref<10000x128xf32, #tpu.memory_space<hbm>> -> memref<10000x128xf32, #tpu.memory_space<hbm>>
    tpu.enqueue_indirect_dma source(%dma_start3A_35 : memref<10000x128xf32, #tpu.memory_space<hbm>>) target(%arg10 : memref<128x128xf32, #tpu.memory_space<vmem>>) offsets(%dma_start3A_32 : memref<128xi32, #tpu.memory_space<vmem>>) semaphore(%arg12 : memref<!tpu.dma_semaphore, #tpu.memory_space<semaphore_mem>>)
    %scan3A_36 = arith.constant 0 : i32
    %scan3A_37 = arith.constant 0 : i32
    %scan3A_38 = arith.constant 19 : i32
    %scan3A_39 = arith.addi %scan3A_37, %scan3A_38 : i32
    %scan3A_40 = arith.constant 1 : i32
    scf.for %scan3A_97 = %scan3A_37 to %scan3A_39 step %scan3A_40  : i32 {
      %mul3A_98 = arith.constant 2 : i32
      %mul3A_99 = arith.muli %mul3A_98, %scan3A_97 : i32
      %dma_wait3A_100 = arith.constant 0 : i32
      %dma_wait3A_101 = tpu.memref_slice %arg7[%mul3A_99, %dma_wait3A_100] : memref<40x128xi32, #tpu.memory_space<vmem>> -> memref<1x128xi32, #tpu.memory_space<vmem>>
      %dma_wait3A_102 = tpu.memref_squeeze %dma_wait3A_101 : memref<1x128xi32, #tpu.memory_space<vmem>> -> memref<128xi32, #tpu.memory_space<vmem>>
      %dma_wait3A_103 = arith.constant 0 : i32
      %dma_wait3A_104 = arith.constant 0 : i32
      %dma_wait3A_105 = tpu.memref_slice %arg2[%dma_wait3A_103, %dma_wait3A_104] : memref<10000x128xf32, #tpu.memory_space<hbm>> -> memref<10000x128xf32, #tpu.memory_space<hbm>>
      tpu.wait_indirect_dma semaphore(%arg11 : memref<!tpu.dma_semaphore, #tpu.memory_space<semaphore_mem>>) src(%dma_wait3A_105 : memref<10000x128xf32, #tpu.memory_space<hbm>>) dst(%arg9 : memref<128x128xf32, #tpu.memory_space<vmem>>)
      "tpu.region"() ({
        %run_scoped3A_132 = tpu.sem_alloc : memref<!tpu.dma_semaphore, #tpu.memory_space<semaphore_mem>>
        %dma_start3A_133 = arith.constant 0 : i32
        %dma_start3A_134 = tpu.memref_slice %arg8[%mul3A_99, %dma_start3A_133] : memref<40x128xi32, #tpu.memory_space<vmem>> -> memref<1x128xi32, #tpu.memory_space<vmem>>
        %dma_start3A_135 = tpu.memref_squeeze %dma_start3A_134 : memref<1x128xi32, #tpu.memory_space<vmem>> -> memref<128xi32, #tpu.memory_space<vmem>>
        %dma_start3A_136 = arith.constant 0 : i32
        %dma_start3A_137 = arith.constant 0 : i32
        %dma_start3A_138 = tpu.memref_slice %arg6[%dma_start3A_136, %dma_start3A_137] : memref<10240x128xf32, #tpu.memory_space<vmem_shared>> -> memref<10240x128xf32, #tpu.memory_space<vmem_shared>>
        tpu.enqueue_indirect_dma source(%arg9 : memref<128x128xf32, #tpu.memory_space<vmem>>) target(%dma_start3A_138 : memref<10240x128xf32, #tpu.memory_space<vmem_shared>>) offsets(%dma_start3A_135 : memref<128xi32, #tpu.memory_space<vmem>>) semaphore(%run_scoped3A_132 : memref<!tpu.dma_semaphore, #tpu.memory_space<semaphore_mem>>) {add = true}
        %dma_wait3A_139 = arith.constant 0 : i32
        %dma_wait3A_140 = tpu.memref_slice %arg8[%mul3A_99, %dma_wait3A_139] : memref<40x128xi32, #tpu.memory_space<vmem>> -> memref<1x128xi32, #tpu.memory_space<vmem>>
        %dma_wait3A_141 = tpu.memref_squeeze %dma_wait3A_140 : memref<1x128xi32, #tpu.memory_space<vmem>> -> memref<128xi32, #tpu.memory_space<vmem>>
        %dma_wait3A_142 = arith.constant 0 : i32
        %dma_wait3A_143 = arith.constant 0 : i32
        %dma_wait3A_144 = tpu.memref_slice %arg6[%dma_wait3A_142, %dma_wait3A_143] : memref<10240x128xf32, #tpu.memory_space<vmem_shared>> -> memref<10240x128xf32, #tpu.memory_space<vmem_shared>>
        tpu.wait_indirect_dma semaphore(%run_scoped3A_132 : memref<!tpu.dma_semaphore, #tpu.memory_space<semaphore_mem>>) src(%arg9 : memref<128x128xf32, #tpu.memory_space<vmem>>) dst(%dma_wait3A_144 : memref<10240x128xf32, #tpu.memory_space<vmem_shared>>)
        tpu.yield
      }) : () -> ()
      %add3A_106 = arith.constant 2 : i32
      %add3A_107 = arith.addi %mul3A_99, %add3A_106 : i32
      %dma_start3A_108 = arith.constant 0 : i32
      %dma_start3A_109 = tpu.memref_slice %arg7[%add3A_107, %dma_start3A_108] : memref<40x128xi32, #tpu.memory_space<vmem>> -> memref<1x128xi32, #tpu.memory_space<vmem>>
      %dma_start3A_110 = tpu.memref_squeeze %dma_start3A_109 : memref<1x128xi32, #tpu.memory_space<vmem>> -> memref<128xi32, #tpu.memory_space<vmem>>
      %dma_start3A_111 = arith.constant 0 : i32
      %dma_start3A_112 = arith.constant 0 : i32
      %dma_start3A_113 = tpu.memref_slice %arg2[%dma_start3A_111, %dma_start3A_112] : memref<10000x128xf32, #tpu.memory_space<hbm>> -> memref<10000x128xf32, #tpu.memory_space<hbm>>
      tpu.enqueue_indirect_dma source(%dma_start3A_113 : memref<10000x128xf32, #tpu.memory_space<hbm>>) target(%arg9 : memref<128x128xf32, #tpu.memory_space<vmem>>) offsets(%dma_start3A_110 : memref<128xi32, #tpu.memory_space<vmem>>) semaphore(%arg11 : memref<!tpu.dma_semaphore, #tpu.memory_space<semaphore_mem>>)
      %add3A_114 = arith.constant 1 : i32
      %add3A_115 = arith.addi %mul3A_99, %add3A_114 : i32
      %dma_wait3A_116 = arith.constant 0 : i32
      %dma_wait3A_117 = tpu.memref_slice %arg7[%add3A_115, %dma_wait3A_116] : memref<40x128xi32, #tpu.memory_space<vmem>> -> memref<1x128xi32, #tpu.memory_space<vmem>>
      %dma_wait3A_118 = tpu.memref_squeeze %dma_wait3A_117 : memref<1x128xi32, #tpu.memory_space<vmem>> -> memref<128xi32, #tpu.memory_space<vmem>>
      %dma_wait3A_119 = arith.constant 0 : i32
      %dma_wait3A_120 = arith.constant 0 : i32
      %dma_wait3A_121 = tpu.memref_slice %arg2[%dma_wait3A_119, %dma_wait3A_120] : memref<10000x128xf32, #tpu.memory_space<hbm>> -> memref<10000x128xf32, #tpu.memory_space<hbm>>
      tpu.wait_indirect_dma semaphore(%arg12 : memref<!tpu.dma_semaphore, #tpu.memory_space<semaphore_mem>>) src(%dma_wait3A_121 : memref<10000x128xf32, #tpu.memory_space<hbm>>) dst(%arg10 : memref<128x128xf32, #tpu.memory_space<vmem>>)
      %add3A_122 = arith.constant 1 : i32
      %add3A_123 = arith.addi %mul3A_99, %add3A_122 : i32
      "tpu.region"() ({
        %run_scoped3A_132 = tpu.sem_alloc : memref<!tpu.dma_semaphore, #tpu.memory_space<semaphore_mem>>
        %dma_start3A_133 = arith.constant 0 : i32
        %dma_start3A_134 = tpu.memref_slice %arg8[%add3A_123, %dma_start3A_133] : memref<40x128xi32, #tpu.memory_space<vmem>> -> memref<1x128xi32, #tpu.memory_space<vmem>>
        %dma_start3A_135 = tpu.memref_squeeze %dma_start3A_134 : memref<1x128xi32, #tpu.memory_space<vmem>> -> memref<128xi32, #tpu.memory_space<vmem>>
        %dma_start3A_136 = arith.constant 0 : i32
        %dma_start3A_137 = arith.constant 0 : i32
        %dma_start3A_138 = tpu.memref_slice %arg6[%dma_start3A_136, %dma_start3A_137] : memref<10240x128xf32, #tpu.memory_space<vmem_shared>> -> memref<10240x128xf32, #tpu.memory_space<vmem_shared>>
        tpu.enqueue_indirect_dma source(%arg10 : memref<128x128xf32, #tpu.memory_space<vmem>>) target(%dma_start3A_138 : memref<10240x128xf32, #tpu.memory_space<vmem_shared>>) offsets(%dma_start3A_135 : memref<128xi32, #tpu.memory_space<vmem>>) semaphore(%run_scoped3A_132 : memref<!tpu.dma_semaphore, #tpu.memory_space<semaphore_mem>>) {add = true}
        %dma_wait3A_139 = arith.constant 0 : i32
        %dma_wait3A_140 = tpu.memref_slice %arg8[%add3A_123, %dma_wait3A_139] : memref<40x128xi32, #tpu.memory_space<vmem>> -> memref<1x128xi32, #tpu.memory_space<vmem>>
        %dma_wait3A_141 = tpu.memref_squeeze %dma_wait3A_140 : memref<1x128xi32, #tpu.memory_space<vmem>> -> memref<128xi32, #tpu.memory_space<vmem>>
        %dma_wait3A_142 = arith.constant 0 : i32
        %dma_wait3A_143 = arith.constant 0 : i32
        %dma_wait3A_144 = tpu.memref_slice %arg6[%dma_wait3A_142, %dma_wait3A_143] : memref<10240x128xf32, #tpu.memory_space<vmem_shared>> -> memref<10240x128xf32, #tpu.memory_space<vmem_shared>>
        tpu.wait_indirect_dma semaphore(%run_scoped3A_132 : memref<!tpu.dma_semaphore, #tpu.memory_space<semaphore_mem>>) src(%arg10 : memref<128x128xf32, #tpu.memory_space<vmem>>) dst(%dma_wait3A_144 : memref<10240x128xf32, #tpu.memory_space<vmem_shared>>)
        tpu.yield
      }) : () -> ()
      %add3A_124 = arith.constant 3 : i32
      %add3A_125 = arith.addi %mul3A_99, %add3A_124 : i32
      %dma_start3A_126 = arith.constant 0 : i32
      %dma_start3A_127 = tpu.memref_slice %arg7[%add3A_125, %dma_start3A_126] : memref<40x128xi32, #tpu.memory_space<vmem>> -> memref<1x128xi32, #tpu.memory_space<vmem>>
      %dma_start3A_128 = tpu.memref_squeeze %dma_start3A_127 : memref<1x128xi32, #tpu.memory_space<vmem>> -> memref<128xi32, #tpu.memory_space<vmem>>
      %dma_start3A_129 = arith.constant 0 : i32
      %dma_start3A_130 = arith.constant 0 : i32
      %dma_start3A_131 = tpu.memref_slice %arg2[%dma_start3A_129, %dma_start3A_130] : memref<10000x128xf32, #tpu.memory_space<hbm>> -> memref<10000x128xf32, #tpu.memory_space<hbm>>
      tpu.enqueue_indirect_dma source(%dma_start3A_131 : memref<10000x128xf32, #tpu.memory_space<hbm>>) target(%arg10 : memref<128x128xf32, #tpu.memory_space<vmem>>) offsets(%dma_start3A_128 : memref<128xi32, #tpu.memory_space<vmem>>) semaphore(%arg12 : memref<!tpu.dma_semaphore, #tpu.memory_space<semaphore_mem>>)
    }
    %scan3A_41 = arith.constant 19 : i32
    %dma_wait3A = arith.constant 38 : i32
    %dma_wait3A_42 = arith.constant 0 : i32
    %dma_wait3A_43 = tpu.memref_slice %arg7[%dma_wait3A, %dma_wait3A_42] : memref<40x128xi32, #tpu.memory_space<vmem>> -> memref<1x128xi32, #tpu.memory_space<vmem>>
    %dma_wait3A_44 = tpu.memref_squeeze %dma_wait3A_43 : memref<1x128xi32, #tpu.memory_space<vmem>> -> memref<128xi32, #tpu.memory_space<vmem>>
    %dma_wait3A_45 = arith.constant 0 : i32
    %dma_wait3A_46 = arith.constant 0 : i32
    %dma_wait3A_47 = tpu.memref_slice %arg2[%dma_wait3A_45, %dma_wait3A_46] : memref<10000x128xf32, #tpu.memory_space<hbm>> -> memref<10000x128xf32, #tpu.memory_space<hbm>>
    tpu.wait_indirect_dma semaphore(%arg11 : memref<!tpu.dma_semaphore, #tpu.memory_space<semaphore_mem>>) src(%dma_wait3A_47 : memref<10000x128xf32, #tpu.memory_space<hbm>>) dst(%arg9 : memref<128x128xf32, #tpu.memory_space<vmem>>)
    %run_scoped3A = arith.constant 38 : i32
    "tpu.region"() ({
      %run_scoped3A_97 = tpu.sem_alloc : memref<!tpu.dma_semaphore, #tpu.memory_space<semaphore_mem>>
      %dma_start3A_98 = arith.constant 0 : i32
      %dma_start3A_99 = tpu.memref_slice %arg8[%run_scoped3A, %dma_start3A_98] : memref<40x128xi32, #tpu.memory_space<vmem>> -> memref<1x128xi32, #tpu.memory_space<vmem>>
      %dma_start3A_100 = tpu.memref_squeeze %dma_start3A_99 : memref<1x128xi32, #tpu.memory_space<vmem>> -> memref<128xi32, #tpu.memory_space<vmem>>
      %dma_start3A_101 = arith.constant 0 : i32
      %dma_start3A_102 = arith.constant 0 : i32
      %dma_start3A_103 = tpu.memref_slice %arg6[%dma_start3A_101, %dma_start3A_102] : memref<10240x128xf32, #tpu.memory_space<vmem_shared>> -> memref<10240x128xf32, #tpu.memory_space<vmem_shared>>
      tpu.enqueue_indirect_dma source(%arg9 : memref<128x128xf32, #tpu.memory_space<vmem>>) target(%dma_start3A_103 : memref<10240x128xf32, #tpu.memory_space<vmem_shared>>) offsets(%dma_start3A_100 : memref<128xi32, #tpu.memory_space<vmem>>) semaphore(%run_scoped3A_97 : memref<!tpu.dma_semaphore, #tpu.memory_space<semaphore_mem>>) {add = true}
      %dma_wait3A_104 = arith.constant 0 : i32
      %dma_wait3A_105 = tpu.memref_slice %arg8[%run_scoped3A, %dma_wait3A_104] : memref<40x128xi32, #tpu.memory_space<vmem>> -> memref<1x128xi32, #tpu.memory_space<vmem>>
      %dma_wait3A_106 = tpu.memref_squeeze %dma_wait3A_105 : memref<1x128xi32, #tpu.memory_space<vmem>> -> memref<128xi32, #tpu.memory_space<vmem>>
      %dma_wait3A_107 = arith.constant 0 : i32
      %dma_wait3A_108 = arith.constant 0 : i32
      %dma_wait3A_109 = tpu.memref_slice %arg6[%dma_wait3A_107, %dma_wait3A_108] : memref<10240x128xf32, #tpu.memory_space<vmem_shared>> -> memref<10240x128xf32, #tpu.memory_space<vmem_shared>>
      tpu.wait_indirect_dma semaphore(%run_scoped3A_97 : memref<!tpu.dma_semaphore, #tpu.memory_space<semaphore_mem>>) src(%arg9 : memref<128x128xf32, #tpu.memory_space<vmem>>) dst(%dma_wait3A_109 : memref<10240x128xf32, #tpu.memory_space<vmem_shared>>)
      tpu.yield
    }) : () -> ()
    %dma_wait3A_48 = arith.constant 39 : i32
    %dma_wait3A_49 = arith.constant 0 : i32
    %dma_wait3A_50 = tpu.memref_slice %arg7[%dma_wait3A_48, %dma_wait3A_49] : memref<40x128xi32, #tpu.memory_space<vmem>> -> memref<1x128xi32, #tpu.memory_space<vmem>>
    %dma_wait3A_51 = tpu.memref_squeeze %dma_wait3A_50 : memref<1x128xi32, #tpu.memory_space<vmem>> -> memref<128xi32, #tpu.memory_space<vmem>>
    %dma_wait3A_52 = arith.constant 0 : i32
    %dma_wait3A_53 = arith.constant 0 : i32
    %dma_wait3A_54 = tpu.memref_slice %arg2[%dma_wait3A_52, %dma_wait3A_53] : memref<10000x128xf32, #tpu.memory_space<hbm>> -> memref<10000x128xf32, #tpu.memory_space<hbm>>
    tpu.wait_indirect_dma semaphore(%arg12 : memref<!tpu.dma_semaphore, #tpu.memory_space<semaphore_mem>>) src(%dma_wait3A_54 : memref<10000x128xf32, #tpu.memory_space<hbm>>) dst(%arg10 : memref<128x128xf32, #tpu.memory_space<vmem>>)
    %run_scoped3A_55 = arith.constant 39 : i32
    "tpu.region"() ({
      %run_scoped3A_97 = tpu.sem_alloc : memref<!tpu.dma_semaphore, #tpu.memory_space<semaphore_mem>>
      %dma_start3A_98 = arith.constant 0 : i32
      %dma_start3A_99 = tpu.memref_slice %arg8[%run_scoped3A_55, %dma_start3A_98] : memref<40x128xi32, #tpu.memory_space<vmem>> -> memref<1x128xi32, #tpu.memory_space<vmem>>
      %dma_start3A_100 = tpu.memref_squeeze %dma_start3A_99 : memref<1x128xi32, #tpu.memory_space<vmem>> -> memref<128xi32, #tpu.memory_space<vmem>>
      %dma_start3A_101 = arith.constant 0 : i32
      %dma_start3A_102 = arith.constant 0 : i32
      %dma_start3A_103 = tpu.memref_slice %arg6[%dma_start3A_101, %dma_start3A_102] : memref<10240x128xf32, #tpu.memory_space<vmem_shared>> -> memref<10240x128xf32, #tpu.memory_space<vmem_shared>>
      tpu.enqueue_indirect_dma source(%arg10 : memref<128x128xf32, #tpu.memory_space<vmem>>) target(%dma_start3A_103 : memref<10240x128xf32, #tpu.memory_space<vmem_shared>>) offsets(%dma_start3A_100 : memref<128xi32, #tpu.memory_space<vmem>>) semaphore(%run_scoped3A_97 : memref<!tpu.dma_semaphore, #tpu.memory_space<semaphore_mem>>) {add = true}
      %dma_wait3A_104 = arith.constant 0 : i32
      %dma_wait3A_105 = tpu.memref_slice %arg8[%run_scoped3A_55, %dma_wait3A_104] : memref<40x128xi32, #tpu.memory_space<vmem>> -> memref<1x128xi32, #tpu.memory_space<vmem>>
      %dma_wait3A_106 = tpu.memref_squeeze %dma_wait3A_105 : memref<1x128xi32, #tpu.memory_space<vmem>> -> memref<128xi32, #tpu.memory_space<vmem>>
      %dma_wait3A_107 = arith.constant 0 : i32
      %dma_wait3A_108 = arith.constant 0 : i32
      %dma_wait3A_109 = tpu.memref_slice %arg6[%dma_wait3A_107, %dma_wait3A_108] : memref<10240x128xf32, #tpu.memory_space<vmem_shared>> -> memref<10240x128xf32, #tpu.memory_space<vmem_shared>>
      tpu.wait_indirect_dma semaphore(%run_scoped3A_97 : memref<!tpu.dma_semaphore, #tpu.memory_space<semaphore_mem>>) src(%arg10 : memref<128x128xf32, #tpu.memory_space<vmem>>) dst(%dma_wait3A_109 : memref<10240x128xf32, #tpu.memory_space<vmem_shared>>)
      tpu.yield
    }) : () -> ()
    %mul3A_56 = arith.constant 80 : i32
    %mul3A_57 = arith.muli %add3A, %mul3A_56 : i32
    %add3A_58 = arith.constant 40 : i32
    %add3A_59 = arith.addi %mul3A_57, %add3A_58 : i32
    "tpu.region"() ({
      %run_scoped3A_97 = tpu.sem_alloc : memref<!tpu.dma_semaphore, #tpu.memory_space<semaphore_mem>>
      %dma_start3A_98 = arith.constant 0 : i32
      %dma_start3A_99 = tpu.memref_slice %arg3[%add3A_59, %dma_start3A_98] : memref<2560x128xi32, #tpu.memory_space<hbm>> -> memref<40x128xi32, #tpu.memory_space<hbm>>
      %dma_start3A_100 = arith.constant 0 : i32
      %dma_start3A_101 = tpu.memref_slice %arg3[%add3A_59, %dma_start3A_100] : memref<2560x128xi32, #tpu.memory_space<hbm>> -> memref<40x128xi32, #tpu.memory_space<hbm>>
      tpu.enqueue_dma source(%dma_start3A_101 : memref<40x128xi32, #tpu.memory_space<hbm>>) target(%arg7 : memref<40x128xi32, #tpu.memory_space<vmem>>) target_semaphore(%run_scoped3A_97 : memref<!tpu.dma_semaphore, #tpu.memory_space<semaphore_mem>>)
      %dma_wait3A_102 = arith.constant 0 : i32
      %dma_wait3A_103 = tpu.memref_slice %arg3[%add3A_59, %dma_wait3A_102] : memref<2560x128xi32, #tpu.memory_space<hbm>> -> memref<40x128xi32, #tpu.memory_space<hbm>>
      %dma_wait3A_104 = arith.constant 0 : i32
      %dma_wait3A_105 = tpu.memref_slice %arg3[%add3A_59, %dma_wait3A_104] : memref<2560x128xi32, #tpu.memory_space<hbm>> -> memref<40x128xi32, #tpu.memory_space<hbm>>
      tpu.wait_dma2 semaphore(%run_scoped3A_97 : memref<!tpu.dma_semaphore, #tpu.memory_space<semaphore_mem>>) src(%dma_wait3A_105 : memref<40x128xi32, #tpu.memory_space<hbm>>) dst(%arg7 : memref<40x128xi32, #tpu.memory_space<vmem>>)
      tpu.yield
    }) : () -> ()
    "tpu.region"() ({
      %run_scoped3A_97 = tpu.sem_alloc : memref<!tpu.dma_semaphore, #tpu.memory_space<semaphore_mem>>
      %dma_start3A_98 = arith.constant 0 : i32
      %dma_start3A_99 = tpu.memref_slice %arg4[%add3A_59, %dma_start3A_98] : memref<2560x128xi32, #tpu.memory_space<hbm>> -> memref<40x128xi32, #tpu.memory_space<hbm>>
      %dma_start3A_100 = arith.constant 0 : i32
      %dma_start3A_101 = tpu.memref_slice %arg4[%add3A_59, %dma_start3A_100] : memref<2560x128xi32, #tpu.memory_space<hbm>> -> memref<40x128xi32, #tpu.memory_space<hbm>>
      tpu.enqueue_dma source(%dma_start3A_101 : memref<40x128xi32, #tpu.memory_space<hbm>>) target(%arg8 : memref<40x128xi32, #tpu.memory_space<vmem>>) target_semaphore(%run_scoped3A_97 : memref<!tpu.dma_semaphore, #tpu.memory_space<semaphore_mem>>)
      %dma_wait3A_102 = arith.constant 0 : i32
      %dma_wait3A_103 = tpu.memref_slice %arg4[%add3A_59, %dma_wait3A_102] : memref<2560x128xi32, #tpu.memory_space<hbm>> -> memref<40x128xi32, #tpu.memory_space<hbm>>
      %dma_wait3A_104 = arith.constant 0 : i32
      %dma_wait3A_105 = tpu.memref_slice %arg4[%add3A_59, %dma_wait3A_104] : memref<2560x128xi32, #tpu.memory_space<hbm>> -> memref<40x128xi32, #tpu.memory_space<hbm>>
      tpu.wait_dma2 semaphore(%run_scoped3A_97 : memref<!tpu.dma_semaphore, #tpu.memory_space<semaphore_mem>>) src(%dma_wait3A_105 : memref<40x128xi32, #tpu.memory_space<hbm>>) dst(%arg8 : memref<40x128xi32, #tpu.memory_space<vmem>>)
      tpu.yield
    }) : () -> ()
    %dma_start3A_60 = arith.constant 0 : i32
    %dma_start3A_61 = arith.constant 0 : i32
    %dma_start3A_62 = tpu.memref_slice %arg7[%dma_start3A_60, %dma_start3A_61] : memref<40x128xi32, #tpu.memory_space<vmem>> -> memref<1x128xi32, #tpu.memory_space<vmem>>
    %dma_start3A_63 = tpu.memref_squeeze %dma_start3A_62 : memref<1x128xi32, #tpu.memory_space<vmem>> -> memref<128xi32, #tpu.memory_space<vmem>>
    %dma_start3A_64 = arith.constant 0 : i32
    %dma_start3A_65 = arith.constant 0 : i32
    %dma_start3A_66 = tpu.memref_slice %arg2[%dma_start3A_64, %dma_start3A_65] : memref<10000x128xf32, #tpu.memory_space<hbm>> -> memref<10000x128xf32, #tpu.memory_space<hbm>>
    tpu.enqueue_indirect_dma source(%dma_start3A_66 : memref<10000x128xf32, #tpu.memory_space<hbm>>) target(%arg9 : memref<128x128xf32, #tpu.memory_space<vmem>>) offsets(%dma_start3A_63 : memref<128xi32, #tpu.memory_space<vmem>>) semaphore(%arg11 : memref<!tpu.dma_semaphore, #tpu.memory_space<semaphore_mem>>)
    %dma_start3A_67 = arith.constant 1 : i32
    %dma_start3A_68 = arith.constant 0 : i32
    %dma_start3A_69 = tpu.memref_slice %arg7[%dma_start3A_67, %dma_start3A_68] : memref<40x128xi32, #tpu.memory_space<vmem>> -> memref<1x128xi32, #tpu.memory_space<vmem>>
    %dma_start3A_70 = tpu.memref_squeeze %dma_start3A_69 : memref<1x128xi32, #tpu.memory_space<vmem>> -> memref<128xi32, #tpu.memory_space<vmem>>
    %dma_start3A_71 = arith.constant 0 : i32
    %dma_start3A_72 = arith.constant 0 : i32
    %dma_start3A_73 = tpu.memref_slice %arg2[%dma_start3A_71, %dma_start3A_72] : memref<10000x128xf32, #tpu.memory_space<hbm>> -> memref<10000x128xf32, #tpu.memory_space<hbm>>
    tpu.enqueue_indirect_dma source(%dma_start3A_73 : memref<10000x128xf32, #tpu.memory_space<hbm>>) target(%arg10 : memref<128x128xf32, #tpu.memory_space<vmem>>) offsets(%dma_start3A_70 : memref<128xi32, #tpu.memory_space<vmem>>) semaphore(%arg12 : memref<!tpu.dma_semaphore, #tpu.memory_space<semaphore_mem>>)
    %scan3A_74 = arith.constant 0 : i32
    %scan3A_75 = arith.constant 0 : i32
    %scan3A_76 = arith.constant 19 : i32
    %scan3A_77 = arith.addi %scan3A_75, %scan3A_76 : i32
    %scan3A_78 = arith.constant 1 : i32
    scf.for %scan3A_97 = %scan3A_75 to %scan3A_77 step %scan3A_78  : i32 {
      %mul3A_98 = arith.constant 2 : i32
      %mul3A_99 = arith.muli %mul3A_98, %scan3A_97 : i32
      %dma_wait3A_100 = arith.constant 0 : i32
      %dma_wait3A_101 = tpu.memref_slice %arg7[%mul3A_99, %dma_wait3A_100] : memref<40x128xi32, #tpu.memory_space<vmem>> -> memref<1x128xi32, #tpu.memory_space<vmem>>
      %dma_wait3A_102 = tpu.memref_squeeze %dma_wait3A_101 : memref<1x128xi32, #tpu.memory_space<vmem>> -> memref<128xi32, #tpu.memory_space<vmem>>
      %dma_wait3A_103 = arith.constant 0 : i32
      %dma_wait3A_104 = arith.constant 0 : i32
      %dma_wait3A_105 = tpu.memref_slice %arg2[%dma_wait3A_103, %dma_wait3A_104] : memref<10000x128xf32, #tpu.memory_space<hbm>> -> memref<10000x128xf32, #tpu.memory_space<hbm>>
      tpu.wait_indirect_dma semaphore(%arg11 : memref<!tpu.dma_semaphore, #tpu.memory_space<semaphore_mem>>) src(%dma_wait3A_105 : memref<10000x128xf32, #tpu.memory_space<hbm>>) dst(%arg9 : memref<128x128xf32, #tpu.memory_space<vmem>>)
      "tpu.region"() ({
        %run_scoped3A_132 = tpu.sem_alloc : memref<!tpu.dma_semaphore, #tpu.memory_space<semaphore_mem>>
        %dma_start3A_133 = arith.constant 0 : i32
        %dma_start3A_134 = tpu.memref_slice %arg8[%mul3A_99, %dma_start3A_133] : memref<40x128xi32, #tpu.memory_space<vmem>> -> memref<1x128xi32, #tpu.memory_space<vmem>>
        %dma_start3A_135 = tpu.memref_squeeze %dma_start3A_134 : memref<1x128xi32, #tpu.memory_space<vmem>> -> memref<128xi32, #tpu.memory_space<vmem>>
        %dma_start3A_136 = arith.constant 0 : i32
        %dma_start3A_137 = arith.constant 0 : i32
        %dma_start3A_138 = tpu.memref_slice %arg6[%dma_start3A_136, %dma_start3A_137] : memref<10240x128xf32, #tpu.memory_space<vmem_shared>> -> memref<10240x128xf32, #tpu.memory_space<vmem_shared>>
        tpu.enqueue_indirect_dma source(%arg9 : memref<128x128xf32, #tpu.memory_space<vmem>>) target(%dma_start3A_138 : memref<10240x128xf32, #tpu.memory_space<vmem_shared>>) offsets(%dma_start3A_135 : memref<128xi32, #tpu.memory_space<vmem>>) semaphore(%run_scoped3A_132 : memref<!tpu.dma_semaphore, #tpu.memory_space<semaphore_mem>>) {add = true}
        %dma_wait3A_139 = arith.constant 0 : i32
        %dma_wait3A_140 = tpu.memref_slice %arg8[%mul3A_99, %dma_wait3A_139] : memref<40x128xi32, #tpu.memory_space<vmem>> -> memref<1x128xi32, #tpu.memory_space<vmem>>
        %dma_wait3A_141 = tpu.memref_squeeze %dma_wait3A_140 : memref<1x128xi32, #tpu.memory_space<vmem>> -> memref<128xi32, #tpu.memory_space<vmem>>
        %dma_wait3A_142 = arith.constant 0 : i32
        %dma_wait3A_143 = arith.constant 0 : i32
        %dma_wait3A_144 = tpu.memref_slice %arg6[%dma_wait3A_142, %dma_wait3A_143] : memref<10240x128xf32, #tpu.memory_space<vmem_shared>> -> memref<10240x128xf32, #tpu.memory_space<vmem_shared>>
        tpu.wait_indirect_dma semaphore(%run_scoped3A_132 : memref<!tpu.dma_semaphore, #tpu.memory_space<semaphore_mem>>) src(%arg9 : memref<128x128xf32, #tpu.memory_space<vmem>>) dst(%dma_wait3A_144 : memref<10240x128xf32, #tpu.memory_space<vmem_shared>>)
        tpu.yield
      }) : () -> ()
      %add3A_106 = arith.constant 2 : i32
      %add3A_107 = arith.addi %mul3A_99, %add3A_106 : i32
      %dma_start3A_108 = arith.constant 0 : i32
      %dma_start3A_109 = tpu.memref_slice %arg7[%add3A_107, %dma_start3A_108] : memref<40x128xi32, #tpu.memory_space<vmem>> -> memref<1x128xi32, #tpu.memory_space<vmem>>
      %dma_start3A_110 = tpu.memref_squeeze %dma_start3A_109 : memref<1x128xi32, #tpu.memory_space<vmem>> -> memref<128xi32, #tpu.memory_space<vmem>>
      %dma_start3A_111 = arith.constant 0 : i32
      %dma_start3A_112 = arith.constant 0 : i32
      %dma_start3A_113 = tpu.memref_slice %arg2[%dma_start3A_111, %dma_start3A_112] : memref<10000x128xf32, #tpu.memory_space<hbm>> -> memref<10000x128xf32, #tpu.memory_space<hbm>>
      tpu.enqueue_indirect_dma source(%dma_start3A_113 : memref<10000x128xf32, #tpu.memory_space<hbm>>) target(%arg9 : memref<128x128xf32, #tpu.memory_space<vmem>>) offsets(%dma_start3A_110 : memref<128xi32, #tpu.memory_space<vmem>>) semaphore(%arg11 : memref<!tpu.dma_semaphore, #tpu.memory_space<semaphore_mem>>)
      %add3A_114 = arith.constant 1 : i32
      %add3A_115 = arith.addi %mul3A_99, %add3A_114 : i32
      %dma_wait3A_116 = arith.constant 0 : i32
      %dma_wait3A_117 = tpu.memref_slice %arg7[%add3A_115, %dma_wait3A_116] : memref<40x128xi32, #tpu.memory_space<vmem>> -> memref<1x128xi32, #tpu.memory_space<vmem>>
      %dma_wait3A_118 = tpu.memref_squeeze %dma_wait3A_117 : memref<1x128xi32, #tpu.memory_space<vmem>> -> memref<128xi32, #tpu.memory_space<vmem>>
      %dma_wait3A_119 = arith.constant 0 : i32
      %dma_wait3A_120 = arith.constant 0 : i32
      %dma_wait3A_121 = tpu.memref_slice %arg2[%dma_wait3A_119, %dma_wait3A_120] : memref<10000x128xf32, #tpu.memory_space<hbm>> -> memref<10000x128xf32, #tpu.memory_space<hbm>>
      tpu.wait_indirect_dma semaphore(%arg12 : memref<!tpu.dma_semaphore, #tpu.memory_space<semaphore_mem>>) src(%dma_wait3A_121 : memref<10000x128xf32, #tpu.memory_space<hbm>>) dst(%arg10 : memref<128x128xf32, #tpu.memory_space<vmem>>)
      %add3A_122 = arith.constant 1 : i32
      %add3A_123 = arith.addi %mul3A_99, %add3A_122 : i32
      "tpu.region"() ({
        %run_scoped3A_132 = tpu.sem_alloc : memref<!tpu.dma_semaphore, #tpu.memory_space<semaphore_mem>>
        %dma_start3A_133 = arith.constant 0 : i32
        %dma_start3A_134 = tpu.memref_slice %arg8[%add3A_123, %dma_start3A_133] : memref<40x128xi32, #tpu.memory_space<vmem>> -> memref<1x128xi32, #tpu.memory_space<vmem>>
        %dma_start3A_135 = tpu.memref_squeeze %dma_start3A_134 : memref<1x128xi32, #tpu.memory_space<vmem>> -> memref<128xi32, #tpu.memory_space<vmem>>
        %dma_start3A_136 = arith.constant 0 : i32
        %dma_start3A_137 = arith.constant 0 : i32
        %dma_start3A_138 = tpu.memref_slice %arg6[%dma_start3A_136, %dma_start3A_137] : memref<10240x128xf32, #tpu.memory_space<vmem_shared>> -> memref<10240x128xf32, #tpu.memory_space<vmem_shared>>
        tpu.enqueue_indirect_dma source(%arg10 : memref<128x128xf32, #tpu.memory_space<vmem>>) target(%dma_start3A_138 : memref<10240x128xf32, #tpu.memory_space<vmem_shared>>) offsets(%dma_start3A_135 : memref<128xi32, #tpu.memory_space<vmem>>) semaphore(%run_scoped3A_132 : memref<!tpu.dma_semaphore, #tpu.memory_space<semaphore_mem>>) {add = true}
        %dma_wait3A_139 = arith.constant 0 : i32
        %dma_wait3A_140 = tpu.memref_slice %arg8[%add3A_123, %dma_wait3A_139] : memref<40x128xi32, #tpu.memory_space<vmem>> -> memref<1x128xi32, #tpu.memory_space<vmem>>
        %dma_wait3A_141 = tpu.memref_squeeze %dma_wait3A_140 : memref<1x128xi32, #tpu.memory_space<vmem>> -> memref<128xi32, #tpu.memory_space<vmem>>
        %dma_wait3A_142 = arith.constant 0 : i32
        %dma_wait3A_143 = arith.constant 0 : i32
        %dma_wait3A_144 = tpu.memref_slice %arg6[%dma_wait3A_142, %dma_wait3A_143] : memref<10240x128xf32, #tpu.memory_space<vmem_shared>> -> memref<10240x128xf32, #tpu.memory_space<vmem_shared>>
        tpu.wait_indirect_dma semaphore(%run_scoped3A_132 : memref<!tpu.dma_semaphore, #tpu.memory_space<semaphore_mem>>) src(%arg10 : memref<128x128xf32, #tpu.memory_space<vmem>>) dst(%dma_wait3A_144 : memref<10240x128xf32, #tpu.memory_space<vmem_shared>>)
        tpu.yield
      }) : () -> ()
      %add3A_124 = arith.constant 3 : i32
      %add3A_125 = arith.addi %mul3A_99, %add3A_124 : i32
      %dma_start3A_126 = arith.constant 0 : i32
      %dma_start3A_127 = tpu.memref_slice %arg7[%add3A_125, %dma_start3A_126] : memref<40x128xi32, #tpu.memory_space<vmem>> -> memref<1x128xi32, #tpu.memory_space<vmem>>
      %dma_start3A_128 = tpu.memref_squeeze %dma_start3A_127 : memref<1x128xi32, #tpu.memory_space<vmem>> -> memref<128xi32, #tpu.memory_space<vmem>>
      %dma_start3A_129 = arith.constant 0 : i32
      %dma_start3A_130 = arith.constant 0 : i32
      %dma_start3A_131 = tpu.memref_slice %arg2[%dma_start3A_129, %dma_start3A_130] : memref<10000x128xf32, #tpu.memory_space<hbm>> -> memref<10000x128xf32, #tpu.memory_space<hbm>>
      tpu.enqueue_indirect_dma source(%dma_start3A_131 : memref<10000x128xf32, #tpu.memory_space<hbm>>) target(%arg10 : memref<128x128xf32, #tpu.memory_space<vmem>>) offsets(%dma_start3A_128 : memref<128xi32, #tpu.memory_space<vmem>>) semaphore(%arg12 : memref<!tpu.dma_semaphore, #tpu.memory_space<semaphore_mem>>)
    }
    %scan3A_79 = arith.constant 19 : i32
    %dma_wait3A_80 = arith.constant 38 : i32
    %dma_wait3A_81 = arith.constant 0 : i32
    %dma_wait3A_82 = tpu.memref_slice %arg7[%dma_wait3A_80, %dma_wait3A_81] : memref<40x128xi32, #tpu.memory_space<vmem>> -> memref<1x128xi32, #tpu.memory_space<vmem>>
    %dma_wait3A_83 = tpu.memref_squeeze %dma_wait3A_82 : memref<1x128xi32, #tpu.memory_space<vmem>> -> memref<128xi32, #tpu.memory_space<vmem>>
    %dma_wait3A_84 = arith.constant 0 : i32
    %dma_wait3A_85 = arith.constant 0 : i32
    %dma_wait3A_86 = tpu.memref_slice %arg2[%dma_wait3A_84, %dma_wait3A_85] : memref<10000x128xf32, #tpu.memory_space<hbm>> -> memref<10000x128xf32, #tpu.memory_space<hbm>>
    tpu.wait_indirect_dma semaphore(%arg11 : memref<!tpu.dma_semaphore, #tpu.memory_space<semaphore_mem>>) src(%dma_wait3A_86 : memref<10000x128xf32, #tpu.memory_space<hbm>>) dst(%arg9 : memref<128x128xf32, #tpu.memory_space<vmem>>)
    %run_scoped3A_87 = arith.constant 38 : i32
    "tpu.region"() ({
      %run_scoped3A_97 = tpu.sem_alloc : memref<!tpu.dma_semaphore, #tpu.memory_space<semaphore_mem>>
      %dma_start3A_98 = arith.constant 0 : i32
      %dma_start3A_99 = tpu.memref_slice %arg8[%run_scoped3A_87, %dma_start3A_98] : memref<40x128xi32, #tpu.memory_space<vmem>> -> memref<1x128xi32, #tpu.memory_space<vmem>>
      %dma_start3A_100 = tpu.memref_squeeze %dma_start3A_99 : memref<1x128xi32, #tpu.memory_space<vmem>> -> memref<128xi32, #tpu.memory_space<vmem>>
      %dma_start3A_101 = arith.constant 0 : i32
      %dma_start3A_102 = arith.constant 0 : i32
      %dma_start3A_103 = tpu.memref_slice %arg6[%dma_start3A_101, %dma_start3A_102] : memref<10240x128xf32, #tpu.memory_space<vmem_shared>> -> memref<10240x128xf32, #tpu.memory_space<vmem_shared>>
      tpu.enqueue_indirect_dma source(%arg9 : memref<128x128xf32, #tpu.memory_space<vmem>>) target(%dma_start3A_103 : memref<10240x128xf32, #tpu.memory_space<vmem_shared>>) offsets(%dma_start3A_100 : memref<128xi32, #tpu.memory_space<vmem>>) semaphore(%run_scoped3A_97 : memref<!tpu.dma_semaphore, #tpu.memory_space<semaphore_mem>>) {add = true}
      %dma_wait3A_104 = arith.constant 0 : i32
      %dma_wait3A_105 = tpu.memref_slice %arg8[%run_scoped3A_87, %dma_wait3A_104] : memref<40x128xi32, #tpu.memory_space<vmem>> -> memref<1x128xi32, #tpu.memory_space<vmem>>
      %dma_wait3A_106 = tpu.memref_squeeze %dma_wait3A_105 : memref<1x128xi32, #tpu.memory_space<vmem>> -> memref<128xi32, #tpu.memory_space<vmem>>
      %dma_wait3A_107 = arith.constant 0 : i32
      %dma_wait3A_108 = arith.constant 0 : i32
      %dma_wait3A_109 = tpu.memref_slice %arg6[%dma_wait3A_107, %dma_wait3A_108] : memref<10240x128xf32, #tpu.memory_space<vmem_shared>> -> memref<10240x128xf32, #tpu.memory_space<vmem_shared>>
      tpu.wait_indirect_dma semaphore(%run_scoped3A_97 : memref<!tpu.dma_semaphore, #tpu.memory_space<semaphore_mem>>) src(%arg9 : memref<128x128xf32, #tpu.memory_space<vmem>>) dst(%dma_wait3A_109 : memref<10240x128xf32, #tpu.memory_space<vmem_shared>>)
      tpu.yield
    }) : () -> ()
    %dma_wait3A_88 = arith.constant 39 : i32
    %dma_wait3A_89 = arith.constant 0 : i32
    %dma_wait3A_90 = tpu.memref_slice %arg7[%dma_wait3A_88, %dma_wait3A_89] : memref<40x128xi32, #tpu.memory_space<vmem>> -> memref<1x128xi32, #tpu.memory_space<vmem>>
    %dma_wait3A_91 = tpu.memref_squeeze %dma_wait3A_90 : memref<1x128xi32, #tpu.memory_space<vmem>> -> memref<128xi32, #tpu.memory_space<vmem>>
    %dma_wait3A_92 = arith.constant 0 : i32
    %dma_wait3A_93 = arith.constant 0 : i32
    %dma_wait3A_94 = tpu.memref_slice %arg2[%dma_wait3A_92, %dma_wait3A_93] : memref<10000x128xf32, #tpu.memory_space<hbm>> -> memref<10000x128xf32, #tpu.memory_space<hbm>>
    tpu.wait_indirect_dma semaphore(%arg12 : memref<!tpu.dma_semaphore, #tpu.memory_space<semaphore_mem>>) src(%dma_wait3A_94 : memref<10000x128xf32, #tpu.memory_space<hbm>>) dst(%arg10 : memref<128x128xf32, #tpu.memory_space<vmem>>)
    %run_scoped3A_95 = arith.constant 39 : i32
    "tpu.region"() ({
      %run_scoped3A_97 = tpu.sem_alloc : memref<!tpu.dma_semaphore, #tpu.memory_space<semaphore_mem>>
      %dma_start3A_98 = arith.constant 0 : i32
      %dma_start3A_99 = tpu.memref_slice %arg8[%run_scoped3A_95, %dma_start3A_98] : memref<40x128xi32, #tpu.memory_space<vmem>> -> memref<1x128xi32, #tpu.memory_space<vmem>>
      %dma_start3A_100 = tpu.memref_squeeze %dma_start3A_99 : memref<1x128xi32, #tpu.memory_space<vmem>> -> memref<128xi32, #tpu.memory_space<vmem>>
      %dma_start3A_101 = arith.constant 0 : i32
      %dma_start3A_102 = arith.constant 0 : i32
      %dma_start3A_103 = tpu.memref_slice %arg6[%dma_start3A_101, %dma_start3A_102] : memref<10240x128xf32, #tpu.memory_space<vmem_shared>> -> memref<10240x128xf32, #tpu.memory_space<vmem_shared>>
      tpu.enqueue_indirect_dma source(%arg10 : memref<128x128xf32, #tpu.memory_space<vmem>>) target(%dma_start3A_103 : memref<10240x128xf32, #tpu.memory_space<vmem_shared>>) offsets(%dma_start3A_100 : memref<128xi32, #tpu.memory_space<vmem>>) semaphore(%run_scoped3A_97 : memref<!tpu.dma_semaphore, #tpu.memory_space<semaphore_mem>>) {add = true}
      %dma_wait3A_104 = arith.constant 0 : i32
      %dma_wait3A_105 = tpu.memref_slice %arg8[%run_scoped3A_95, %dma_wait3A_104] : memref<40x128xi32, #tpu.memory_space<vmem>> -> memref<1x128xi32, #tpu.memory_space<vmem>>
      %dma_wait3A_106 = tpu.memref_squeeze %dma_wait3A_105 : memref<1x128xi32, #tpu.memory_space<vmem>> -> memref<128xi32, #tpu.memory_space<vmem>>
      %dma_wait3A_107 = arith.constant 0 : i32
      %dma_wait3A_108 = arith.constant 0 : i32
      %dma_wait3A_109 = tpu.memref_slice %arg6[%dma_wait3A_107, %dma_wait3A_108] : memref<10240x128xf32, #tpu.memory_space<vmem_shared>> -> memref<10240x128xf32, #tpu.memory_space<vmem_shared>>
      tpu.wait_indirect_dma semaphore(%run_scoped3A_97 : memref<!tpu.dma_semaphore, #tpu.memory_space<semaphore_mem>>) src(%arg10 : memref<128x128xf32, #tpu.memory_space<vmem>>) dst(%dma_wait3A_109 : memref<10240x128xf32, #tpu.memory_space<vmem_shared>>)
      tpu.yield
    }) : () -> ()
    %barrier3A_96 = arith.constant 0 : index
    tpu.barrier barrier_id(%barrier3A_96)
    "tpu.region"() ({
      %run_scoped3A_97 = tpu.sem_alloc : memref<!tpu.dma_semaphore, #tpu.memory_space<semaphore_mem>>
      %dma_start3A_98 = arith.constant 0 : i32
      %dma_start3A_99 = tpu.memref_slice %arg5[%arg0, %mul3A_8, %dma_start3A_98] : memref<2x10240x128xf32, #tpu.memory_space<hbm>> -> memref<1x640x128xf32, #tpu.memory_space<hbm>>
      %dma_start3A_100 = tpu.memref_squeeze %dma_start3A_99 : memref<1x640x128xf32, #tpu.memory_space<hbm>> -> memref<640x128xf32, #tpu.memory_space<hbm>>
      %dma_start3A_101 = arith.constant 0 : i32
      %dma_start3A_102 = tpu.memref_slice %arg6[%mul3A_8, %dma_start3A_101] : memref<10240x128xf32, #tpu.memory_space<vmem_shared>> -> memref<640x128xf32, #tpu.memory_space<vmem_shared>>
      tpu.enqueue_dma source(%dma_start3A_102 : memref<640x128xf32, #tpu.memory_space<vmem_shared>>) target(%dma_start3A_100 : memref<640x128xf32, #tpu.memory_space<hbm>>) target_semaphore(%run_scoped3A_97 : memref<!tpu.dma_semaphore, #tpu.memory_space<semaphore_mem>>)
      %dma_wait3A_103 = arith.constant 0 : i32
      %dma_wait3A_104 = tpu.memref_slice %arg5[%arg0, %mul3A_8, %dma_wait3A_103] : memref<2x10240x128xf32, #tpu.memory_space<hbm>> -> memref<1x640x128xf32, #tpu.memory_space<hbm>>
      %dma_wait3A_105 = tpu.memref_squeeze %dma_wait3A_104 : memref<1x640x128xf32, #tpu.memory_space<hbm>> -> memref<640x128xf32, #tpu.memory_space<hbm>>
      %dma_wait3A_106 = arith.constant 0 : i32
      %dma_wait3A_107 = tpu.memref_slice %arg6[%mul3A_8, %dma_wait3A_106] : memref<10240x128xf32, #tpu.memory_space<vmem_shared>> -> memref<640x128xf32, #tpu.memory_space<vmem_shared>>
      tpu.wait_dma2 semaphore(%run_scoped3A_97 : memref<!tpu.dma_semaphore, #tpu.memory_space<semaphore_mem>>) src(%dma_wait3A_107 : memref<640x128xf32, #tpu.memory_space<vmem_shared>>) dst(%dma_wait3A_105 : memref<640x128xf32, #tpu.memory_space<hbm>>)
      tpu.yield
    }) : () -> ()
    return
  }
}

#map = affine_map<(d0, d1) -> (0, 0)>
#map1 = affine_map<(d0, d1) -> (0, 0, 0)>
module attributes {stable_mosaic.version = 14 : i64} {
  func.func @_agg_body(%arg0: i32, %arg1: i32, %arg2: memref<10000x128xf32, #tpu.memory_space<hbm>>, %arg3: memref<2560x128xi32, #tpu.memory_space<hbm>>, %arg4: memref<2560x128xi32, #tpu.memory_space<hbm>>, %arg5: memref<2x10240x128xf32, #tpu.memory_space<hbm>>, %arg6: memref<10240x128xf32, #tpu.memory_space<vmem_shared>>, %arg7: memref<40x128xi32, #tpu.memory_space<vmem>>, %arg8: memref<40x128xi32, #tpu.memory_space<vmem>>, %arg9: memref<128x128xf32, #tpu.memory_space<vmem>>, %arg10: memref<128x128xf32, #tpu.memory_space<vmem>>, %arg11: memref<!tpu.dma_semaphore, #tpu.memory_space<semaphore_mem>>, %arg12: memref<!tpu.dma_semaphore, #tpu.memory_space<semaphore_mem>>) attributes {dimension_semantics = [#tpu.dimension_semantics<core_parallel>, #tpu.dimension_semantics<subcore_parallel>], iteration_bounds = array<i64: 2, 16>, scalar_prefetch = 0 : i64, scratch_operands = 7 : i64, tpu.core_type = #tpu.core_type<sc_vector_subcore>, window_params = [{transform_indices = #map}, {transform_indices = #map}, {transform_indices = #map}, {transform_indices = #map1}]} {
    %mul3A = arith.constant 2 : i32
    %mul3A_0 = arith.muli %arg1, %mul3A : i32
    %add3A = arith.addi %mul3A_0, %arg0 : i32
    %broadcast_in_dim3A = arith.constant 0.000000e+00 : f32
    %broadcast_in_dim3A_1 = vector.broadcast %broadcast_in_dim3A : f32 to vector<16xf32>
    %scan3A = arith.constant 0 : i32
    %scan3A_2 = arith.constant 0 : i32
    %scan3A_3 = arith.constant 128 : i32
    %scan3A_4 = arith.addi %scan3A_2, %scan3A_3 : i32
    %scan3A_5 = arith.constant 1 : i32
    scf.for %scan3A_97 = %scan3A_2 to %scan3A_4 step %scan3A_5  : i32 {
      %swap3A = arith.index_cast %scan3A_97 : i32 to index
      %swap3A_98 = arith.constant 0 : index
      %swap3A_99 = tpu.vector_load %arg9[%swap3A, %swap3A_98] {strides = array<i32>} : memref<128x128xf32, #tpu.memory_space<vmem>>, vector<1x16xf32>,
      %swap3A_100 = vector.shape_cast %swap3A_99 : vector<1x16xf32> to vector<16xf32>
      %swap3A_101 = vector.shape_cast %broadcast_in_dim3A_1 : vector<16xf32> to vector<1x16xf32>
      tpu.vector_store %arg9[%swap3A, %swap3A_98], %swap3A_101 {strides = array<i32>} : memref<128x128xf32, #tpu.memory_space<vmem>>, vector<1x16xf32>,
      %swap3A_102 = arith.index_cast %scan3A_97 : i32 to index
      %swap3A_103 = arith.constant 16 : index
      %swap3A_104 = tpu.vector_load %arg9[%swap3A_102, %swap3A_103] {strides = array<i32>} : memref<128x128xf32, #tpu.memory_space<vmem>>, vector<1x16xf32>,
      %swap3A_105 = vector.shape_cast %swap3A_104 : vector<1x16xf32> to vector<16xf32>
      %swap3A_106 = vector.shape_cast %broadcast_in_dim3A_1 : vector<16xf32> to vector<1x16xf32>
      tpu.vector_store %arg9[%swap3A_102, %swap3A_103], %swap3A_106 {strides = array<i32>} : memref<128x128xf32, #tpu.memory_space<vmem>>, vector<1x16xf32>,
      %swap3A_107 = arith.index_cast %scan3A_97 : i32 to index
      %swap3A_108 = arith.constant 32 : index
      %swap3A_109 = tpu.vector_load %arg9[%swap3A_107, %swap3A_108] {strides = array<i32>} : memref<128x128xf32, #tpu.memory_space<vmem>>, vector<1x16xf32>,
      %swap3A_110 = vector.shape_cast %swap3A_109 : vector<1x16xf32> to vector<16xf32>
      %swap3A_111 = vector.shape_cast %broadcast_in_dim3A_1 : vector<16xf32> to vector<1x16xf32>
      tpu.vector_store %arg9[%swap3A_107, %swap3A_108], %swap3A_111 {strides = array<i32>} : memref<128x128xf32, #tpu.memory_space<vmem>>, vector<1x16xf32>,
      %swap3A_112 = arith.index_cast %scan3A_97 : i32 to index
      %swap3A_113 = arith.constant 48 : index
      %swap3A_114 = tpu.vector_load %arg9[%swap3A_112, %swap3A_113] {strides = array<i32>} : memref<128x128xf32, #tpu.memory_space<vmem>>, vector<1x16xf32>,
      %swap3A_115 = vector.shape_cast %swap3A_114 : vector<1x16xf32> to vector<16xf32>
      %swap3A_116 = vector.shape_cast %broadcast_in_dim3A_1 : vector<16xf32> to vector<1x16xf32>
      tpu.vector_store %arg9[%swap3A_112, %swap3A_113], %swap3A_116 {strides = array<i32>} : memref<128x128xf32, #tpu.memory_space<vmem>>, vector<1x16xf32>,
      %swap3A_117 = arith.index_cast %scan3A_97 : i32 to index
      %swap3A_118 = arith.constant 64 : index
      %swap3A_119 = tpu.vector_load %arg9[%swap3A_117, %swap3A_118] {strides = array<i32>} : memref<128x128xf32, #tpu.memory_space<vmem>>, vector<1x16xf32>,
      %swap3A_120 = vector.shape_cast %swap3A_119 : vector<1x16xf32> to vector<16xf32>
      %swap3A_121 = vector.shape_cast %broadcast_in_dim3A_1 : vector<16xf32> to vector<1x16xf32>
      tpu.vector_store %arg9[%swap3A_117, %swap3A_118], %swap3A_121 {strides = array<i32>} : memref<128x128xf32, #tpu.memory_space<vmem>>, vector<1x16xf32>,
      %swap3A_122 = arith.index_cast %scan3A_97 : i32 to index
      %swap3A_123 = arith.constant 80 : index
      %swap3A_124 = tpu.vector_load %arg9[%swap3A_122, %swap3A_123] {strides = array<i32>} : memref<128x128xf32, #tpu.memory_space<vmem>>, vector<1x16xf32>,
      %swap3A_125 = vector.shape_cast %swap3A_124 : vector<1x16xf32> to vector<16xf32>
      %swap3A_126 = vector.shape_cast %broadcast_in_dim3A_1 : vector<16xf32> to vector<1x16xf32>
      tpu.vector_store %arg9[%swap3A_122, %swap3A_123], %swap3A_126 {strides = array<i32>} : memref<128x128xf32, #tpu.memory_space<vmem>>, vector<1x16xf32>,
      %swap3A_127 = arith.index_cast %scan3A_97 : i32 to index
      %swap3A_128 = arith.constant 96 : index
      %swap3A_129 = tpu.vector_load %arg9[%swap3A_127, %swap3A_128] {strides = array<i32>} : memref<128x128xf32, #tpu.memory_space<vmem>>, vector<1x16xf32>,
      %swap3A_130 = vector.shape_cast %swap3A_129 : vector<1x16xf32> to vector<16xf32>
      %swap3A_131 = vector.shape_cast %broadcast_in_dim3A_1 : vector<16xf32> to vector<1x16xf32>
      tpu.vector_store %arg9[%swap3A_127, %swap3A_128], %swap3A_131 {strides = array<i32>} : memref<128x128xf32, #tpu.memory_space<vmem>>, vector<1x16xf32>,
      %swap3A_132 = arith.index_cast %scan3A_97 : i32 to index
      %swap3A_133 = arith.constant 112 : index
      %swap3A_134 = tpu.vector_load %arg9[%swap3A_132, %swap3A_133] {strides = array<i32>} : memref<128x128xf32, #tpu.memory_space<vmem>>, vector<1x16xf32>,
      %swap3A_135 = vector.shape_cast %swap3A_134 : vector<1x16xf32> to vector<16xf32>
      %swap3A_136 = vector.shape_cast %broadcast_in_dim3A_1 : vector<16xf32> to vector<1x16xf32>
      tpu.vector_store %arg9[%swap3A_132, %swap3A_133], %swap3A_136 {strides = array<i32>} : memref<128x128xf32, #tpu.memory_space<vmem>>, vector<1x16xf32>,
    }
    %scan3A_6 = arith.constant 128 : i32
    %mul3A_7 = arith.constant 640 : i32
    %mul3A_8 = arith.muli %arg1, %mul3A_7 : i32
    %add3A_9 = arith.constant 0 : i32
    %add3A_10 = arith.addi %mul3A_8, %add3A_9 : i32
    "tpu.region"() ({
      %run_scoped3A_97 = tpu.sem_alloc : memref<!tpu.dma_semaphore, #tpu.memory_space<semaphore_mem>>
      %dma_start3A_98 = arith.constant 0 : i32
      %dma_start3A_99 = tpu.memref_slice %arg6[%add3A_10, %dma_start3A_98] : memref<10240x128xf32, #tpu.memory_space<vmem_shared>> -> memref<128x128xf32, #tpu.memory_space<vmem_shared>>
      %dma_start3A_100 = arith.constant 0 : i32
      %dma_start3A_101 = tpu.memref_slice %arg6[%add3A_10, %dma_start3A_100] : memref<10240x128xf32, #tpu.memory_space<vmem_shared>> -> memref<128x128xf32, #tpu.memory_space<vmem_shared>>
      tpu.enqueue_dma source(%arg9 : memref<128x128xf32, #tpu.memory_space<vmem>>) target(%dma_start3A_101 : memref<128x128xf32, #tpu.memory_space<vmem_shared>>) target_semaphore(%run_scoped3A_97 : memref<!tpu.dma_semaphore, #tpu.memory_space<semaphore_mem>>)
      %dma_wait3A_102 = arith.constant 0 : i32
      %dma_wait3A_103 = tpu.memref_slice %arg6[%add3A_10, %dma_wait3A_102] : memref<10240x128xf32, #tpu.memory_space<vmem_shared>> -> memref<128x128xf32, #tpu.memory_space<vmem_shared>>
      %dma_wait3A_104 = arith.constant 0 : i32
      %dma_wait3A_105 = tpu.memref_slice %arg6[%add3A_10, %dma_wait3A_104] : memref<10240x128xf32, #tpu.memory_space<vmem_shared>> -> memref<128x128xf32, #tpu.memory_space<vmem_shared>>
      tpu.wait_dma2 semaphore(%run_scoped3A_97 : memref<!tpu.dma_semaphore, #tpu.memory_space<semaphore_mem>>) src(%arg9 : memref<128x128xf32, #tpu.memory_space<vmem>>) dst(%dma_wait3A_105 : memref<128x128xf32, #tpu.memory_space<vmem_shared>>)
      tpu.yield
    }) : () -> ()
    %add3A_11 = arith.constant 128 : i32
    %add3A_12 = arith.addi %mul3A_8, %add3A_11 : i32
    "tpu.region"() ({
      %run_scoped3A_97 = tpu.sem_alloc : memref<!tpu.dma_semaphore, #tpu.memory_space<semaphore_mem>>
      %dma_start3A_98 = arith.constant 0 : i32
      %dma_start3A_99 = tpu.memref_slice %arg6[%add3A_12, %dma_start3A_98] : memref<10240x128xf32, #tpu.memory_space<vmem_shared>> -> memref<128x128xf32, #tpu.memory_space<vmem_shared>>
      %dma_start3A_100 = arith.constant 0 : i32
      %dma_start3A_101 = tpu.memref_slice %arg6[%add3A_12, %dma_start3A_100] : memref<10240x128xf32, #tpu.memory_space<vmem_shared>> -> memref<128x128xf32, #tpu.memory_space<vmem_shared>>
      tpu.enqueue_dma source(%arg9 : memref<128x128xf32, #tpu.memory_space<vmem>>) target(%dma_start3A_101 : memref<128x128xf32, #tpu.memory_space<vmem_shared>>) target_semaphore(%run_scoped3A_97 : memref<!tpu.dma_semaphore, #tpu.memory_space<semaphore_mem>>)
      %dma_wait3A_102 = arith.constant 0 : i32
      %dma_wait3A_103 = tpu.memref_slice %arg6[%add3A_12, %dma_wait3A_102] : memref<10240x128xf32, #tpu.memory_space<vmem_shared>> -> memref<128x128xf32, #tpu.memory_space<vmem_shared>>
      %dma_wait3A_104 = arith.constant 0 : i32
      %dma_wait3A_105 = tpu.memref_slice %arg6[%add3A_12, %dma_wait3A_104] : memref<10240x128xf32, #tpu.memory_space<vmem_shared>> -> memref<128x128xf32, #tpu.memory_space<vmem_shared>>
      tpu.wait_dma2 semaphore(%run_scoped3A_97 : memref<!tpu.dma_semaphore, #tpu.memory_space<semaphore_mem>>) src(%arg9 : memref<128x128xf32, #tpu.memory_space<vmem>>) dst(%dma_wait3A_105 : memref<128x128xf32, #tpu.memory_space<vmem_shared>>)
      tpu.yield
    }) : () -> ()
    %add3A_13 = arith.constant 256 : i32
    %add3A_14 = arith.addi %mul3A_8, %add3A_13 : i32
    "tpu.region"() ({
      %run_scoped3A_97 = tpu.sem_alloc : memref<!tpu.dma_semaphore, #tpu.memory_space<semaphore_mem>>
      %dma_start3A_98 = arith.constant 0 : i32
      %dma_start3A_99 = tpu.memref_slice %arg6[%add3A_14, %dma_start3A_98] : memref<10240x128xf32, #tpu.memory_space<vmem_shared>> -> memref<128x128xf32, #tpu.memory_space<vmem_shared>>
      %dma_start3A_100 = arith.constant 0 : i32
      %dma_start3A_101 = tpu.memref_slice %arg6[%add3A_14, %dma_start3A_100] : memref<10240x128xf32, #tpu.memory_space<vmem_shared>> -> memref<128x128xf32, #tpu.memory_space<vmem_shared>>
      tpu.enqueue_dma source(%arg9 : memref<128x128xf32, #tpu.memory_space<vmem>>) target(%dma_start3A_101 : memref<128x128xf32, #tpu.memory_space<vmem_shared>>) target_semaphore(%run_scoped3A_97 : memref<!tpu.dma_semaphore, #tpu.memory_space<semaphore_mem>>)
      %dma_wait3A_102 = arith.constant 0 : i32
      %dma_wait3A_103 = tpu.memref_slice %arg6[%add3A_14, %dma_wait3A_102] : memref<10240x128xf32, #tpu.memory_space<vmem_shared>> -> memref<128x128xf32, #tpu.memory_space<vmem_shared>>
      %dma_wait3A_104 = arith.constant 0 : i32
      %dma_wait3A_105 = tpu.memref_slice %arg6[%add3A_14, %dma_wait3A_104] : memref<10240x128xf32, #tpu.memory_space<vmem_shared>> -> memref<128x128xf32, #tpu.memory_space<vmem_shared>>
      tpu.wait_dma2 semaphore(%run_scoped3A_97 : memref<!tpu.dma_semaphore, #tpu.memory_space<semaphore_mem>>) src(%arg9 : memref<128x128xf32, #tpu.memory_space<vmem>>) dst(%dma_wait3A_105 : memref<128x128xf32, #tpu.memory_space<vmem_shared>>)
      tpu.yield
    }) : () -> ()
    %add3A_15 = arith.constant 384 : i32
    %add3A_16 = arith.addi %mul3A_8, %add3A_15 : i32
    "tpu.region"() ({
      %run_scoped3A_97 = tpu.sem_alloc : memref<!tpu.dma_semaphore, #tpu.memory_space<semaphore_mem>>
      %dma_start3A_98 = arith.constant 0 : i32
      %dma_start3A_99 = tpu.memref_slice %arg6[%add3A_16, %dma_start3A_98] : memref<10240x128xf32, #tpu.memory_space<vmem_shared>> -> memref<128x128xf32, #tpu.memory_space<vmem_shared>>
      %dma_start3A_100 = arith.constant 0 : i32
      %dma_start3A_101 = tpu.memref_slice %arg6[%add3A_16, %dma_start3A_100] : memref<10240x128xf32, #tpu.memory_space<vmem_shared>> -> memref<128x128xf32, #tpu.memory_space<vmem_shared>>
      tpu.enqueue_dma source(%arg9 : memref<128x128xf32, #tpu.memory_space<vmem>>) target(%dma_start3A_101 : memref<128x128xf32, #tpu.memory_space<vmem_shared>>) target_semaphore(%run_scoped3A_97 : memref<!tpu.dma_semaphore, #tpu.memory_space<semaphore_mem>>)
      %dma_wait3A_102 = arith.constant 0 : i32
      %dma_wait3A_103 = tpu.memref_slice %arg6[%add3A_16, %dma_wait3A_102] : memref<10240x128xf32, #tpu.memory_space<vmem_shared>> -> memref<128x128xf32, #tpu.memory_space<vmem_shared>>
      %dma_wait3A_104 = arith.constant 0 : i32
      %dma_wait3A_105 = tpu.memref_slice %arg6[%add3A_16, %dma_wait3A_104] : memref<10240x128xf32, #tpu.memory_space<vmem_shared>> -> memref<128x128xf32, #tpu.memory_space<vmem_shared>>
      tpu.wait_dma2 semaphore(%run_scoped3A_97 : memref<!tpu.dma_semaphore, #tpu.memory_space<semaphore_mem>>) src(%arg9 : memref<128x128xf32, #tpu.memory_space<vmem>>) dst(%dma_wait3A_105 : memref<128x128xf32, #tpu.memory_space<vmem_shared>>)
      tpu.yield
    }) : () -> ()
    %add3A_17 = arith.constant 512 : i32
    %add3A_18 = arith.addi %mul3A_8, %add3A_17 : i32
    "tpu.region"() ({
      %run_scoped3A_97 = tpu.sem_alloc : memref<!tpu.dma_semaphore, #tpu.memory_space<semaphore_mem>>
      %dma_start3A_98 = arith.constant 0 : i32
      %dma_start3A_99 = tpu.memref_slice %arg6[%add3A_18, %dma_start3A_98] : memref<10240x128xf32, #tpu.memory_space<vmem_shared>> -> memref<128x128xf32, #tpu.memory_space<vmem_shared>>
      %dma_start3A_100 = arith.constant 0 : i32
      %dma_start3A_101 = tpu.memref_slice %arg6[%add3A_18, %dma_start3A_100] : memref<10240x128xf32, #tpu.memory_space<vmem_shared>> -> memref<128x128xf32, #tpu.memory_space<vmem_shared>>
      tpu.enqueue_dma source(%arg9 : memref<128x128xf32, #tpu.memory_space<vmem>>) target(%dma_start3A_101 : memref<128x128xf32, #tpu.memory_space<vmem_shared>>) target_semaphore(%run_scoped3A_97 : memref<!tpu.dma_semaphore, #tpu.memory_space<semaphore_mem>>)
      %dma_wait3A_102 = arith.constant 0 : i32
      %dma_wait3A_103 = tpu.memref_slice %arg6[%add3A_18, %dma_wait3A_102] : memref<10240x128xf32, #tpu.memory_space<vmem_shared>> -> memref<128x128xf32, #tpu.memory_space<vmem_shared>>
      %dma_wait3A_104 = arith.constant 0 : i32
      %dma_wait3A_105 = tpu.memref_slice %arg6[%add3A_18, %dma_wait3A_104] : memref<10240x128xf32, #tpu.memory_space<vmem_shared>> -> memref<128x128xf32, #tpu.memory_space<vmem_shared>>
      tpu.wait_dma2 semaphore(%run_scoped3A_97 : memref<!tpu.dma_semaphore, #tpu.memory_space<semaphore_mem>>) src(%arg9 : memref<128x128xf32, #tpu.memory_space<vmem>>) dst(%dma_wait3A_105 : memref<128x128xf32, #tpu.memory_space<vmem_shared>>)
      tpu.yield
    }) : () -> ()
    %barrier3A = arith.constant 0 : index
    tpu.barrier barrier_id(%barrier3A)
    %mul3A_19 = arith.constant 80 : i32
    %mul3A_20 = arith.muli %add3A, %mul3A_19 : i32
    %add3A_21 = arith.constant 0 : i32
    %add3A_22 = arith.addi %mul3A_20, %add3A_21 : i32
    "tpu.region"() ({
      %run_scoped3A_97 = tpu.sem_alloc : memref<!tpu.dma_semaphore, #tpu.memory_space<semaphore_mem>>
      %dma_start3A_98 = arith.constant 0 : i32
      %dma_start3A_99 = tpu.memref_slice %arg3[%add3A_22, %dma_start3A_98] : memref<2560x128xi32, #tpu.memory_space<hbm>> -> memref<40x128xi32, #tpu.memory_space<hbm>>
      %dma_start3A_100 = arith.constant 0 : i32
      %dma_start3A_101 = tpu.memref_slice %arg3[%add3A_22, %dma_start3A_100] : memref<2560x128xi32, #tpu.memory_space<hbm>> -> memref<40x128xi32, #tpu.memory_space<hbm>>
      tpu.enqueue_dma source(%dma_start3A_101 : memref<40x128xi32, #tpu.memory_space<hbm>>) target(%arg7 : memref<40x128xi32, #tpu.memory_space<vmem>>) target_semaphore(%run_scoped3A_97 : memref<!tpu.dma_semaphore, #tpu.memory_space<semaphore_mem>>)
      %dma_wait3A_102 = arith.constant 0 : i32
      %dma_wait3A_103 = tpu.memref_slice %arg3[%add3A_22, %dma_wait3A_102] : memref<2560x128xi32, #tpu.memory_space<hbm>> -> memref<40x128xi32, #tpu.memory_space<hbm>>
      %dma_wait3A_104 = arith.constant 0 : i32
      %dma_wait3A_105 = tpu.memref_slice %arg3[%add3A_22, %dma_wait3A_104] : memref<2560x128xi32, #tpu.memory_space<hbm>> -> memref<40x128xi32, #tpu.memory_space<hbm>>
      tpu.wait_dma2 semaphore(%run_scoped3A_97 : memref<!tpu.dma_semaphore, #tpu.memory_space<semaphore_mem>>) src(%dma_wait3A_105 : memref<40x128xi32, #tpu.memory_space<hbm>>) dst(%arg7 : memref<40x128xi32, #tpu.memory_space<vmem>>)
      tpu.yield
    }) : () -> ()
    "tpu.region"() ({
      %run_scoped3A_97 = tpu.sem_alloc : memref<!tpu.dma_semaphore, #tpu.memory_space<semaphore_mem>>
      %dma_start3A_98 = arith.constant 0 : i32
      %dma_start3A_99 = tpu.memref_slice %arg4[%add3A_22, %dma_start3A_98] : memref<2560x128xi32, #tpu.memory_space<hbm>> -> memref<40x128xi32, #tpu.memory_space<hbm>>
      %dma_start3A_100 = arith.constant 0 : i32
      %dma_start3A_101 = tpu.memref_slice %arg4[%add3A_22, %dma_start3A_100] : memref<2560x128xi32, #tpu.memory_space<hbm>> -> memref<40x128xi32, #tpu.memory_space<hbm>>
      tpu.enqueue_dma source(%dma_start3A_101 : memref<40x128xi32, #tpu.memory_space<hbm>>) target(%arg8 : memref<40x128xi32, #tpu.memory_space<vmem>>) target_semaphore(%run_scoped3A_97 : memref<!tpu.dma_semaphore, #tpu.memory_space<semaphore_mem>>)
      %dma_wait3A_102 = arith.constant 0 : i32
      %dma_wait3A_103 = tpu.memref_slice %arg4[%add3A_22, %dma_wait3A_102] : memref<2560x128xi32, #tpu.memory_space<hbm>> -> memref<40x128xi32, #tpu.memory_space<hbm>>
      %dma_wait3A_104 = arith.constant 0 : i32
      %dma_wait3A_105 = tpu.memref_slice %arg4[%add3A_22, %dma_wait3A_104] : memref<2560x128xi32, #tpu.memory_space<hbm>> -> memref<40x128xi32, #tpu.memory_space<hbm>>
      tpu.wait_dma2 semaphore(%run_scoped3A_97 : memref<!tpu.dma_semaphore, #tpu.memory_space<semaphore_mem>>) src(%dma_wait3A_105 : memref<40x128xi32, #tpu.memory_space<hbm>>) dst(%arg8 : memref<40x128xi32, #tpu.memory_space<vmem>>)
      tpu.yield
    }) : () -> ()
    %dma_start3A = arith.constant 0 : i32
    %dma_start3A_23 = arith.constant 0 : i32
    %dma_start3A_24 = tpu.memref_slice %arg7[%dma_start3A, %dma_start3A_23] : memref<40x128xi32, #tpu.memory_space<vmem>> -> memref<1x128xi32, #tpu.memory_space<vmem>>
    %dma_start3A_25 = tpu.memref_squeeze %dma_start3A_24 : memref<1x128xi32, #tpu.memory_space<vmem>> -> memref<128xi32, #tpu.memory_space<vmem>>
    %dma_start3A_26 = arith.constant 0 : i32
    %dma_start3A_27 = arith.constant 0 : i32
    %dma_start3A_28 = tpu.memref_slice %arg2[%dma_start3A_26, %dma_start3A_27] : memref<10000x128xf32, #tpu.memory_space<hbm>> -> memref<10000x128xf32, #tpu.memory_space<hbm>>
    tpu.enqueue_indirect_dma source(%dma_start3A_28 : memref<10000x128xf32, #tpu.memory_space<hbm>>) target(%arg9 : memref<128x128xf32, #tpu.memory_space<vmem>>) offsets(%dma_start3A_25 : memref<128xi32, #tpu.memory_space<vmem>>) semaphore(%arg11 : memref<!tpu.dma_semaphore, #tpu.memory_space<semaphore_mem>>)
    %dma_start3A_29 = arith.constant 1 : i32
    %dma_start3A_30 = arith.constant 0 : i32
    %dma_start3A_31 = tpu.memref_slice %arg7[%dma_start3A_29, %dma_start3A_30] : memref<40x128xi32, #tpu.memory_space<vmem>> -> memref<1x128xi32, #tpu.memory_space<vmem>>
    %dma_start3A_32 = tpu.memref_squeeze %dma_start3A_31 : memref<1x128xi32, #tpu.memory_space<vmem>> -> memref<128xi32, #tpu.memory_space<vmem>>
    %dma_start3A_33 = arith.constant 0 : i32
    %dma_start3A_34 = arith.constant 0 : i32
    %dma_start3A_35 = tpu.memref_slice %arg2[%dma_start3A_33, %dma_start3A_34] : memref<10000x128xf32, #tpu.memory_space<hbm>> -> memref<10000x128xf32, #tpu.memory_space<hbm>>
    tpu.enqueue_indirect_dma source(%dma_start3A_35 : memref<10000x128xf32, #tpu.memory_space<hbm>>) target(%arg10 : memref<128x128xf32, #tpu.memory_space<vmem>>) offsets(%dma_start3A_32 : memref<128xi32, #tpu.memory_space<vmem>>) semaphore(%arg12 : memref<!tpu.dma_semaphore, #tpu.memory_space<semaphore_mem>>)
    %scan3A_36 = arith.constant 0 : i32
    %scan3A_37 = arith.constant 0 : i32
    %scan3A_38 = arith.constant 19 : i32
    %scan3A_39 = arith.addi %scan3A_37, %scan3A_38 : i32
    %scan3A_40 = arith.constant 1 : i32
    scf.for %scan3A_97 = %scan3A_37 to %scan3A_39 step %scan3A_40  : i32 {
      %mul3A_98 = arith.constant 2 : i32
      %mul3A_99 = arith.muli %mul3A_98, %scan3A_97 : i32
      %dma_wait3A_100 = arith.constant 0 : i32
      %dma_wait3A_101 = tpu.memref_slice %arg7[%mul3A_99, %dma_wait3A_100] : memref<40x128xi32, #tpu.memory_space<vmem>> -> memref<1x128xi32, #tpu.memory_space<vmem>>
      %dma_wait3A_102 = tpu.memref_squeeze %dma_wait3A_101 : memref<1x128xi32, #tpu.memory_space<vmem>> -> memref<128xi32, #tpu.memory_space<vmem>>
      %dma_wait3A_103 = arith.constant 0 : i32
      %dma_wait3A_104 = arith.constant 0 : i32
      %dma_wait3A_105 = tpu.memref_slice %arg2[%dma_wait3A_103, %dma_wait3A_104] : memref<10000x128xf32, #tpu.memory_space<hbm>> -> memref<10000x128xf32, #tpu.memory_space<hbm>>
      tpu.wait_indirect_dma semaphore(%arg11 : memref<!tpu.dma_semaphore, #tpu.memory_space<semaphore_mem>>) src(%dma_wait3A_105 : memref<10000x128xf32, #tpu.memory_space<hbm>>) dst(%arg9 : memref<128x128xf32, #tpu.memory_space<vmem>>)
      "tpu.region"() ({
        %run_scoped3A_132 = tpu.sem_alloc : memref<!tpu.dma_semaphore, #tpu.memory_space<semaphore_mem>>
        %dma_start3A_133 = arith.constant 0 : i32
        %dma_start3A_134 = tpu.memref_slice %arg8[%mul3A_99, %dma_start3A_133] : memref<40x128xi32, #tpu.memory_space<vmem>> -> memref<1x128xi32, #tpu.memory_space<vmem>>
        %dma_start3A_135 = tpu.memref_squeeze %dma_start3A_134 : memref<1x128xi32, #tpu.memory_space<vmem>> -> memref<128xi32, #tpu.memory_space<vmem>>
        %dma_start3A_136 = arith.constant 0 : i32
        %dma_start3A_137 = arith.constant 0 : i32
        %dma_start3A_138 = tpu.memref_slice %arg6[%dma_start3A_136, %dma_start3A_137] : memref<10240x128xf32, #tpu.memory_space<vmem_shared>> -> memref<10240x128xf32, #tpu.memory_space<vmem_shared>>
        tpu.enqueue_indirect_dma source(%arg9 : memref<128x128xf32, #tpu.memory_space<vmem>>) target(%dma_start3A_138 : memref<10240x128xf32, #tpu.memory_space<vmem_shared>>) offsets(%dma_start3A_135 : memref<128xi32, #tpu.memory_space<vmem>>) semaphore(%run_scoped3A_132 : memref<!tpu.dma_semaphore, #tpu.memory_space<semaphore_mem>>) {add = true}
        %dma_wait3A_139 = arith.constant 0 : i32
        %dma_wait3A_140 = tpu.memref_slice %arg8[%mul3A_99, %dma_wait3A_139] : memref<40x128xi32, #tpu.memory_space<vmem>> -> memref<1x128xi32, #tpu.memory_space<vmem>>
        %dma_wait3A_141 = tpu.memref_squeeze %dma_wait3A_140 : memref<1x128xi32, #tpu.memory_space<vmem>> -> memref<128xi32, #tpu.memory_space<vmem>>
        %dma_wait3A_142 = arith.constant 0 : i32
        %dma_wait3A_143 = arith.constant 0 : i32
        %dma_wait3A_144 = tpu.memref_slice %arg6[%dma_wait3A_142, %dma_wait3A_143] : memref<10240x128xf32, #tpu.memory_space<vmem_shared>> -> memref<10240x128xf32, #tpu.memory_space<vmem_shared>>
        tpu.wait_indirect_dma semaphore(%run_scoped3A_132 : memref<!tpu.dma_semaphore, #tpu.memory_space<semaphore_mem>>) src(%arg9 : memref<128x128xf32, #tpu.memory_space<vmem>>) dst(%dma_wait3A_144 : memref<10240x128xf32, #tpu.memory_space<vmem_shared>>)
        tpu.yield
      }) : () -> ()
      %add3A_106 = arith.constant 2 : i32
      %add3A_107 = arith.addi %mul3A_99, %add3A_106 : i32
      %dma_start3A_108 = arith.constant 0 : i32
      %dma_start3A_109 = tpu.memref_slice %arg7[%add3A_107, %dma_start3A_108] : memref<40x128xi32, #tpu.memory_space<vmem>> -> memref<1x128xi32, #tpu.memory_space<vmem>>
      %dma_start3A_110 = tpu.memref_squeeze %dma_start3A_109 : memref<1x128xi32, #tpu.memory_space<vmem>> -> memref<128xi32, #tpu.memory_space<vmem>>
      %dma_start3A_111 = arith.constant 0 : i32
      %dma_start3A_112 = arith.constant 0 : i32
      %dma_start3A_113 = tpu.memref_slice %arg2[%dma_start3A_111, %dma_start3A_112] : memref<10000x128xf32, #tpu.memory_space<hbm>> -> memref<10000x128xf32, #tpu.memory_space<hbm>>
      tpu.enqueue_indirect_dma source(%dma_start3A_113 : memref<10000x128xf32, #tpu.memory_space<hbm>>) target(%arg9 : memref<128x128xf32, #tpu.memory_space<vmem>>) offsets(%dma_start3A_110 : memref<128xi32, #tpu.memory_space<vmem>>) semaphore(%arg11 : memref<!tpu.dma_semaphore, #tpu.memory_space<semaphore_mem>>)
      %add3A_114 = arith.constant 1 : i32
      %add3A_115 = arith.addi %mul3A_99, %add3A_114 : i32
      %dma_wait3A_116 = arith.constant 0 : i32
      %dma_wait3A_117 = tpu.memref_slice %arg7[%add3A_115, %dma_wait3A_116] : memref<40x128xi32, #tpu.memory_space<vmem>> -> memref<1x128xi32, #tpu.memory_space<vmem>>
      %dma_wait3A_118 = tpu.memref_squeeze %dma_wait3A_117 : memref<1x128xi32, #tpu.memory_space<vmem>> -> memref<128xi32, #tpu.memory_space<vmem>>
      %dma_wait3A_119 = arith.constant 0 : i32
      %dma_wait3A_120 = arith.constant 0 : i32
      %dma_wait3A_121 = tpu.memref_slice %arg2[%dma_wait3A_119, %dma_wait3A_120] : memref<10000x128xf32, #tpu.memory_space<hbm>> -> memref<10000x128xf32, #tpu.memory_space<hbm>>
      tpu.wait_indirect_dma semaphore(%arg12 : memref<!tpu.dma_semaphore, #tpu.memory_space<semaphore_mem>>) src(%dma_wait3A_121 : memref<10000x128xf32, #tpu.memory_space<hbm>>) dst(%arg10 : memref<128x128xf32, #tpu.memory_space<vmem>>)
      %add3A_122 = arith.constant 1 : i32
      %add3A_123 = arith.addi %mul3A_99, %add3A_122 : i32
      "tpu.region"() ({
        %run_scoped3A_132 = tpu.sem_alloc : memref<!tpu.dma_semaphore, #tpu.memory_space<semaphore_mem>>
        %dma_start3A_133 = arith.constant 0 : i32
        %dma_start3A_134 = tpu.memref_slice %arg8[%add3A_123, %dma_start3A_133] : memref<40x128xi32, #tpu.memory_space<vmem>> -> memref<1x128xi32, #tpu.memory_space<vmem>>
        %dma_start3A_135 = tpu.memref_squeeze %dma_start3A_134 : memref<1x128xi32, #tpu.memory_space<vmem>> -> memref<128xi32, #tpu.memory_space<vmem>>
        %dma_start3A_136 = arith.constant 0 : i32
        %dma_start3A_137 = arith.constant 0 : i32
        %dma_start3A_138 = tpu.memref_slice %arg6[%dma_start3A_136, %dma_start3A_137] : memref<10240x128xf32, #tpu.memory_space<vmem_shared>> -> memref<10240x128xf32, #tpu.memory_space<vmem_shared>>
        tpu.enqueue_indirect_dma source(%arg10 : memref<128x128xf32, #tpu.memory_space<vmem>>) target(%dma_start3A_138 : memref<10240x128xf32, #tpu.memory_space<vmem_shared>>) offsets(%dma_start3A_135 : memref<128xi32, #tpu.memory_space<vmem>>) semaphore(%run_scoped3A_132 : memref<!tpu.dma_semaphore, #tpu.memory_space<semaphore_mem>>) {add = true}
        %dma_wait3A_139 = arith.constant 0 : i32
        %dma_wait3A_140 = tpu.memref_slice %arg8[%add3A_123, %dma_wait3A_139] : memref<40x128xi32, #tpu.memory_space<vmem>> -> memref<1x128xi32, #tpu.memory_space<vmem>>
        %dma_wait3A_141 = tpu.memref_squeeze %dma_wait3A_140 : memref<1x128xi32, #tpu.memory_space<vmem>> -> memref<128xi32, #tpu.memory_space<vmem>>
        %dma_wait3A_142 = arith.constant 0 : i32
        %dma_wait3A_143 = arith.constant 0 : i32
        %dma_wait3A_144 = tpu.memref_slice %arg6[%dma_wait3A_142, %dma_wait3A_143] : memref<10240x128xf32, #tpu.memory_space<vmem_shared>> -> memref<10240x128xf32, #tpu.memory_space<vmem_shared>>
        tpu.wait_indirect_dma semaphore(%run_scoped3A_132 : memref<!tpu.dma_semaphore, #tpu.memory_space<semaphore_mem>>) src(%arg10 : memref<128x128xf32, #tpu.memory_space<vmem>>) dst(%dma_wait3A_144 : memref<10240x128xf32, #tpu.memory_space<vmem_shared>>)
        tpu.yield
      }) : () -> ()
      %add3A_124 = arith.constant 3 : i32
      %add3A_125 = arith.addi %mul3A_99, %add3A_124 : i32
      %dma_start3A_126 = arith.constant 0 : i32
      %dma_start3A_127 = tpu.memref_slice %arg7[%add3A_125, %dma_start3A_126] : memref<40x128xi32, #tpu.memory_space<vmem>> -> memref<1x128xi32, #tpu.memory_space<vmem>>
      %dma_start3A_128 = tpu.memref_squeeze %dma_start3A_127 : memref<1x128xi32, #tpu.memory_space<vmem>> -> memref<128xi32, #tpu.memory_space<vmem>>
      %dma_start3A_129 = arith.constant 0 : i32
      %dma_start3A_130 = arith.constant 0 : i32
      %dma_start3A_131 = tpu.memref_slice %arg2[%dma_start3A_129, %dma_start3A_130] : memref<10000x128xf32, #tpu.memory_space<hbm>> -> memref<10000x128xf32, #tpu.memory_space<hbm>>
      tpu.enqueue_indirect_dma source(%dma_start3A_131 : memref<10000x128xf32, #tpu.memory_space<hbm>>) target(%arg10 : memref<128x128xf32, #tpu.memory_space<vmem>>) offsets(%dma_start3A_128 : memref<128xi32, #tpu.memory_space<vmem>>) semaphore(%arg12 : memref<!tpu.dma_semaphore, #tpu.memory_space<semaphore_mem>>)
    }
    %scan3A_41 = arith.constant 19 : i32
    %dma_wait3A = arith.constant 38 : i32
    %dma_wait3A_42 = arith.constant 0 : i32
    %dma_wait3A_43 = tpu.memref_slice %arg7[%dma_wait3A, %dma_wait3A_42] : memref<40x128xi32, #tpu.memory_space<vmem>> -> memref<1x128xi32, #tpu.memory_space<vmem>>
    %dma_wait3A_44 = tpu.memref_squeeze %dma_wait3A_43 : memref<1x128xi32, #tpu.memory_space<vmem>> -> memref<128xi32, #tpu.memory_space<vmem>>
    %dma_wait3A_45 = arith.constant 0 : i32
    %dma_wait3A_46 = arith.constant 0 : i32
    %dma_wait3A_47 = tpu.memref_slice %arg2[%dma_wait3A_45, %dma_wait3A_46] : memref<10000x128xf32, #tpu.memory_space<hbm>> -> memref<10000x128xf32, #tpu.memory_space<hbm>>
    tpu.wait_indirect_dma semaphore(%arg11 : memref<!tpu.dma_semaphore, #tpu.memory_space<semaphore_mem>>) src(%dma_wait3A_47 : memref<10000x128xf32, #tpu.memory_space<hbm>>) dst(%arg9 : memref<128x128xf32, #tpu.memory_space<vmem>>)
    %run_scoped3A = arith.constant 38 : i32
    "tpu.region"() ({
      %run_scoped3A_97 = tpu.sem_alloc : memref<!tpu.dma_semaphore, #tpu.memory_space<semaphore_mem>>
      %dma_start3A_98 = arith.constant 0 : i32
      %dma_start3A_99 = tpu.memref_slice %arg8[%run_scoped3A, %dma_start3A_98] : memref<40x128xi32, #tpu.memory_space<vmem>> -> memref<1x128xi32, #tpu.memory_space<vmem>>
      %dma_start3A_100 = tpu.memref_squeeze %dma_start3A_99 : memref<1x128xi32, #tpu.memory_space<vmem>> -> memref<128xi32, #tpu.memory_space<vmem>>
      %dma_start3A_101 = arith.constant 0 : i32
      %dma_start3A_102 = arith.constant 0 : i32
      %dma_start3A_103 = tpu.memref_slice %arg6[%dma_start3A_101, %dma_start3A_102] : memref<10240x128xf32, #tpu.memory_space<vmem_shared>> -> memref<10240x128xf32, #tpu.memory_space<vmem_shared>>
      tpu.enqueue_indirect_dma source(%arg9 : memref<128x128xf32, #tpu.memory_space<vmem>>) target(%dma_start3A_103 : memref<10240x128xf32, #tpu.memory_space<vmem_shared>>) offsets(%dma_start3A_100 : memref<128xi32, #tpu.memory_space<vmem>>) semaphore(%run_scoped3A_97 : memref<!tpu.dma_semaphore, #tpu.memory_space<semaphore_mem>>) {add = true}
      %dma_wait3A_104 = arith.constant 0 : i32
      %dma_wait3A_105 = tpu.memref_slice %arg8[%run_scoped3A, %dma_wait3A_104] : memref<40x128xi32, #tpu.memory_space<vmem>> -> memref<1x128xi32, #tpu.memory_space<vmem>>
      %dma_wait3A_106 = tpu.memref_squeeze %dma_wait3A_105 : memref<1x128xi32, #tpu.memory_space<vmem>> -> memref<128xi32, #tpu.memory_space<vmem>>
      %dma_wait3A_107 = arith.constant 0 : i32
      %dma_wait3A_108 = arith.constant 0 : i32
      %dma_wait3A_109 = tpu.memref_slice %arg6[%dma_wait3A_107, %dma_wait3A_108] : memref<10240x128xf32, #tpu.memory_space<vmem_shared>> -> memref<10240x128xf32, #tpu.memory_space<vmem_shared>>
      tpu.wait_indirect_dma semaphore(%run_scoped3A_97 : memref<!tpu.dma_semaphore, #tpu.memory_space<semaphore_mem>>) src(%arg9 : memref<128x128xf32, #tpu.memory_space<vmem>>) dst(%dma_wait3A_109 : memref<10240x128xf32, #tpu.memory_space<vmem_shared>>)
      tpu.yield
    }) : () -> ()
    %dma_wait3A_48 = arith.constant 39 : i32
    %dma_wait3A_49 = arith.constant 0 : i32
    %dma_wait3A_50 = tpu.memref_slice %arg7[%dma_wait3A_48, %dma_wait3A_49] : memref<40x128xi32, #tpu.memory_space<vmem>> -> memref<1x128xi32, #tpu.memory_space<vmem>>
    %dma_wait3A_51 = tpu.memref_squeeze %dma_wait3A_50 : memref<1x128xi32, #tpu.memory_space<vmem>> -> memref<128xi32, #tpu.memory_space<vmem>>
    %dma_wait3A_52 = arith.constant 0 : i32
    %dma_wait3A_53 = arith.constant 0 : i32
    %dma_wait3A_54 = tpu.memref_slice %arg2[%dma_wait3A_52, %dma_wait3A_53] : memref<10000x128xf32, #tpu.memory_space<hbm>> -> memref<10000x128xf32, #tpu.memory_space<hbm>>
    tpu.wait_indirect_dma semaphore(%arg12 : memref<!tpu.dma_semaphore, #tpu.memory_space<semaphore_mem>>) src(%dma_wait3A_54 : memref<10000x128xf32, #tpu.memory_space<hbm>>) dst(%arg10 : memref<128x128xf32, #tpu.memory_space<vmem>>)
    %run_scoped3A_55 = arith.constant 39 : i32
    "tpu.region"() ({
      %run_scoped3A_97 = tpu.sem_alloc : memref<!tpu.dma_semaphore, #tpu.memory_space<semaphore_mem>>
      %dma_start3A_98 = arith.constant 0 : i32
      %dma_start3A_99 = tpu.memref_slice %arg8[%run_scoped3A_55, %dma_start3A_98] : memref<40x128xi32, #tpu.memory_space<vmem>> -> memref<1x128xi32, #tpu.memory_space<vmem>>
      %dma_start3A_100 = tpu.memref_squeeze %dma_start3A_99 : memref<1x128xi32, #tpu.memory_space<vmem>> -> memref<128xi32, #tpu.memory_space<vmem>>
      %dma_start3A_101 = arith.constant 0 : i32
      %dma_start3A_102 = arith.constant 0 : i32
      %dma_start3A_103 = tpu.memref_slice %arg6[%dma_start3A_101, %dma_start3A_102] : memref<10240x128xf32, #tpu.memory_space<vmem_shared>> -> memref<10240x128xf32, #tpu.memory_space<vmem_shared>>
      tpu.enqueue_indirect_dma source(%arg10 : memref<128x128xf32, #tpu.memory_space<vmem>>) target(%dma_start3A_103 : memref<10240x128xf32, #tpu.memory_space<vmem_shared>>) offsets(%dma_start3A_100 : memref<128xi32, #tpu.memory_space<vmem>>) semaphore(%run_scoped3A_97 : memref<!tpu.dma_semaphore, #tpu.memory_space<semaphore_mem>>) {add = true}
      %dma_wait3A_104 = arith.constant 0 : i32
      %dma_wait3A_105 = tpu.memref_slice %arg8[%run_scoped3A_55, %dma_wait3A_104] : memref<40x128xi32, #tpu.memory_space<vmem>> -> memref<1x128xi32, #tpu.memory_space<vmem>>
      %dma_wait3A_106 = tpu.memref_squeeze %dma_wait3A_105 : memref<1x128xi32, #tpu.memory_space<vmem>> -> memref<128xi32, #tpu.memory_space<vmem>>
      %dma_wait3A_107 = arith.constant 0 : i32
      %dma_wait3A_108 = arith.constant 0 : i32
      %dma_wait3A_109 = tpu.memref_slice %arg6[%dma_wait3A_107, %dma_wait3A_108] : memref<10240x128xf32, #tpu.memory_space<vmem_shared>> -> memref<10240x128xf32, #tpu.memory_space<vmem_shared>>
      tpu.wait_indirect_dma semaphore(%run_scoped3A_97 : memref<!tpu.dma_semaphore, #tpu.memory_space<semaphore_mem>>) src(%arg10 : memref<128x128xf32, #tpu.memory_space<vmem>>) dst(%dma_wait3A_109 : memref<10240x128xf32, #tpu.memory_space<vmem_shared>>)
      tpu.yield
    }) : () -> ()
    %mul3A_56 = arith.constant 80 : i32
    %mul3A_57 = arith.muli %add3A, %mul3A_56 : i32
    %add3A_58 = arith.constant 40 : i32
    %add3A_59 = arith.addi %mul3A_57, %add3A_58 : i32
    "tpu.region"() ({
      %run_scoped3A_97 = tpu.sem_alloc : memref<!tpu.dma_semaphore, #tpu.memory_space<semaphore_mem>>
      %dma_start3A_98 = arith.constant 0 : i32
      %dma_start3A_99 = tpu.memref_slice %arg3[%add3A_59, %dma_start3A_98] : memref<2560x128xi32, #tpu.memory_space<hbm>> -> memref<40x128xi32, #tpu.memory_space<hbm>>
      %dma_start3A_100 = arith.constant 0 : i32
      %dma_start3A_101 = tpu.memref_slice %arg3[%add3A_59, %dma_start3A_100] : memref<2560x128xi32, #tpu.memory_space<hbm>> -> memref<40x128xi32, #tpu.memory_space<hbm>>
      tpu.enqueue_dma source(%dma_start3A_101 : memref<40x128xi32, #tpu.memory_space<hbm>>) target(%arg7 : memref<40x128xi32, #tpu.memory_space<vmem>>) target_semaphore(%run_scoped3A_97 : memref<!tpu.dma_semaphore, #tpu.memory_space<semaphore_mem>>)
      %dma_wait3A_102 = arith.constant 0 : i32
      %dma_wait3A_103 = tpu.memref_slice %arg3[%add3A_59, %dma_wait3A_102] : memref<2560x128xi32, #tpu.memory_space<hbm>> -> memref<40x128xi32, #tpu.memory_space<hbm>>
      %dma_wait3A_104 = arith.constant 0 : i32
      %dma_wait3A_105 = tpu.memref_slice %arg3[%add3A_59, %dma_wait3A_104] : memref<2560x128xi32, #tpu.memory_space<hbm>> -> memref<40x128xi32, #tpu.memory_space<hbm>>
      tpu.wait_dma2 semaphore(%run_scoped3A_97 : memref<!tpu.dma_semaphore, #tpu.memory_space<semaphore_mem>>) src(%dma_wait3A_105 : memref<40x128xi32, #tpu.memory_space<hbm>>) dst(%arg7 : memref<40x128xi32, #tpu.memory_space<vmem>>)
      tpu.yield
    }) : () -> ()
    "tpu.region"() ({
      %run_scoped3A_97 = tpu.sem_alloc : memref<!tpu.dma_semaphore, #tpu.memory_space<semaphore_mem>>
      %dma_start3A_98 = arith.constant 0 : i32
      %dma_start3A_99 = tpu.memref_slice %arg4[%add3A_59, %dma_start3A_98] : memref<2560x128xi32, #tpu.memory_space<hbm>> -> memref<40x128xi32, #tpu.memory_space<hbm>>
      %dma_start3A_100 = arith.constant 0 : i32
      %dma_start3A_101 = tpu.memref_slice %arg4[%add3A_59, %dma_start3A_100] : memref<2560x128xi32, #tpu.memory_space<hbm>> -> memref<40x128xi32, #tpu.memory_space<hbm>>
      tpu.enqueue_dma source(%dma_start3A_101 : memref<40x128xi32, #tpu.memory_space<hbm>>) target(%arg8 : memref<40x128xi32, #tpu.memory_space<vmem>>) target_semaphore(%run_scoped3A_97 : memref<!tpu.dma_semaphore, #tpu.memory_space<semaphore_mem>>)
      %dma_wait3A_102 = arith.constant 0 : i32
      %dma_wait3A_103 = tpu.memref_slice %arg4[%add3A_59, %dma_wait3A_102] : memref<2560x128xi32, #tpu.memory_space<hbm>> -> memref<40x128xi32, #tpu.memory_space<hbm>>
      %dma_wait3A_104 = arith.constant 0 : i32
      %dma_wait3A_105 = tpu.memref_slice %arg4[%add3A_59, %dma_wait3A_104] : memref<2560x128xi32, #tpu.memory_space<hbm>> -> memref<40x128xi32, #tpu.memory_space<hbm>>
      tpu.wait_dma2 semaphore(%run_scoped3A_97 : memref<!tpu.dma_semaphore, #tpu.memory_space<semaphore_mem>>) src(%dma_wait3A_105 : memref<40x128xi32, #tpu.memory_space<hbm>>) dst(%arg8 : memref<40x128xi32, #tpu.memory_space<vmem>>)
      tpu.yield
    }) : () -> ()
    %dma_start3A_60 = arith.constant 0 : i32
    %dma_start3A_61 = arith.constant 0 : i32
    %dma_start3A_62 = tpu.memref_slice %arg7[%dma_start3A_60, %dma_start3A_61] : memref<40x128xi32, #tpu.memory_space<vmem>> -> memref<1x128xi32, #tpu.memory_space<vmem>>
    %dma_start3A_63 = tpu.memref_squeeze %dma_start3A_62 : memref<1x128xi32, #tpu.memory_space<vmem>> -> memref<128xi32, #tpu.memory_space<vmem>>
    %dma_start3A_64 = arith.constant 0 : i32
    %dma_start3A_65 = arith.constant 0 : i32
    %dma_start3A_66 = tpu.memref_slice %arg2[%dma_start3A_64, %dma_start3A_65] : memref<10000x128xf32, #tpu.memory_space<hbm>> -> memref<10000x128xf32, #tpu.memory_space<hbm>>
    tpu.enqueue_indirect_dma source(%dma_start3A_66 : memref<10000x128xf32, #tpu.memory_space<hbm>>) target(%arg9 : memref<128x128xf32, #tpu.memory_space<vmem>>) offsets(%dma_start3A_63 : memref<128xi32, #tpu.memory_space<vmem>>) semaphore(%arg11 : memref<!tpu.dma_semaphore, #tpu.memory_space<semaphore_mem>>)
    %dma_start3A_67 = arith.constant 1 : i32
    %dma_start3A_68 = arith.constant 0 : i32
    %dma_start3A_69 = tpu.memref_slice %arg7[%dma_start3A_67, %dma_start3A_68] : memref<40x128xi32, #tpu.memory_space<vmem>> -> memref<1x128xi32, #tpu.memory_space<vmem>>
    %dma_start3A_70 = tpu.memref_squeeze %dma_start3A_69 : memref<1x128xi32, #tpu.memory_space<vmem>> -> memref<128xi32, #tpu.memory_space<vmem>>
    %dma_start3A_71 = arith.constant 0 : i32
    %dma_start3A_72 = arith.constant 0 : i32
    %dma_start3A_73 = tpu.memref_slice %arg2[%dma_start3A_71, %dma_start3A_72] : memref<10000x128xf32, #tpu.memory_space<hbm>> -> memref<10000x128xf32, #tpu.memory_space<hbm>>
    tpu.enqueue_indirect_dma source(%dma_start3A_73 : memref<10000x128xf32, #tpu.memory_space<hbm>>) target(%arg10 : memref<128x128xf32, #tpu.memory_space<vmem>>) offsets(%dma_start3A_70 : memref<128xi32, #tpu.memory_space<vmem>>) semaphore(%arg12 : memref<!tpu.dma_semaphore, #tpu.memory_space<semaphore_mem>>)
    %scan3A_74 = arith.constant 0 : i32
    %scan3A_75 = arith.constant 0 : i32
    %scan3A_76 = arith.constant 19 : i32
    %scan3A_77 = arith.addi %scan3A_75, %scan3A_76 : i32
    %scan3A_78 = arith.constant 1 : i32
    scf.for %scan3A_97 = %scan3A_75 to %scan3A_77 step %scan3A_78  : i32 {
      %mul3A_98 = arith.constant 2 : i32
      %mul3A_99 = arith.muli %mul3A_98, %scan3A_97 : i32
      %dma_wait3A_100 = arith.constant 0 : i32
      %dma_wait3A_101 = tpu.memref_slice %arg7[%mul3A_99, %dma_wait3A_100] : memref<40x128xi32, #tpu.memory_space<vmem>> -> memref<1x128xi32, #tpu.memory_space<vmem>>
      %dma_wait3A_102 = tpu.memref_squeeze %dma_wait3A_101 : memref<1x128xi32, #tpu.memory_space<vmem>> -> memref<128xi32, #tpu.memory_space<vmem>>
      %dma_wait3A_103 = arith.constant 0 : i32
      %dma_wait3A_104 = arith.constant 0 : i32
      %dma_wait3A_105 = tpu.memref_slice %arg2[%dma_wait3A_103, %dma_wait3A_104] : memref<10000x128xf32, #tpu.memory_space<hbm>> -> memref<10000x128xf32, #tpu.memory_space<hbm>>
      tpu.wait_indirect_dma semaphore(%arg11 : memref<!tpu.dma_semaphore, #tpu.memory_space<semaphore_mem>>) src(%dma_wait3A_105 : memref<10000x128xf32, #tpu.memory_space<hbm>>) dst(%arg9 : memref<128x128xf32, #tpu.memory_space<vmem>>)
      "tpu.region"() ({
        %run_scoped3A_132 = tpu.sem_alloc : memref<!tpu.dma_semaphore, #tpu.memory_space<semaphore_mem>>
        %dma_start3A_133 = arith.constant 0 : i32
        %dma_start3A_134 = tpu.memref_slice %arg8[%mul3A_99, %dma_start3A_133] : memref<40x128xi32, #tpu.memory_space<vmem>> -> memref<1x128xi32, #tpu.memory_space<vmem>>
        %dma_start3A_135 = tpu.memref_squeeze %dma_start3A_134 : memref<1x128xi32, #tpu.memory_space<vmem>> -> memref<128xi32, #tpu.memory_space<vmem>>
        %dma_start3A_136 = arith.constant 0 : i32
        %dma_start3A_137 = arith.constant 0 : i32
        %dma_start3A_138 = tpu.memref_slice %arg6[%dma_start3A_136, %dma_start3A_137] : memref<10240x128xf32, #tpu.memory_space<vmem_shared>> -> memref<10240x128xf32, #tpu.memory_space<vmem_shared>>
        tpu.enqueue_indirect_dma source(%arg9 : memref<128x128xf32, #tpu.memory_space<vmem>>) target(%dma_start3A_138 : memref<10240x128xf32, #tpu.memory_space<vmem_shared>>) offsets(%dma_start3A_135 : memref<128xi32, #tpu.memory_space<vmem>>) semaphore(%run_scoped3A_132 : memref<!tpu.dma_semaphore, #tpu.memory_space<semaphore_mem>>) {add = true}
        %dma_wait3A_139 = arith.constant 0 : i32
        %dma_wait3A_140 = tpu.memref_slice %arg8[%mul3A_99, %dma_wait3A_139] : memref<40x128xi32, #tpu.memory_space<vmem>> -> memref<1x128xi32, #tpu.memory_space<vmem>>
        %dma_wait3A_141 = tpu.memref_squeeze %dma_wait3A_140 : memref<1x128xi32, #tpu.memory_space<vmem>> -> memref<128xi32, #tpu.memory_space<vmem>>
        %dma_wait3A_142 = arith.constant 0 : i32
        %dma_wait3A_143 = arith.constant 0 : i32
        %dma_wait3A_144 = tpu.memref_slice %arg6[%dma_wait3A_142, %dma_wait3A_143] : memref<10240x128xf32, #tpu.memory_space<vmem_shared>> -> memref<10240x128xf32, #tpu.memory_space<vmem_shared>>
        tpu.wait_indirect_dma semaphore(%run_scoped3A_132 : memref<!tpu.dma_semaphore, #tpu.memory_space<semaphore_mem>>) src(%arg9 : memref<128x128xf32, #tpu.memory_space<vmem>>) dst(%dma_wait3A_144 : memref<10240x128xf32, #tpu.memory_space<vmem_shared>>)
        tpu.yield
      }) : () -> ()
      %add3A_106 = arith.constant 2 : i32
      %add3A_107 = arith.addi %mul3A_99, %add3A_106 : i32
      %dma_start3A_108 = arith.constant 0 : i32
      %dma_start3A_109 = tpu.memref_slice %arg7[%add3A_107, %dma_start3A_108] : memref<40x128xi32, #tpu.memory_space<vmem>> -> memref<1x128xi32, #tpu.memory_space<vmem>>
      %dma_start3A_110 = tpu.memref_squeeze %dma_start3A_109 : memref<1x128xi32, #tpu.memory_space<vmem>> -> memref<128xi32, #tpu.memory_space<vmem>>
      %dma_start3A_111 = arith.constant 0 : i32
      %dma_start3A_112 = arith.constant 0 : i32
      %dma_start3A_113 = tpu.memref_slice %arg2[%dma_start3A_111, %dma_start3A_112] : memref<10000x128xf32, #tpu.memory_space<hbm>> -> memref<10000x128xf32, #tpu.memory_space<hbm>>
      tpu.enqueue_indirect_dma source(%dma_start3A_113 : memref<10000x128xf32, #tpu.memory_space<hbm>>) target(%arg9 : memref<128x128xf32, #tpu.memory_space<vmem>>) offsets(%dma_start3A_110 : memref<128xi32, #tpu.memory_space<vmem>>) semaphore(%arg11 : memref<!tpu.dma_semaphore, #tpu.memory_space<semaphore_mem>>)
      %add3A_114 = arith.constant 1 : i32
      %add3A_115 = arith.addi %mul3A_99, %add3A_114 : i32
      %dma_wait3A_116 = arith.constant 0 : i32
      %dma_wait3A_117 = tpu.memref_slice %arg7[%add3A_115, %dma_wait3A_116] : memref<40x128xi32, #tpu.memory_space<vmem>> -> memref<1x128xi32, #tpu.memory_space<vmem>>
      %dma_wait3A_118 = tpu.memref_squeeze %dma_wait3A_117 : memref<1x128xi32, #tpu.memory_space<vmem>> -> memref<128xi32, #tpu.memory_space<vmem>>
      %dma_wait3A_119 = arith.constant 0 : i32
      %dma_wait3A_120 = arith.constant 0 : i32
      %dma_wait3A_121 = tpu.memref_slice %arg2[%dma_wait3A_119, %dma_wait3A_120] : memref<10000x128xf32, #tpu.memory_space<hbm>> -> memref<10000x128xf32, #tpu.memory_space<hbm>>
      tpu.wait_indirect_dma semaphore(%arg12 : memref<!tpu.dma_semaphore, #tpu.memory_space<semaphore_mem>>) src(%dma_wait3A_121 : memref<10000x128xf32, #tpu.memory_space<hbm>>) dst(%arg10 : memref<128x128xf32, #tpu.memory_space<vmem>>)
      %add3A_122 = arith.constant 1 : i32
      %add3A_123 = arith.addi %mul3A_99, %add3A_122 : i32
      "tpu.region"() ({
        %run_scoped3A_132 = tpu.sem_alloc : memref<!tpu.dma_semaphore, #tpu.memory_space<semaphore_mem>>
        %dma_start3A_133 = arith.constant 0 : i32
        %dma_start3A_134 = tpu.memref_slice %arg8[%add3A_123, %dma_start3A_133] : memref<40x128xi32, #tpu.memory_space<vmem>> -> memref<1x128xi32, #tpu.memory_space<vmem>>
        %dma_start3A_135 = tpu.memref_squeeze %dma_start3A_134 : memref<1x128xi32, #tpu.memory_space<vmem>> -> memref<128xi32, #tpu.memory_space<vmem>>
        %dma_start3A_136 = arith.constant 0 : i32
        %dma_start3A_137 = arith.constant 0 : i32
        %dma_start3A_138 = tpu.memref_slice %arg6[%dma_start3A_136, %dma_start3A_137] : memref<10240x128xf32, #tpu.memory_space<vmem_shared>> -> memref<10240x128xf32, #tpu.memory_space<vmem_shared>>
        tpu.enqueue_indirect_dma source(%arg10 : memref<128x128xf32, #tpu.memory_space<vmem>>) target(%dma_start3A_138 : memref<10240x128xf32, #tpu.memory_space<vmem_shared>>) offsets(%dma_start3A_135 : memref<128xi32, #tpu.memory_space<vmem>>) semaphore(%run_scoped3A_132 : memref<!tpu.dma_semaphore, #tpu.memory_space<semaphore_mem>>) {add = true}
        %dma_wait3A_139 = arith.constant 0 : i32
        %dma_wait3A_140 = tpu.memref_slice %arg8[%add3A_123, %dma_wait3A_139] : memref<40x128xi32, #tpu.memory_space<vmem>> -> memref<1x128xi32, #tpu.memory_space<vmem>>
        %dma_wait3A_141 = tpu.memref_squeeze %dma_wait3A_140 : memref<1x128xi32, #tpu.memory_space<vmem>> -> memref<128xi32, #tpu.memory_space<vmem>>
        %dma_wait3A_142 = arith.constant 0 : i32
        %dma_wait3A_143 = arith.constant 0 : i32
        %dma_wait3A_144 = tpu.memref_slice %arg6[%dma_wait3A_142, %dma_wait3A_143] : memref<10240x128xf32, #tpu.memory_space<vmem_shared>> -> memref<10240x128xf32, #tpu.memory_space<vmem_shared>>
        tpu.wait_indirect_dma semaphore(%run_scoped3A_132 : memref<!tpu.dma_semaphore, #tpu.memory_space<semaphore_mem>>) src(%arg10 : memref<128x128xf32, #tpu.memory_space<vmem>>) dst(%dma_wait3A_144 : memref<10240x128xf32, #tpu.memory_space<vmem_shared>>)
        tpu.yield
      }) : () -> ()
      %add3A_124 = arith.constant 3 : i32
      %add3A_125 = arith.addi %mul3A_99, %add3A_124 : i32
      %dma_start3A_126 = arith.constant 0 : i32
      %dma_start3A_127 = tpu.memref_slice %arg7[%add3A_125, %dma_start3A_126] : memref<40x128xi32, #tpu.memory_space<vmem>> -> memref<1x128xi32, #tpu.memory_space<vmem>>
      %dma_start3A_128 = tpu.memref_squeeze %dma_start3A_127 : memref<1x128xi32, #tpu.memory_space<vmem>> -> memref<128xi32, #tpu.memory_space<vmem>>
      %dma_start3A_129 = arith.constant 0 : i32
      %dma_start3A_130 = arith.constant 0 : i32
      %dma_start3A_131 = tpu.memref_slice %arg2[%dma_start3A_129, %dma_start3A_130] : memref<10000x128xf32, #tpu.memory_space<hbm>> -> memref<10000x128xf32, #tpu.memory_space<hbm>>
      tpu.enqueue_indirect_dma source(%dma_start3A_131 : memref<10000x128xf32, #tpu.memory_space<hbm>>) target(%arg10 : memref<128x128xf32, #tpu.memory_space<vmem>>) offsets(%dma_start3A_128 : memref<128xi32, #tpu.memory_space<vmem>>) semaphore(%arg12 : memref<!tpu.dma_semaphore, #tpu.memory_space<semaphore_mem>>)
    }
    %scan3A_79 = arith.constant 19 : i32
    %dma_wait3A_80 = arith.constant 38 : i32
    %dma_wait3A_81 = arith.constant 0 : i32
    %dma_wait3A_82 = tpu.memref_slice %arg7[%dma_wait3A_80, %dma_wait3A_81] : memref<40x128xi32, #tpu.memory_space<vmem>> -> memref<1x128xi32, #tpu.memory_space<vmem>>
    %dma_wait3A_83 = tpu.memref_squeeze %dma_wait3A_82 : memref<1x128xi32, #tpu.memory_space<vmem>> -> memref<128xi32, #tpu.memory_space<vmem>>
    %dma_wait3A_84 = arith.constant 0 : i32
    %dma_wait3A_85 = arith.constant 0 : i32
    %dma_wait3A_86 = tpu.memref_slice %arg2[%dma_wait3A_84, %dma_wait3A_85] : memref<10000x128xf32, #tpu.memory_space<hbm>> -> memref<10000x128xf32, #tpu.memory_space<hbm>>
    tpu.wait_indirect_dma semaphore(%arg11 : memref<!tpu.dma_semaphore, #tpu.memory_space<semaphore_mem>>) src(%dma_wait3A_86 : memref<10000x128xf32, #tpu.memory_space<hbm>>) dst(%arg9 : memref<128x128xf32, #tpu.memory_space<vmem>>)
    %run_scoped3A_87 = arith.constant 38 : i32
    "tpu.region"() ({
      %run_scoped3A_97 = tpu.sem_alloc : memref<!tpu.dma_semaphore, #tpu.memory_space<semaphore_mem>>
      %dma_start3A_98 = arith.constant 0 : i32
      %dma_start3A_99 = tpu.memref_slice %arg8[%run_scoped3A_87, %dma_start3A_98] : memref<40x128xi32, #tpu.memory_space<vmem>> -> memref<1x128xi32, #tpu.memory_space<vmem>>
      %dma_start3A_100 = tpu.memref_squeeze %dma_start3A_99 : memref<1x128xi32, #tpu.memory_space<vmem>> -> memref<128xi32, #tpu.memory_space<vmem>>
      %dma_start3A_101 = arith.constant 0 : i32
      %dma_start3A_102 = arith.constant 0 : i32
      %dma_start3A_103 = tpu.memref_slice %arg6[%dma_start3A_101, %dma_start3A_102] : memref<10240x128xf32, #tpu.memory_space<vmem_shared>> -> memref<10240x128xf32, #tpu.memory_space<vmem_shared>>
      tpu.enqueue_indirect_dma source(%arg9 : memref<128x128xf32, #tpu.memory_space<vmem>>) target(%dma_start3A_103 : memref<10240x128xf32, #tpu.memory_space<vmem_shared>>) offsets(%dma_start3A_100 : memref<128xi32, #tpu.memory_space<vmem>>) semaphore(%run_scoped3A_97 : memref<!tpu.dma_semaphore, #tpu.memory_space<semaphore_mem>>) {add = true}
      %dma_wait3A_104 = arith.constant 0 : i32
      %dma_wait3A_105 = tpu.memref_slice %arg8[%run_scoped3A_87, %dma_wait3A_104] : memref<40x128xi32, #tpu.memory_space<vmem>> -> memref<1x128xi32, #tpu.memory_space<vmem>>
      %dma_wait3A_106 = tpu.memref_squeeze %dma_wait3A_105 : memref<1x128xi32, #tpu.memory_space<vmem>> -> memref<128xi32, #tpu.memory_space<vmem>>
      %dma_wait3A_107 = arith.constant 0 : i32
      %dma_wait3A_108 = arith.constant 0 : i32
      %dma_wait3A_109 = tpu.memref_slice %arg6[%dma_wait3A_107, %dma_wait3A_108] : memref<10240x128xf32, #tpu.memory_space<vmem_shared>> -> memref<10240x128xf32, #tpu.memory_space<vmem_shared>>
      tpu.wait_indirect_dma semaphore(%run_scoped3A_97 : memref<!tpu.dma_semaphore, #tpu.memory_space<semaphore_mem>>) src(%arg9 : memref<128x128xf32, #tpu.memory_space<vmem>>) dst(%dma_wait3A_109 : memref<10240x128xf32, #tpu.memory_space<vmem_shared>>)
      tpu.yield
    }) : () -> ()
    %dma_wait3A_88 = arith.constant 39 : i32
    %dma_wait3A_89 = arith.constant 0 : i32
    %dma_wait3A_90 = tpu.memref_slice %arg7[%dma_wait3A_88, %dma_wait3A_89] : memref<40x128xi32, #tpu.memory_space<vmem>> -> memref<1x128xi32, #tpu.memory_space<vmem>>
    %dma_wait3A_91 = tpu.memref_squeeze %dma_wait3A_90 : memref<1x128xi32, #tpu.memory_space<vmem>> -> memref<128xi32, #tpu.memory_space<vmem>>
    %dma_wait3A_92 = arith.constant 0 : i32
    %dma_wait3A_93 = arith.constant 0 : i32
    %dma_wait3A_94 = tpu.memref_slice %arg2[%dma_wait3A_92, %dma_wait3A_93] : memref<10000x128xf32, #tpu.memory_space<hbm>> -> memref<10000x128xf32, #tpu.memory_space<hbm>>
    tpu.wait_indirect_dma semaphore(%arg12 : memref<!tpu.dma_semaphore, #tpu.memory_space<semaphore_mem>>) src(%dma_wait3A_94 : memref<10000x128xf32, #tpu.memory_space<hbm>>) dst(%arg10 : memref<128x128xf32, #tpu.memory_space<vmem>>)
    %run_scoped3A_95 = arith.constant 39 : i32
    "tpu.region"() ({
      %run_scoped3A_97 = tpu.sem_alloc : memref<!tpu.dma_semaphore, #tpu.memory_space<semaphore_mem>>
      %dma_start3A_98 = arith.constant 0 : i32
      %dma_start3A_99 = tpu.memref_slice %arg8[%run_scoped3A_95, %dma_start3A_98] : memref<40x128xi32, #tpu.memory_space<vmem>> -> memref<1x128xi32, #tpu.memory_space<vmem>>
      %dma_start3A_100 = tpu.memref_squeeze %dma_start3A_99 : memref<1x128xi32, #tpu.memory_space<vmem>> -> memref<128xi32, #tpu.memory_space<vmem>>
      %dma_start3A_101 = arith.constant 0 : i32
      %dma_start3A_102 = arith.constant 0 : i32
      %dma_start3A_103 = tpu.memref_slice %arg6[%dma_start3A_101, %dma_start3A_102] : memref<10240x128xf32, #tpu.memory_space<vmem_shared>> -> memref<10240x128xf32, #tpu.memory_space<vmem_shared>>
      tpu.enqueue_indirect_dma source(%arg10 : memref<128x128xf32, #tpu.memory_space<vmem>>) target(%dma_start3A_103 : memref<10240x128xf32, #tpu.memory_space<vmem_shared>>) offsets(%dma_start3A_100 : memref<128xi32, #tpu.memory_space<vmem>>) semaphore(%run_scoped3A_97 : memref<!tpu.dma_semaphore, #tpu.memory_space<semaphore_mem>>) {add = true}
      %dma_wait3A_104 = arith.constant 0 : i32
      %dma_wait3A_105 = tpu.memref_slice %arg8[%run_scoped3A_95, %dma_wait3A_104] : memref<40x128xi32, #tpu.memory_space<vmem>> -> memref<1x128xi32, #tpu.memory_space<vmem>>
      %dma_wait3A_106 = tpu.memref_squeeze %dma_wait3A_105 : memref<1x128xi32, #tpu.memory_space<vmem>> -> memref<128xi32, #tpu.memory_space<vmem>>
      %dma_wait3A_107 = arith.constant 0 : i32
      %dma_wait3A_108 = arith.constant 0 : i32
      %dma_wait3A_109 = tpu.memref_slice %arg6[%dma_wait3A_107, %dma_wait3A_108] : memref<10240x128xf32, #tpu.memory_space<vmem_shared>> -> memref<10240x128xf32, #tpu.memory_space<vmem_shared>>
      tpu.wait_indirect_dma semaphore(%run_scoped3A_97 : memref<!tpu.dma_semaphore, #tpu.memory_space<semaphore_mem>>) src(%arg10 : memref<128x128xf32, #tpu.memory_space<vmem>>) dst(%dma_wait3A_109 : memref<10240x128xf32, #tpu.memory_space<vmem_shared>>)
      tpu.yield
    }) : () -> ()
    %barrier3A_96 = arith.constant 0 : index
    tpu.barrier barrier_id(%barrier3A_96)
    "tpu.region"() ({
      %run_scoped3A_97 = tpu.sem_alloc : memref<!tpu.dma_semaphore, #tpu.memory_space<semaphore_mem>>
      %dma_start3A_98 = arith.constant 0 : i32
      %dma_start3A_99 = tpu.memref_slice %arg5[%arg0, %mul3A_8, %dma_start3A_98] : memref<2x10240x128xf32, #tpu.memory_space<hbm>> -> memref<1x640x128xf32, #tpu.memory_space<hbm>>
      %dma_start3A_100 = tpu.memref_squeeze %dma_start3A_99 : memref<1x640x128xf32, #tpu.memory_space<hbm>> -> memref<640x128xf32, #tpu.memory_space<hbm>>
      %dma_start3A_101 = arith.constant 0 : i32
      %dma_start3A_102 = tpu.memref_slice %arg6[%mul3A_8, %dma_start3A_101] : memref<10240x128xf32, #tpu.memory_space<vmem_shared>> -> memref<640x128xf32, #tpu.memory_space<vmem_shared>>
      tpu.enqueue_dma source(%dma_start3A_102 : memref<640x128xf32, #tpu.memory_space<vmem_shared>>) target(%dma_start3A_100 : memref<640x128xf32, #tpu.memory_space<hbm>>) target_semaphore(%run_scoped3A_97 : memref<!tpu.dma_semaphore, #tpu.memory_space<semaphore_mem>>)
      %dma_wait3A_103 = arith.constant 0 : i32
      %dma_wait3A_104 = tpu.memref_slice %arg5[%arg0, %mul3A_8, %dma_wait3A_103] : memref<2x10240x128xf32, #tpu.memory_space<hbm>> -> memref<1x640x128xf32, #tpu.memory_space<hbm>>
      %dma_wait3A_105 = tpu.memref_squeeze %dma_wait3A_104 : memref<1x640x128xf32, #tpu.memory_space<hbm>> -> memref<640x128xf32, #tpu.memory_space<hbm>>
      %dma_wait3A_106 = arith.constant 0 : i32
      %dma_wait3A_107 = tpu.memref_slice %arg6[%mul3A_8, %dma_wait3A_106] : memref<10240x128xf32, #tpu.memory_space<vmem_shared>> -> memref<640x128xf32, #tpu.memory_space<vmem_shared>>
      tpu.wait_dma2 semaphore(%run_scoped3A_97 : memref<!tpu.dma_semaphore, #tpu.memory_space<semaphore_mem>>) src(%dma_wait3A_107 : memref<640x128xf32, #tpu.memory_space<vmem_shared>>) dst(%dma_wait3A_105 : memref<640x128xf32, #tpu.memory_space<hbm>>)
      tpu.yield
    }) : () -> ()
    return
  }
}

#map = affine_map<(d0, d1) -> (0, 0)>
module attributes {stable_mosaic.version = 14 : i64} {
  func.func @_deg_body(%arg0: i32, %arg1: i32, %arg2: memref<2560x128xi32, #tpu.memory_space<hbm>>, %arg3: memref<32x10240xf32, #tpu.memory_space<hbm>>, %arg4: memref<80x128xi32, #tpu.memory_space<vmem>>, %arg5: memref<10240xf32, #tpu.memory_space<vmem>>) attributes {dimension_semantics = [#tpu.dimension_semantics<core_parallel>, #tpu.dimension_semantics<subcore_parallel>], iteration_bounds = array<i64: 2, 16>, scalar_prefetch = 0 : i64, scratch_operands = 2 : i64, tpu.core_type = #tpu.core_type<sc_vector_subcore>, window_params = [{transform_indices = #map}, {transform_indices = #map}]} {
    %mul3A = arith.constant 2 : i32
    %mul3A_0 = arith.muli %arg1, %mul3A : i32
    %add3A = arith.addi %mul3A_0, %arg0 : i32
    %mul3A_1 = arith.constant 80 : i32
    %mul3A_2 = arith.muli %add3A, %mul3A_1 : i32
    "tpu.region"() ({
      %run_scoped3A = tpu.sem_alloc : memref<!tpu.dma_semaphore, #tpu.memory_space<semaphore_mem>>
      %dma_start3A = arith.constant 0 : i32
      %dma_start3A_17 = tpu.memref_slice %arg2[%mul3A_2, %dma_start3A] : memref<2560x128xi32, #tpu.memory_space<hbm>> -> memref<80x128xi32, #tpu.memory_space<hbm>>
      %dma_start3A_18 = arith.constant 0 : i32
      %dma_start3A_19 = tpu.memref_slice %arg2[%mul3A_2, %dma_start3A_18] : memref<2560x128xi32, #tpu.memory_space<hbm>> -> memref<80x128xi32, #tpu.memory_space<hbm>>
      tpu.enqueue_dma source(%dma_start3A_19 : memref<80x128xi32, #tpu.memory_space<hbm>>) target(%arg4 : memref<80x128xi32, #tpu.memory_space<vmem>>) target_semaphore(%run_scoped3A : memref<!tpu.dma_semaphore, #tpu.memory_space<semaphore_mem>>)
      %dma_wait3A = arith.constant 0 : i32
      %dma_wait3A_20 = tpu.memref_slice %arg2[%mul3A_2, %dma_wait3A] : memref<2560x128xi32, #tpu.memory_space<hbm>> -> memref<80x128xi32, #tpu.memory_space<hbm>>
      %dma_wait3A_21 = arith.constant 0 : i32
      %dma_wait3A_22 = tpu.memref_slice %arg2[%mul3A_2, %dma_wait3A_21] : memref<2560x128xi32, #tpu.memory_space<hbm>> -> memref<80x128xi32, #tpu.memory_space<hbm>>
      tpu.wait_dma2 semaphore(%run_scoped3A : memref<!tpu.dma_semaphore, #tpu.memory_space<semaphore_mem>>) src(%dma_wait3A_22 : memref<80x128xi32, #tpu.memory_space<hbm>>) dst(%arg4 : memref<80x128xi32, #tpu.memory_space<vmem>>)
      tpu.yield
    }) : () -> ()
    %broadcast_in_dim3A = arith.constant 0.000000e+00 : f32
    %broadcast_in_dim3A_3 = vector.broadcast %broadcast_in_dim3A : f32 to vector<16xf32>
    %scan3A = arith.constant 0 : i32
    %scan3A_4 = arith.constant 0 : i32
    %scan3A_5 = arith.constant 640 : i32
    %scan3A_6 = arith.addi %scan3A_4, %scan3A_5 : i32
    %scan3A_7 = arith.constant 1 : i32
    scf.for %scan3A_17 = %scan3A_4 to %scan3A_6 step %scan3A_7  : i32 {
      %mul3A_18 = arith.constant 16 : i32
      %mul3A_19 = arith.muli %scan3A_17, %mul3A_18 : i32
      %swap3A = arith.index_cast %mul3A_19 : i32 to index
      %swap3A_20 = tpu.vector_load %arg5[%swap3A] {strides = array<i32>} : memref<10240xf32, #tpu.memory_space<vmem>>, vector<16xf32>,
      tpu.vector_store %arg5[%swap3A], %broadcast_in_dim3A_3 {strides = array<i32>} : memref<10240xf32, #tpu.memory_space<vmem>>, vector<16xf32>,
    }
    %scan3A_8 = arith.constant 640 : i32
    %broadcast_in_dim3A_9 = arith.constant 1.000000e+00 : f32
    %broadcast_in_dim3A_10 = vector.broadcast %broadcast_in_dim3A_9 : f32 to vector<16xf32>
    %scan3A_11 = arith.constant 0 : i32
    %scan3A_12 = arith.constant 0 : i32
    %scan3A_13 = arith.constant 80 : i32
    %scan3A_14 = arith.addi %scan3A_12, %scan3A_13 : i32
    %scan3A_15 = arith.constant 1 : i32
    scf.for %scan3A_17 = %scan3A_12 to %scan3A_14 step %scan3A_15  : i32 {
      %get3A = arith.index_cast %scan3A_17 : i32 to index
      %get3A_18 = arith.constant 0 : index
      %get3A_19 = tpu.vector_load %arg4[%get3A, %get3A_18] {strides = array<i32>} : memref<80x128xi32, #tpu.memory_space<vmem>>, vector<16xi32>,
      tpu.vector_store_idx %arg5[%get3A_19], %broadcast_in_dim3A_10 {add = true} : memref<10240xf32, #tpu.memory_space<vmem>>[vector<16xi32>], vector<16xf32>,
      %get3A_20 = arith.index_cast %scan3A_17 : i32 to index
      %get3A_21 = arith.constant 16 : index
      %get3A_22 = tpu.vector_load %arg4[%get3A_20, %get3A_21] {strides = array<i32>} : memref<80x128xi32, #tpu.memory_space<vmem>>, vector<16xi32>,
      tpu.vector_store_idx %arg5[%get3A_22], %broadcast_in_dim3A_10 {add = true} : memref<10240xf32, #tpu.memory_space<vmem>>[vector<16xi32>], vector<16xf32>,
      %get3A_23 = arith.index_cast %scan3A_17 : i32 to index
      %get3A_24 = arith.constant 32 : index
      %get3A_25 = tpu.vector_load %arg4[%get3A_23, %get3A_24] {strides = array<i32>} : memref<80x128xi32, #tpu.memory_space<vmem>>, vector<16xi32>,
      tpu.vector_store_idx %arg5[%get3A_25], %broadcast_in_dim3A_10 {add = true} : memref<10240xf32, #tpu.memory_space<vmem>>[vector<16xi32>], vector<16xf32>,
      %get3A_26 = arith.index_cast %scan3A_17 : i32 to index
      %get3A_27 = arith.constant 48 : index
      %get3A_28 = tpu.vector_load %arg4[%get3A_26, %get3A_27] {strides = array<i32>} : memref<80x128xi32, #tpu.memory_space<vmem>>, vector<16xi32>,
      tpu.vector_store_idx %arg5[%get3A_28], %broadcast_in_dim3A_10 {add = true} : memref<10240xf32, #tpu.memory_space<vmem>>[vector<16xi32>], vector<16xf32>,
      %get3A_29 = arith.index_cast %scan3A_17 : i32 to index
      %get3A_30 = arith.constant 64 : index
      %get3A_31 = tpu.vector_load %arg4[%get3A_29, %get3A_30] {strides = array<i32>} : memref<80x128xi32, #tpu.memory_space<vmem>>, vector<16xi32>,
      tpu.vector_store_idx %arg5[%get3A_31], %broadcast_in_dim3A_10 {add = true} : memref<10240xf32, #tpu.memory_space<vmem>>[vector<16xi32>], vector<16xf32>,
      %get3A_32 = arith.index_cast %scan3A_17 : i32 to index
      %get3A_33 = arith.constant 80 : index
      %get3A_34 = tpu.vector_load %arg4[%get3A_32, %get3A_33] {strides = array<i32>} : memref<80x128xi32, #tpu.memory_space<vmem>>, vector<16xi32>,
      tpu.vector_store_idx %arg5[%get3A_34], %broadcast_in_dim3A_10 {add = true} : memref<10240xf32, #tpu.memory_space<vmem>>[vector<16xi32>], vector<16xf32>,
      %get3A_35 = arith.index_cast %scan3A_17 : i32 to index
      %get3A_36 = arith.constant 96 : index
      %get3A_37 = tpu.vector_load %arg4[%get3A_35, %get3A_36] {strides = array<i32>} : memref<80x128xi32, #tpu.memory_space<vmem>>, vector<16xi32>,
      tpu.vector_store_idx %arg5[%get3A_37], %broadcast_in_dim3A_10 {add = true} : memref<10240xf32, #tpu.memory_space<vmem>>[vector<16xi32>], vector<16xf32>,
      %get3A_38 = arith.index_cast %scan3A_17 : i32 to index
      %get3A_39 = arith.constant 112 : index
      %get3A_40 = tpu.vector_load %arg4[%get3A_38, %get3A_39] {strides = array<i32>} : memref<80x128xi32, #tpu.memory_space<vmem>>, vector<16xi32>,
      tpu.vector_store_idx %arg5[%get3A_40], %broadcast_in_dim3A_10 {add = true} : memref<10240xf32, #tpu.memory_space<vmem>>[vector<16xi32>], vector<16xf32>,
    }
    %scan3A_16 = arith.constant 80 : i32
    "tpu.region"() ({
      %run_scoped3A = tpu.sem_alloc : memref<!tpu.dma_semaphore, #tpu.memory_space<semaphore_mem>>
      %dma_start3A = arith.constant 0 : i32
      %dma_start3A_17 = tpu.memref_slice %arg3[%add3A, %dma_start3A] : memref<32x10240xf32, #tpu.memory_space<hbm>> -> memref<1x10240xf32, #tpu.memory_space<hbm>>
      %dma_start3A_18 = tpu.memref_squeeze %dma_start3A_17 : memref<1x10240xf32, #tpu.memory_space<hbm>> -> memref<10240xf32, #tpu.memory_space<hbm>>
      %dma_start3A_19 = arith.constant 0 : i32
      %dma_start3A_20 = tpu.memref_slice %arg3[%add3A, %dma_start3A_19] : memref<32x10240xf32, #tpu.memory_space<hbm>> -> memref<1x10240xf32, #tpu.memory_space<hbm>>
      %dma_start3A_21 = tpu.memref_squeeze %dma_start3A_20 : memref<1x10240xf32, #tpu.memory_space<hbm>> -> memref<10240xf32, #tpu.memory_space<hbm>>
      tpu.enqueue_dma source(%arg5 : memref<10240xf32, #tpu.memory_space<vmem>>) target(%dma_start3A_21 : memref<10240xf32, #tpu.memory_space<hbm>>) target_semaphore(%run_scoped3A : memref<!tpu.dma_semaphore, #tpu.memory_space<semaphore_mem>>)
      %dma_wait3A = arith.constant 0 : i32
      %dma_wait3A_22 = tpu.memref_slice %arg3[%add3A, %dma_wait3A] : memref<32x10240xf32, #tpu.memory_space<hbm>> -> memref<1x10240xf32, #tpu.memory_space<hbm>>
      %dma_wait3A_23 = tpu.memref_squeeze %dma_wait3A_22 : memref<1x10240xf32, #tpu.memory_space<hbm>> -> memref<10240xf32, #tpu.memory_space<hbm>>
      %dma_wait3A_24 = arith.constant 0 : i32
      %dma_wait3A_25 = tpu.memref_slice %arg3[%add3A, %dma_wait3A_24] : memref<32x10240xf32, #tpu.memory_space<hbm>> -> memref<1x10240xf32, #tpu.memory_space<hbm>>
      %dma_wait3A_26 = tpu.memref_squeeze %dma_wait3A_25 : memref<1x10240xf32, #tpu.memory_space<hbm>> -> memref<10240xf32, #tpu.memory_space<hbm>>
      tpu.wait_dma2 semaphore(%run_scoped3A : memref<!tpu.dma_semaphore, #tpu.memory_space<semaphore_mem>>) src(%arg5 : memref<10240xf32, #tpu.memory_space<vmem>>) dst(%dma_wait3A_26 : memref<10240xf32, #tpu.memory_space<hbm>>)
      tpu.yield
    }) : () -> ()
    return
  }
}

#map = affine_map<(d0, d1) -> (0, 0)>
#map1 = affine_map<(d0, d1) -> (0, 0, 0)>
module attributes {stable_mosaic.version = 14 : i64} {
  func.func @_agg_body(%arg0: i32, %arg1: i32, %arg2: memref<10000x128xf32, #tpu.memory_space<hbm>>, %arg3: memref<2560x128xi32, #tpu.memory_space<hbm>>, %arg4: memref<2560x128xi32, #tpu.memory_space<hbm>>, %arg5: memref<2x10240x128xf32, #tpu.memory_space<hbm>>, %arg6: memref<10240x128xf32, #tpu.memory_space<vmem_shared>>, %arg7: memref<40x128xi32, #tpu.memory_space<vmem>>, %arg8: memref<40x128xi32, #tpu.memory_space<vmem>>, %arg9: memref<128x128xf32, #tpu.memory_space<vmem>>, %arg10: memref<128x128xf32, #tpu.memory_space<vmem>>, %arg11: memref<!tpu.dma_semaphore, #tpu.memory_space<semaphore_mem>>, %arg12: memref<!tpu.dma_semaphore, #tpu.memory_space<semaphore_mem>>) attributes {dimension_semantics = [#tpu.dimension_semantics<core_parallel>, #tpu.dimension_semantics<subcore_parallel>], iteration_bounds = array<i64: 2, 16>, scalar_prefetch = 0 : i64, scratch_operands = 7 : i64, tpu.core_type = #tpu.core_type<sc_vector_subcore>, window_params = [{transform_indices = #map}, {transform_indices = #map}, {transform_indices = #map}, {transform_indices = #map1}]} {
    %mul3A = arith.constant 2 : i32
    %mul3A_0 = arith.muli %arg1, %mul3A : i32
    %add3A = arith.addi %mul3A_0, %arg0 : i32
    %broadcast_in_dim3A = arith.constant 0.000000e+00 : f32
    %broadcast_in_dim3A_1 = vector.broadcast %broadcast_in_dim3A : f32 to vector<16xf32>
    %scan3A = arith.constant 0 : i32
    %scan3A_2 = arith.constant 0 : i32
    %scan3A_3 = arith.constant 128 : i32
    %scan3A_4 = arith.addi %scan3A_2, %scan3A_3 : i32
    %scan3A_5 = arith.constant 1 : i32
    scf.for %scan3A_97 = %scan3A_2 to %scan3A_4 step %scan3A_5  : i32 {
      %swap3A = arith.index_cast %scan3A_97 : i32 to index
      %swap3A_98 = arith.constant 0 : index
      %swap3A_99 = tpu.vector_load %arg9[%swap3A, %swap3A_98] {strides = array<i32>} : memref<128x128xf32, #tpu.memory_space<vmem>>, vector<1x16xf32>,
      %swap3A_100 = vector.shape_cast %swap3A_99 : vector<1x16xf32> to vector<16xf32>
      %swap3A_101 = vector.shape_cast %broadcast_in_dim3A_1 : vector<16xf32> to vector<1x16xf32>
      tpu.vector_store %arg9[%swap3A, %swap3A_98], %swap3A_101 {strides = array<i32>} : memref<128x128xf32, #tpu.memory_space<vmem>>, vector<1x16xf32>,
      %swap3A_102 = arith.index_cast %scan3A_97 : i32 to index
      %swap3A_103 = arith.constant 16 : index
      %swap3A_104 = tpu.vector_load %arg9[%swap3A_102, %swap3A_103] {strides = array<i32>} : memref<128x128xf32, #tpu.memory_space<vmem>>, vector<1x16xf32>,
      %swap3A_105 = vector.shape_cast %swap3A_104 : vector<1x16xf32> to vector<16xf32>
      %swap3A_106 = vector.shape_cast %broadcast_in_dim3A_1 : vector<16xf32> to vector<1x16xf32>
      tpu.vector_store %arg9[%swap3A_102, %swap3A_103], %swap3A_106 {strides = array<i32>} : memref<128x128xf32, #tpu.memory_space<vmem>>, vector<1x16xf32>,
      %swap3A_107 = arith.index_cast %scan3A_97 : i32 to index
      %swap3A_108 = arith.constant 32 : index
      %swap3A_109 = tpu.vector_load %arg9[%swap3A_107, %swap3A_108] {strides = array<i32>} : memref<128x128xf32, #tpu.memory_space<vmem>>, vector<1x16xf32>,
      %swap3A_110 = vector.shape_cast %swap3A_109 : vector<1x16xf32> to vector<16xf32>
      %swap3A_111 = vector.shape_cast %broadcast_in_dim3A_1 : vector<16xf32> to vector<1x16xf32>
      tpu.vector_store %arg9[%swap3A_107, %swap3A_108], %swap3A_111 {strides = array<i32>} : memref<128x128xf32, #tpu.memory_space<vmem>>, vector<1x16xf32>,
      %swap3A_112 = arith.index_cast %scan3A_97 : i32 to index
      %swap3A_113 = arith.constant 48 : index
      %swap3A_114 = tpu.vector_load %arg9[%swap3A_112, %swap3A_113] {strides = array<i32>} : memref<128x128xf32, #tpu.memory_space<vmem>>, vector<1x16xf32>,
      %swap3A_115 = vector.shape_cast %swap3A_114 : vector<1x16xf32> to vector<16xf32>
      %swap3A_116 = vector.shape_cast %broadcast_in_dim3A_1 : vector<16xf32> to vector<1x16xf32>
      tpu.vector_store %arg9[%swap3A_112, %swap3A_113], %swap3A_116 {strides = array<i32>} : memref<128x128xf32, #tpu.memory_space<vmem>>, vector<1x16xf32>,
      %swap3A_117 = arith.index_cast %scan3A_97 : i32 to index
      %swap3A_118 = arith.constant 64 : index
      %swap3A_119 = tpu.vector_load %arg9[%swap3A_117, %swap3A_118] {strides = array<i32>} : memref<128x128xf32, #tpu.memory_space<vmem>>, vector<1x16xf32>,
      %swap3A_120 = vector.shape_cast %swap3A_119 : vector<1x16xf32> to vector<16xf32>
      %swap3A_121 = vector.shape_cast %broadcast_in_dim3A_1 : vector<16xf32> to vector<1x16xf32>
      tpu.vector_store %arg9[%swap3A_117, %swap3A_118], %swap3A_121 {strides = array<i32>} : memref<128x128xf32, #tpu.memory_space<vmem>>, vector<1x16xf32>,
      %swap3A_122 = arith.index_cast %scan3A_97 : i32 to index
      %swap3A_123 = arith.constant 80 : index
      %swap3A_124 = tpu.vector_load %arg9[%swap3A_122, %swap3A_123] {strides = array<i32>} : memref<128x128xf32, #tpu.memory_space<vmem>>, vector<1x16xf32>,
      %swap3A_125 = vector.shape_cast %swap3A_124 : vector<1x16xf32> to vector<16xf32>
      %swap3A_126 = vector.shape_cast %broadcast_in_dim3A_1 : vector<16xf32> to vector<1x16xf32>
      tpu.vector_store %arg9[%swap3A_122, %swap3A_123], %swap3A_126 {strides = array<i32>} : memref<128x128xf32, #tpu.memory_space<vmem>>, vector<1x16xf32>,
      %swap3A_127 = arith.index_cast %scan3A_97 : i32 to index
      %swap3A_128 = arith.constant 96 : index
      %swap3A_129 = tpu.vector_load %arg9[%swap3A_127, %swap3A_128] {strides = array<i32>} : memref<128x128xf32, #tpu.memory_space<vmem>>, vector<1x16xf32>,
      %swap3A_130 = vector.shape_cast %swap3A_129 : vector<1x16xf32> to vector<16xf32>
      %swap3A_131 = vector.shape_cast %broadcast_in_dim3A_1 : vector<16xf32> to vector<1x16xf32>
      tpu.vector_store %arg9[%swap3A_127, %swap3A_128], %swap3A_131 {strides = array<i32>} : memref<128x128xf32, #tpu.memory_space<vmem>>, vector<1x16xf32>,
      %swap3A_132 = arith.index_cast %scan3A_97 : i32 to index
      %swap3A_133 = arith.constant 112 : index
      %swap3A_134 = tpu.vector_load %arg9[%swap3A_132, %swap3A_133] {strides = array<i32>} : memref<128x128xf32, #tpu.memory_space<vmem>>, vector<1x16xf32>,
      %swap3A_135 = vector.shape_cast %swap3A_134 : vector<1x16xf32> to vector<16xf32>
      %swap3A_136 = vector.shape_cast %broadcast_in_dim3A_1 : vector<16xf32> to vector<1x16xf32>
      tpu.vector_store %arg9[%swap3A_132, %swap3A_133], %swap3A_136 {strides = array<i32>} : memref<128x128xf32, #tpu.memory_space<vmem>>, vector<1x16xf32>,
    }
    %scan3A_6 = arith.constant 128 : i32
    %mul3A_7 = arith.constant 640 : i32
    %mul3A_8 = arith.muli %arg1, %mul3A_7 : i32
    %add3A_9 = arith.constant 0 : i32
    %add3A_10 = arith.addi %mul3A_8, %add3A_9 : i32
    "tpu.region"() ({
      %run_scoped3A_97 = tpu.sem_alloc : memref<!tpu.dma_semaphore, #tpu.memory_space<semaphore_mem>>
      %dma_start3A_98 = arith.constant 0 : i32
      %dma_start3A_99 = tpu.memref_slice %arg6[%add3A_10, %dma_start3A_98] : memref<10240x128xf32, #tpu.memory_space<vmem_shared>> -> memref<128x128xf32, #tpu.memory_space<vmem_shared>>
      %dma_start3A_100 = arith.constant 0 : i32
      %dma_start3A_101 = tpu.memref_slice %arg6[%add3A_10, %dma_start3A_100] : memref<10240x128xf32, #tpu.memory_space<vmem_shared>> -> memref<128x128xf32, #tpu.memory_space<vmem_shared>>
      tpu.enqueue_dma source(%arg9 : memref<128x128xf32, #tpu.memory_space<vmem>>) target(%dma_start3A_101 : memref<128x128xf32, #tpu.memory_space<vmem_shared>>) target_semaphore(%run_scoped3A_97 : memref<!tpu.dma_semaphore, #tpu.memory_space<semaphore_mem>>)
      %dma_wait3A_102 = arith.constant 0 : i32
      %dma_wait3A_103 = tpu.memref_slice %arg6[%add3A_10, %dma_wait3A_102] : memref<10240x128xf32, #tpu.memory_space<vmem_shared>> -> memref<128x128xf32, #tpu.memory_space<vmem_shared>>
      %dma_wait3A_104 = arith.constant 0 : i32
      %dma_wait3A_105 = tpu.memref_slice %arg6[%add3A_10, %dma_wait3A_104] : memref<10240x128xf32, #tpu.memory_space<vmem_shared>> -> memref<128x128xf32, #tpu.memory_space<vmem_shared>>
      tpu.wait_dma2 semaphore(%run_scoped3A_97 : memref<!tpu.dma_semaphore, #tpu.memory_space<semaphore_mem>>) src(%arg9 : memref<128x128xf32, #tpu.memory_space<vmem>>) dst(%dma_wait3A_105 : memref<128x128xf32, #tpu.memory_space<vmem_shared>>)
      tpu.yield
    }) : () -> ()
    %add3A_11 = arith.constant 128 : i32
    %add3A_12 = arith.addi %mul3A_8, %add3A_11 : i32
    "tpu.region"() ({
      %run_scoped3A_97 = tpu.sem_alloc : memref<!tpu.dma_semaphore, #tpu.memory_space<semaphore_mem>>
      %dma_start3A_98 = arith.constant 0 : i32
      %dma_start3A_99 = tpu.memref_slice %arg6[%add3A_12, %dma_start3A_98] : memref<10240x128xf32, #tpu.memory_space<vmem_shared>> -> memref<128x128xf32, #tpu.memory_space<vmem_shared>>
      %dma_start3A_100 = arith.constant 0 : i32
      %dma_start3A_101 = tpu.memref_slice %arg6[%add3A_12, %dma_start3A_100] : memref<10240x128xf32, #tpu.memory_space<vmem_shared>> -> memref<128x128xf32, #tpu.memory_space<vmem_shared>>
      tpu.enqueue_dma source(%arg9 : memref<128x128xf32, #tpu.memory_space<vmem>>) target(%dma_start3A_101 : memref<128x128xf32, #tpu.memory_space<vmem_shared>>) target_semaphore(%run_scoped3A_97 : memref<!tpu.dma_semaphore, #tpu.memory_space<semaphore_mem>>)
      %dma_wait3A_102 = arith.constant 0 : i32
      %dma_wait3A_103 = tpu.memref_slice %arg6[%add3A_12, %dma_wait3A_102] : memref<10240x128xf32, #tpu.memory_space<vmem_shared>> -> memref<128x128xf32, #tpu.memory_space<vmem_shared>>
      %dma_wait3A_104 = arith.constant 0 : i32
      %dma_wait3A_105 = tpu.memref_slice %arg6[%add3A_12, %dma_wait3A_104] : memref<10240x128xf32, #tpu.memory_space<vmem_shared>> -> memref<128x128xf32, #tpu.memory_space<vmem_shared>>
      tpu.wait_dma2 semaphore(%run_scoped3A_97 : memref<!tpu.dma_semaphore, #tpu.memory_space<semaphore_mem>>) src(%arg9 : memref<128x128xf32, #tpu.memory_space<vmem>>) dst(%dma_wait3A_105 : memref<128x128xf32, #tpu.memory_space<vmem_shared>>)
      tpu.yield
    }) : () -> ()
    %add3A_13 = arith.constant 256 : i32
    %add3A_14 = arith.addi %mul3A_8, %add3A_13 : i32
    "tpu.region"() ({
      %run_scoped3A_97 = tpu.sem_alloc : memref<!tpu.dma_semaphore, #tpu.memory_space<semaphore_mem>>
      %dma_start3A_98 = arith.constant 0 : i32
      %dma_start3A_99 = tpu.memref_slice %arg6[%add3A_14, %dma_start3A_98] : memref<10240x128xf32, #tpu.memory_space<vmem_shared>> -> memref<128x128xf32, #tpu.memory_space<vmem_shared>>
      %dma_start3A_100 = arith.constant 0 : i32
      %dma_start3A_101 = tpu.memref_slice %arg6[%add3A_14, %dma_start3A_100] : memref<10240x128xf32, #tpu.memory_space<vmem_shared>> -> memref<128x128xf32, #tpu.memory_space<vmem_shared>>
      tpu.enqueue_dma source(%arg9 : memref<128x128xf32, #tpu.memory_space<vmem>>) target(%dma_start3A_101 : memref<128x128xf32, #tpu.memory_space<vmem_shared>>) target_semaphore(%run_scoped3A_97 : memref<!tpu.dma_semaphore, #tpu.memory_space<semaphore_mem>>)
      %dma_wait3A_102 = arith.constant 0 : i32
      %dma_wait3A_103 = tpu.memref_slice %arg6[%add3A_14, %dma_wait3A_102] : memref<10240x128xf32, #tpu.memory_space<vmem_shared>> -> memref<128x128xf32, #tpu.memory_space<vmem_shared>>
      %dma_wait3A_104 = arith.constant 0 : i32
      %dma_wait3A_105 = tpu.memref_slice %arg6[%add3A_14, %dma_wait3A_104] : memref<10240x128xf32, #tpu.memory_space<vmem_shared>> -> memref<128x128xf32, #tpu.memory_space<vmem_shared>>
      tpu.wait_dma2 semaphore(%run_scoped3A_97 : memref<!tpu.dma_semaphore, #tpu.memory_space<semaphore_mem>>) src(%arg9 : memref<128x128xf32, #tpu.memory_space<vmem>>) dst(%dma_wait3A_105 : memref<128x128xf32, #tpu.memory_space<vmem_shared>>)
      tpu.yield
    }) : () -> ()
    %add3A_15 = arith.constant 384 : i32
    %add3A_16 = arith.addi %mul3A_8, %add3A_15 : i32
    "tpu.region"() ({
      %run_scoped3A_97 = tpu.sem_alloc : memref<!tpu.dma_semaphore, #tpu.memory_space<semaphore_mem>>
      %dma_start3A_98 = arith.constant 0 : i32
      %dma_start3A_99 = tpu.memref_slice %arg6[%add3A_16, %dma_start3A_98] : memref<10240x128xf32, #tpu.memory_space<vmem_shared>> -> memref<128x128xf32, #tpu.memory_space<vmem_shared>>
      %dma_start3A_100 = arith.constant 0 : i32
      %dma_start3A_101 = tpu.memref_slice %arg6[%add3A_16, %dma_start3A_100] : memref<10240x128xf32, #tpu.memory_space<vmem_shared>> -> memref<128x128xf32, #tpu.memory_space<vmem_shared>>
      tpu.enqueue_dma source(%arg9 : memref<128x128xf32, #tpu.memory_space<vmem>>) target(%dma_start3A_101 : memref<128x128xf32, #tpu.memory_space<vmem_shared>>) target_semaphore(%run_scoped3A_97 : memref<!tpu.dma_semaphore, #tpu.memory_space<semaphore_mem>>)
      %dma_wait3A_102 = arith.constant 0 : i32
      %dma_wait3A_103 = tpu.memref_slice %arg6[%add3A_16, %dma_wait3A_102] : memref<10240x128xf32, #tpu.memory_space<vmem_shared>> -> memref<128x128xf32, #tpu.memory_space<vmem_shared>>
      %dma_wait3A_104 = arith.constant 0 : i32
      %dma_wait3A_105 = tpu.memref_slice %arg6[%add3A_16, %dma_wait3A_104] : memref<10240x128xf32, #tpu.memory_space<vmem_shared>> -> memref<128x128xf32, #tpu.memory_space<vmem_shared>>
      tpu.wait_dma2 semaphore(%run_scoped3A_97 : memref<!tpu.dma_semaphore, #tpu.memory_space<semaphore_mem>>) src(%arg9 : memref<128x128xf32, #tpu.memory_space<vmem>>) dst(%dma_wait3A_105 : memref<128x128xf32, #tpu.memory_space<vmem_shared>>)
      tpu.yield
    }) : () -> ()
    %add3A_17 = arith.constant 512 : i32
    %add3A_18 = arith.addi %mul3A_8, %add3A_17 : i32
    "tpu.region"() ({
      %run_scoped3A_97 = tpu.sem_alloc : memref<!tpu.dma_semaphore, #tpu.memory_space<semaphore_mem>>
      %dma_start3A_98 = arith.constant 0 : i32
      %dma_start3A_99 = tpu.memref_slice %arg6[%add3A_18, %dma_start3A_98] : memref<10240x128xf32, #tpu.memory_space<vmem_shared>> -> memref<128x128xf32, #tpu.memory_space<vmem_shared>>
      %dma_start3A_100 = arith.constant 0 : i32
      %dma_start3A_101 = tpu.memref_slice %arg6[%add3A_18, %dma_start3A_100] : memref<10240x128xf32, #tpu.memory_space<vmem_shared>> -> memref<128x128xf32, #tpu.memory_space<vmem_shared>>
      tpu.enqueue_dma source(%arg9 : memref<128x128xf32, #tpu.memory_space<vmem>>) target(%dma_start3A_101 : memref<128x128xf32, #tpu.memory_space<vmem_shared>>) target_semaphore(%run_scoped3A_97 : memref<!tpu.dma_semaphore, #tpu.memory_space<semaphore_mem>>)
      %dma_wait3A_102 = arith.constant 0 : i32
      %dma_wait3A_103 = tpu.memref_slice %arg6[%add3A_18, %dma_wait3A_102] : memref<10240x128xf32, #tpu.memory_space<vmem_shared>> -> memref<128x128xf32, #tpu.memory_space<vmem_shared>>
      %dma_wait3A_104 = arith.constant 0 : i32
      %dma_wait3A_105 = tpu.memref_slice %arg6[%add3A_18, %dma_wait3A_104] : memref<10240x128xf32, #tpu.memory_space<vmem_shared>> -> memref<128x128xf32, #tpu.memory_space<vmem_shared>>
      tpu.wait_dma2 semaphore(%run_scoped3A_97 : memref<!tpu.dma_semaphore, #tpu.memory_space<semaphore_mem>>) src(%arg9 : memref<128x128xf32, #tpu.memory_space<vmem>>) dst(%dma_wait3A_105 : memref<128x128xf32, #tpu.memory_space<vmem_shared>>)
      tpu.yield
    }) : () -> ()
    %barrier3A = arith.constant 0 : index
    tpu.barrier barrier_id(%barrier3A)
    %mul3A_19 = arith.constant 80 : i32
    %mul3A_20 = arith.muli %add3A, %mul3A_19 : i32
    %add3A_21 = arith.constant 0 : i32
    %add3A_22 = arith.addi %mul3A_20, %add3A_21 : i32
    "tpu.region"() ({
      %run_scoped3A_97 = tpu.sem_alloc : memref<!tpu.dma_semaphore, #tpu.memory_space<semaphore_mem>>
      %dma_start3A_98 = arith.constant 0 : i32
      %dma_start3A_99 = tpu.memref_slice %arg3[%add3A_22, %dma_start3A_98] : memref<2560x128xi32, #tpu.memory_space<hbm>> -> memref<40x128xi32, #tpu.memory_space<hbm>>
      %dma_start3A_100 = arith.constant 0 : i32
      %dma_start3A_101 = tpu.memref_slice %arg3[%add3A_22, %dma_start3A_100] : memref<2560x128xi32, #tpu.memory_space<hbm>> -> memref<40x128xi32, #tpu.memory_space<hbm>>
      tpu.enqueue_dma source(%dma_start3A_101 : memref<40x128xi32, #tpu.memory_space<hbm>>) target(%arg7 : memref<40x128xi32, #tpu.memory_space<vmem>>) target_semaphore(%run_scoped3A_97 : memref<!tpu.dma_semaphore, #tpu.memory_space<semaphore_mem>>)
      %dma_wait3A_102 = arith.constant 0 : i32
      %dma_wait3A_103 = tpu.memref_slice %arg3[%add3A_22, %dma_wait3A_102] : memref<2560x128xi32, #tpu.memory_space<hbm>> -> memref<40x128xi32, #tpu.memory_space<hbm>>
      %dma_wait3A_104 = arith.constant 0 : i32
      %dma_wait3A_105 = tpu.memref_slice %arg3[%add3A_22, %dma_wait3A_104] : memref<2560x128xi32, #tpu.memory_space<hbm>> -> memref<40x128xi32, #tpu.memory_space<hbm>>
      tpu.wait_dma2 semaphore(%run_scoped3A_97 : memref<!tpu.dma_semaphore, #tpu.memory_space<semaphore_mem>>) src(%dma_wait3A_105 : memref<40x128xi32, #tpu.memory_space<hbm>>) dst(%arg7 : memref<40x128xi32, #tpu.memory_space<vmem>>)
      tpu.yield
    }) : () -> ()
    "tpu.region"() ({
      %run_scoped3A_97 = tpu.sem_alloc : memref<!tpu.dma_semaphore, #tpu.memory_space<semaphore_mem>>
      %dma_start3A_98 = arith.constant 0 : i32
      %dma_start3A_99 = tpu.memref_slice %arg4[%add3A_22, %dma_start3A_98] : memref<2560x128xi32, #tpu.memory_space<hbm>> -> memref<40x128xi32, #tpu.memory_space<hbm>>
      %dma_start3A_100 = arith.constant 0 : i32
      %dma_start3A_101 = tpu.memref_slice %arg4[%add3A_22, %dma_start3A_100] : memref<2560x128xi32, #tpu.memory_space<hbm>> -> memref<40x128xi32, #tpu.memory_space<hbm>>
      tpu.enqueue_dma source(%dma_start3A_101 : memref<40x128xi32, #tpu.memory_space<hbm>>) target(%arg8 : memref<40x128xi32, #tpu.memory_space<vmem>>) target_semaphore(%run_scoped3A_97 : memref<!tpu.dma_semaphore, #tpu.memory_space<semaphore_mem>>)
      %dma_wait3A_102 = arith.constant 0 : i32
      %dma_wait3A_103 = tpu.memref_slice %arg4[%add3A_22, %dma_wait3A_102] : memref<2560x128xi32, #tpu.memory_space<hbm>> -> memref<40x128xi32, #tpu.memory_space<hbm>>
      %dma_wait3A_104 = arith.constant 0 : i32
      %dma_wait3A_105 = tpu.memref_slice %arg4[%add3A_22, %dma_wait3A_104] : memref<2560x128xi32, #tpu.memory_space<hbm>> -> memref<40x128xi32, #tpu.memory_space<hbm>>
      tpu.wait_dma2 semaphore(%run_scoped3A_97 : memref<!tpu.dma_semaphore, #tpu.memory_space<semaphore_mem>>) src(%dma_wait3A_105 : memref<40x128xi32, #tpu.memory_space<hbm>>) dst(%arg8 : memref<40x128xi32, #tpu.memory_space<vmem>>)
      tpu.yield
    }) : () -> ()
    %dma_start3A = arith.constant 0 : i32
    %dma_start3A_23 = arith.constant 0 : i32
    %dma_start3A_24 = tpu.memref_slice %arg7[%dma_start3A, %dma_start3A_23] : memref<40x128xi32, #tpu.memory_space<vmem>> -> memref<1x128xi32, #tpu.memory_space<vmem>>
    %dma_start3A_25 = tpu.memref_squeeze %dma_start3A_24 : memref<1x128xi32, #tpu.memory_space<vmem>> -> memref<128xi32, #tpu.memory_space<vmem>>
    %dma_start3A_26 = arith.constant 0 : i32
    %dma_start3A_27 = arith.constant 0 : i32
    %dma_start3A_28 = tpu.memref_slice %arg2[%dma_start3A_26, %dma_start3A_27] : memref<10000x128xf32, #tpu.memory_space<hbm>> -> memref<10000x128xf32, #tpu.memory_space<hbm>>
    tpu.enqueue_indirect_dma source(%dma_start3A_28 : memref<10000x128xf32, #tpu.memory_space<hbm>>) target(%arg9 : memref<128x128xf32, #tpu.memory_space<vmem>>) offsets(%dma_start3A_25 : memref<128xi32, #tpu.memory_space<vmem>>) semaphore(%arg11 : memref<!tpu.dma_semaphore, #tpu.memory_space<semaphore_mem>>)
    %dma_start3A_29 = arith.constant 1 : i32
    %dma_start3A_30 = arith.constant 0 : i32
    %dma_start3A_31 = tpu.memref_slice %arg7[%dma_start3A_29, %dma_start3A_30] : memref<40x128xi32, #tpu.memory_space<vmem>> -> memref<1x128xi32, #tpu.memory_space<vmem>>
    %dma_start3A_32 = tpu.memref_squeeze %dma_start3A_31 : memref<1x128xi32, #tpu.memory_space<vmem>> -> memref<128xi32, #tpu.memory_space<vmem>>
    %dma_start3A_33 = arith.constant 0 : i32
    %dma_start3A_34 = arith.constant 0 : i32
    %dma_start3A_35 = tpu.memref_slice %arg2[%dma_start3A_33, %dma_start3A_34] : memref<10000x128xf32, #tpu.memory_space<hbm>> -> memref<10000x128xf32, #tpu.memory_space<hbm>>
    tpu.enqueue_indirect_dma source(%dma_start3A_35 : memref<10000x128xf32, #tpu.memory_space<hbm>>) target(%arg10 : memref<128x128xf32, #tpu.memory_space<vmem>>) offsets(%dma_start3A_32 : memref<128xi32, #tpu.memory_space<vmem>>) semaphore(%arg12 : memref<!tpu.dma_semaphore, #tpu.memory_space<semaphore_mem>>)
    %scan3A_36 = arith.constant 0 : i32
    %scan3A_37 = arith.constant 0 : i32
    %scan3A_38 = arith.constant 19 : i32
    %scan3A_39 = arith.addi %scan3A_37, %scan3A_38 : i32
    %scan3A_40 = arith.constant 1 : i32
    scf.for %scan3A_97 = %scan3A_37 to %scan3A_39 step %scan3A_40  : i32 {
      %mul3A_98 = arith.constant 2 : i32
      %mul3A_99 = arith.muli %mul3A_98, %scan3A_97 : i32
      %dma_wait3A_100 = arith.constant 0 : i32
      %dma_wait3A_101 = tpu.memref_slice %arg7[%mul3A_99, %dma_wait3A_100] : memref<40x128xi32, #tpu.memory_space<vmem>> -> memref<1x128xi32, #tpu.memory_space<vmem>>
      %dma_wait3A_102 = tpu.memref_squeeze %dma_wait3A_101 : memref<1x128xi32, #tpu.memory_space<vmem>> -> memref<128xi32, #tpu.memory_space<vmem>>
      %dma_wait3A_103 = arith.constant 0 : i32
      %dma_wait3A_104 = arith.constant 0 : i32
      %dma_wait3A_105 = tpu.memref_slice %arg2[%dma_wait3A_103, %dma_wait3A_104] : memref<10000x128xf32, #tpu.memory_space<hbm>> -> memref<10000x128xf32, #tpu.memory_space<hbm>>
      tpu.wait_indirect_dma semaphore(%arg11 : memref<!tpu.dma_semaphore, #tpu.memory_space<semaphore_mem>>) src(%dma_wait3A_105 : memref<10000x128xf32, #tpu.memory_space<hbm>>) dst(%arg9 : memref<128x128xf32, #tpu.memory_space<vmem>>)
      "tpu.region"() ({
        %run_scoped3A_132 = tpu.sem_alloc : memref<!tpu.dma_semaphore, #tpu.memory_space<semaphore_mem>>
        %dma_start3A_133 = arith.constant 0 : i32
        %dma_start3A_134 = tpu.memref_slice %arg8[%mul3A_99, %dma_start3A_133] : memref<40x128xi32, #tpu.memory_space<vmem>> -> memref<1x128xi32, #tpu.memory_space<vmem>>
        %dma_start3A_135 = tpu.memref_squeeze %dma_start3A_134 : memref<1x128xi32, #tpu.memory_space<vmem>> -> memref<128xi32, #tpu.memory_space<vmem>>
        %dma_start3A_136 = arith.constant 0 : i32
        %dma_start3A_137 = arith.constant 0 : i32
        %dma_start3A_138 = tpu.memref_slice %arg6[%dma_start3A_136, %dma_start3A_137] : memref<10240x128xf32, #tpu.memory_space<vmem_shared>> -> memref<10240x128xf32, #tpu.memory_space<vmem_shared>>
        tpu.enqueue_indirect_dma source(%arg9 : memref<128x128xf32, #tpu.memory_space<vmem>>) target(%dma_start3A_138 : memref<10240x128xf32, #tpu.memory_space<vmem_shared>>) offsets(%dma_start3A_135 : memref<128xi32, #tpu.memory_space<vmem>>) semaphore(%run_scoped3A_132 : memref<!tpu.dma_semaphore, #tpu.memory_space<semaphore_mem>>) {add = true}
        %dma_wait3A_139 = arith.constant 0 : i32
        %dma_wait3A_140 = tpu.memref_slice %arg8[%mul3A_99, %dma_wait3A_139] : memref<40x128xi32, #tpu.memory_space<vmem>> -> memref<1x128xi32, #tpu.memory_space<vmem>>
        %dma_wait3A_141 = tpu.memref_squeeze %dma_wait3A_140 : memref<1x128xi32, #tpu.memory_space<vmem>> -> memref<128xi32, #tpu.memory_space<vmem>>
        %dma_wait3A_142 = arith.constant 0 : i32
        %dma_wait3A_143 = arith.constant 0 : i32
        %dma_wait3A_144 = tpu.memref_slice %arg6[%dma_wait3A_142, %dma_wait3A_143] : memref<10240x128xf32, #tpu.memory_space<vmem_shared>> -> memref<10240x128xf32, #tpu.memory_space<vmem_shared>>
        tpu.wait_indirect_dma semaphore(%run_scoped3A_132 : memref<!tpu.dma_semaphore, #tpu.memory_space<semaphore_mem>>) src(%arg9 : memref<128x128xf32, #tpu.memory_space<vmem>>) dst(%dma_wait3A_144 : memref<10240x128xf32, #tpu.memory_space<vmem_shared>>)
        tpu.yield
      }) : () -> ()
      %add3A_106 = arith.constant 2 : i32
      %add3A_107 = arith.addi %mul3A_99, %add3A_106 : i32
      %dma_start3A_108 = arith.constant 0 : i32
      %dma_start3A_109 = tpu.memref_slice %arg7[%add3A_107, %dma_start3A_108] : memref<40x128xi32, #tpu.memory_space<vmem>> -> memref<1x128xi32, #tpu.memory_space<vmem>>
      %dma_start3A_110 = tpu.memref_squeeze %dma_start3A_109 : memref<1x128xi32, #tpu.memory_space<vmem>> -> memref<128xi32, #tpu.memory_space<vmem>>
      %dma_start3A_111 = arith.constant 0 : i32
      %dma_start3A_112 = arith.constant 0 : i32
      %dma_start3A_113 = tpu.memref_slice %arg2[%dma_start3A_111, %dma_start3A_112] : memref<10000x128xf32, #tpu.memory_space<hbm>> -> memref<10000x128xf32, #tpu.memory_space<hbm>>
      tpu.enqueue_indirect_dma source(%dma_start3A_113 : memref<10000x128xf32, #tpu.memory_space<hbm>>) target(%arg9 : memref<128x128xf32, #tpu.memory_space<vmem>>) offsets(%dma_start3A_110 : memref<128xi32, #tpu.memory_space<vmem>>) semaphore(%arg11 : memref<!tpu.dma_semaphore, #tpu.memory_space<semaphore_mem>>)
      %add3A_114 = arith.constant 1 : i32
      %add3A_115 = arith.addi %mul3A_99, %add3A_114 : i32
      %dma_wait3A_116 = arith.constant 0 : i32
      %dma_wait3A_117 = tpu.memref_slice %arg7[%add3A_115, %dma_wait3A_116] : memref<40x128xi32, #tpu.memory_space<vmem>> -> memref<1x128xi32, #tpu.memory_space<vmem>>
      %dma_wait3A_118 = tpu.memref_squeeze %dma_wait3A_117 : memref<1x128xi32, #tpu.memory_space<vmem>> -> memref<128xi32, #tpu.memory_space<vmem>>
      %dma_wait3A_119 = arith.constant 0 : i32
      %dma_wait3A_120 = arith.constant 0 : i32
      %dma_wait3A_121 = tpu.memref_slice %arg2[%dma_wait3A_119, %dma_wait3A_120] : memref<10000x128xf32, #tpu.memory_space<hbm>> -> memref<10000x128xf32, #tpu.memory_space<hbm>>
      tpu.wait_indirect_dma semaphore(%arg12 : memref<!tpu.dma_semaphore, #tpu.memory_space<semaphore_mem>>) src(%dma_wait3A_121 : memref<10000x128xf32, #tpu.memory_space<hbm>>) dst(%arg10 : memref<128x128xf32, #tpu.memory_space<vmem>>)
      %add3A_122 = arith.constant 1 : i32
      %add3A_123 = arith.addi %mul3A_99, %add3A_122 : i32
      "tpu.region"() ({
        %run_scoped3A_132 = tpu.sem_alloc : memref<!tpu.dma_semaphore, #tpu.memory_space<semaphore_mem>>
        %dma_start3A_133 = arith.constant 0 : i32
        %dma_start3A_134 = tpu.memref_slice %arg8[%add3A_123, %dma_start3A_133] : memref<40x128xi32, #tpu.memory_space<vmem>> -> memref<1x128xi32, #tpu.memory_space<vmem>>
        %dma_start3A_135 = tpu.memref_squeeze %dma_start3A_134 : memref<1x128xi32, #tpu.memory_space<vmem>> -> memref<128xi32, #tpu.memory_space<vmem>>
        %dma_start3A_136 = arith.constant 0 : i32
        %dma_start3A_137 = arith.constant 0 : i32
        %dma_start3A_138 = tpu.memref_slice %arg6[%dma_start3A_136, %dma_start3A_137] : memref<10240x128xf32, #tpu.memory_space<vmem_shared>> -> memref<10240x128xf32, #tpu.memory_space<vmem_shared>>
        tpu.enqueue_indirect_dma source(%arg10 : memref<128x128xf32, #tpu.memory_space<vmem>>) target(%dma_start3A_138 : memref<10240x128xf32, #tpu.memory_space<vmem_shared>>) offsets(%dma_start3A_135 : memref<128xi32, #tpu.memory_space<vmem>>) semaphore(%run_scoped3A_132 : memref<!tpu.dma_semaphore, #tpu.memory_space<semaphore_mem>>) {add = true}
        %dma_wait3A_139 = arith.constant 0 : i32
        %dma_wait3A_140 = tpu.memref_slice %arg8[%add3A_123, %dma_wait3A_139] : memref<40x128xi32, #tpu.memory_space<vmem>> -> memref<1x128xi32, #tpu.memory_space<vmem>>
        %dma_wait3A_141 = tpu.memref_squeeze %dma_wait3A_140 : memref<1x128xi32, #tpu.memory_space<vmem>> -> memref<128xi32, #tpu.memory_space<vmem>>
        %dma_wait3A_142 = arith.constant 0 : i32
        %dma_wait3A_143 = arith.constant 0 : i32
        %dma_wait3A_144 = tpu.memref_slice %arg6[%dma_wait3A_142, %dma_wait3A_143] : memref<10240x128xf32, #tpu.memory_space<vmem_shared>> -> memref<10240x128xf32, #tpu.memory_space<vmem_shared>>
        tpu.wait_indirect_dma semaphore(%run_scoped3A_132 : memref<!tpu.dma_semaphore, #tpu.memory_space<semaphore_mem>>) src(%arg10 : memref<128x128xf32, #tpu.memory_space<vmem>>) dst(%dma_wait3A_144 : memref<10240x128xf32, #tpu.memory_space<vmem_shared>>)
        tpu.yield
      }) : () -> ()
      %add3A_124 = arith.constant 3 : i32
      %add3A_125 = arith.addi %mul3A_99, %add3A_124 : i32
      %dma_start3A_126 = arith.constant 0 : i32
      %dma_start3A_127 = tpu.memref_slice %arg7[%add3A_125, %dma_start3A_126] : memref<40x128xi32, #tpu.memory_space<vmem>> -> memref<1x128xi32, #tpu.memory_space<vmem>>
      %dma_start3A_128 = tpu.memref_squeeze %dma_start3A_127 : memref<1x128xi32, #tpu.memory_space<vmem>> -> memref<128xi32, #tpu.memory_space<vmem>>
      %dma_start3A_129 = arith.constant 0 : i32
      %dma_start3A_130 = arith.constant 0 : i32
      %dma_start3A_131 = tpu.memref_slice %arg2[%dma_start3A_129, %dma_start3A_130] : memref<10000x128xf32, #tpu.memory_space<hbm>> -> memref<10000x128xf32, #tpu.memory_space<hbm>>
      tpu.enqueue_indirect_dma source(%dma_start3A_131 : memref<10000x128xf32, #tpu.memory_space<hbm>>) target(%arg10 : memref<128x128xf32, #tpu.memory_space<vmem>>) offsets(%dma_start3A_128 : memref<128xi32, #tpu.memory_space<vmem>>) semaphore(%arg12 : memref<!tpu.dma_semaphore, #tpu.memory_space<semaphore_mem>>)
    }
    %scan3A_41 = arith.constant 19 : i32
    %dma_wait3A = arith.constant 38 : i32
    %dma_wait3A_42 = arith.constant 0 : i32
    %dma_wait3A_43 = tpu.memref_slice %arg7[%dma_wait3A, %dma_wait3A_42] : memref<40x128xi32, #tpu.memory_space<vmem>> -> memref<1x128xi32, #tpu.memory_space<vmem>>
    %dma_wait3A_44 = tpu.memref_squeeze %dma_wait3A_43 : memref<1x128xi32, #tpu.memory_space<vmem>> -> memref<128xi32, #tpu.memory_space<vmem>>
    %dma_wait3A_45 = arith.constant 0 : i32
    %dma_wait3A_46 = arith.constant 0 : i32
    %dma_wait3A_47 = tpu.memref_slice %arg2[%dma_wait3A_45, %dma_wait3A_46] : memref<10000x128xf32, #tpu.memory_space<hbm>> -> memref<10000x128xf32, #tpu.memory_space<hbm>>
    tpu.wait_indirect_dma semaphore(%arg11 : memref<!tpu.dma_semaphore, #tpu.memory_space<semaphore_mem>>) src(%dma_wait3A_47 : memref<10000x128xf32, #tpu.memory_space<hbm>>) dst(%arg9 : memref<128x128xf32, #tpu.memory_space<vmem>>)
    %run_scoped3A = arith.constant 38 : i32
    "tpu.region"() ({
      %run_scoped3A_97 = tpu.sem_alloc : memref<!tpu.dma_semaphore, #tpu.memory_space<semaphore_mem>>
      %dma_start3A_98 = arith.constant 0 : i32
      %dma_start3A_99 = tpu.memref_slice %arg8[%run_scoped3A, %dma_start3A_98] : memref<40x128xi32, #tpu.memory_space<vmem>> -> memref<1x128xi32, #tpu.memory_space<vmem>>
      %dma_start3A_100 = tpu.memref_squeeze %dma_start3A_99 : memref<1x128xi32, #tpu.memory_space<vmem>> -> memref<128xi32, #tpu.memory_space<vmem>>
      %dma_start3A_101 = arith.constant 0 : i32
      %dma_start3A_102 = arith.constant 0 : i32
      %dma_start3A_103 = tpu.memref_slice %arg6[%dma_start3A_101, %dma_start3A_102] : memref<10240x128xf32, #tpu.memory_space<vmem_shared>> -> memref<10240x128xf32, #tpu.memory_space<vmem_shared>>
      tpu.enqueue_indirect_dma source(%arg9 : memref<128x128xf32, #tpu.memory_space<vmem>>) target(%dma_start3A_103 : memref<10240x128xf32, #tpu.memory_space<vmem_shared>>) offsets(%dma_start3A_100 : memref<128xi32, #tpu.memory_space<vmem>>) semaphore(%run_scoped3A_97 : memref<!tpu.dma_semaphore, #tpu.memory_space<semaphore_mem>>) {add = true}
      %dma_wait3A_104 = arith.constant 0 : i32
      %dma_wait3A_105 = tpu.memref_slice %arg8[%run_scoped3A, %dma_wait3A_104] : memref<40x128xi32, #tpu.memory_space<vmem>> -> memref<1x128xi32, #tpu.memory_space<vmem>>
      %dma_wait3A_106 = tpu.memref_squeeze %dma_wait3A_105 : memref<1x128xi32, #tpu.memory_space<vmem>> -> memref<128xi32, #tpu.memory_space<vmem>>
      %dma_wait3A_107 = arith.constant 0 : i32
      %dma_wait3A_108 = arith.constant 0 : i32
      %dma_wait3A_109 = tpu.memref_slice %arg6[%dma_wait3A_107, %dma_wait3A_108] : memref<10240x128xf32, #tpu.memory_space<vmem_shared>> -> memref<10240x128xf32, #tpu.memory_space<vmem_shared>>
      tpu.wait_indirect_dma semaphore(%run_scoped3A_97 : memref<!tpu.dma_semaphore, #tpu.memory_space<semaphore_mem>>) src(%arg9 : memref<128x128xf32, #tpu.memory_space<vmem>>) dst(%dma_wait3A_109 : memref<10240x128xf32, #tpu.memory_space<vmem_shared>>)
      tpu.yield
    }) : () -> ()
    %dma_wait3A_48 = arith.constant 39 : i32
    %dma_wait3A_49 = arith.constant 0 : i32
    %dma_wait3A_50 = tpu.memref_slice %arg7[%dma_wait3A_48, %dma_wait3A_49] : memref<40x128xi32, #tpu.memory_space<vmem>> -> memref<1x128xi32, #tpu.memory_space<vmem>>
    %dma_wait3A_51 = tpu.memref_squeeze %dma_wait3A_50 : memref<1x128xi32, #tpu.memory_space<vmem>> -> memref<128xi32, #tpu.memory_space<vmem>>
    %dma_wait3A_52 = arith.constant 0 : i32
    %dma_wait3A_53 = arith.constant 0 : i32
    %dma_wait3A_54 = tpu.memref_slice %arg2[%dma_wait3A_52, %dma_wait3A_53] : memref<10000x128xf32, #tpu.memory_space<hbm>> -> memref<10000x128xf32, #tpu.memory_space<hbm>>
    tpu.wait_indirect_dma semaphore(%arg12 : memref<!tpu.dma_semaphore, #tpu.memory_space<semaphore_mem>>) src(%dma_wait3A_54 : memref<10000x128xf32, #tpu.memory_space<hbm>>) dst(%arg10 : memref<128x128xf32, #tpu.memory_space<vmem>>)
    %run_scoped3A_55 = arith.constant 39 : i32
    "tpu.region"() ({
      %run_scoped3A_97 = tpu.sem_alloc : memref<!tpu.dma_semaphore, #tpu.memory_space<semaphore_mem>>
      %dma_start3A_98 = arith.constant 0 : i32
      %dma_start3A_99 = tpu.memref_slice %arg8[%run_scoped3A_55, %dma_start3A_98] : memref<40x128xi32, #tpu.memory_space<vmem>> -> memref<1x128xi32, #tpu.memory_space<vmem>>
      %dma_start3A_100 = tpu.memref_squeeze %dma_start3A_99 : memref<1x128xi32, #tpu.memory_space<vmem>> -> memref<128xi32, #tpu.memory_space<vmem>>
      %dma_start3A_101 = arith.constant 0 : i32
      %dma_start3A_102 = arith.constant 0 : i32
      %dma_start3A_103 = tpu.memref_slice %arg6[%dma_start3A_101, %dma_start3A_102] : memref<10240x128xf32, #tpu.memory_space<vmem_shared>> -> memref<10240x128xf32, #tpu.memory_space<vmem_shared>>
      tpu.enqueue_indirect_dma source(%arg10 : memref<128x128xf32, #tpu.memory_space<vmem>>) target(%dma_start3A_103 : memref<10240x128xf32, #tpu.memory_space<vmem_shared>>) offsets(%dma_start3A_100 : memref<128xi32, #tpu.memory_space<vmem>>) semaphore(%run_scoped3A_97 : memref<!tpu.dma_semaphore, #tpu.memory_space<semaphore_mem>>) {add = true}
      %dma_wait3A_104 = arith.constant 0 : i32
      %dma_wait3A_105 = tpu.memref_slice %arg8[%run_scoped3A_55, %dma_wait3A_104] : memref<40x128xi32, #tpu.memory_space<vmem>> -> memref<1x128xi32, #tpu.memory_space<vmem>>
      %dma_wait3A_106 = tpu.memref_squeeze %dma_wait3A_105 : memref<1x128xi32, #tpu.memory_space<vmem>> -> memref<128xi32, #tpu.memory_space<vmem>>
      %dma_wait3A_107 = arith.constant 0 : i32
      %dma_wait3A_108 = arith.constant 0 : i32
      %dma_wait3A_109 = tpu.memref_slice %arg6[%dma_wait3A_107, %dma_wait3A_108] : memref<10240x128xf32, #tpu.memory_space<vmem_shared>> -> memref<10240x128xf32, #tpu.memory_space<vmem_shared>>
      tpu.wait_indirect_dma semaphore(%run_scoped3A_97 : memref<!tpu.dma_semaphore, #tpu.memory_space<semaphore_mem>>) src(%arg10 : memref<128x128xf32, #tpu.memory_space<vmem>>) dst(%dma_wait3A_109 : memref<10240x128xf32, #tpu.memory_space<vmem_shared>>)
      tpu.yield
    }) : () -> ()
    %mul3A_56 = arith.constant 80 : i32
    %mul3A_57 = arith.muli %add3A, %mul3A_56 : i32
    %add3A_58 = arith.constant 40 : i32
    %add3A_59 = arith.addi %mul3A_57, %add3A_58 : i32
    "tpu.region"() ({
      %run_scoped3A_97 = tpu.sem_alloc : memref<!tpu.dma_semaphore, #tpu.memory_space<semaphore_mem>>
      %dma_start3A_98 = arith.constant 0 : i32
      %dma_start3A_99 = tpu.memref_slice %arg3[%add3A_59, %dma_start3A_98] : memref<2560x128xi32, #tpu.memory_space<hbm>> -> memref<40x128xi32, #tpu.memory_space<hbm>>
      %dma_start3A_100 = arith.constant 0 : i32
      %dma_start3A_101 = tpu.memref_slice %arg3[%add3A_59, %dma_start3A_100] : memref<2560x128xi32, #tpu.memory_space<hbm>> -> memref<40x128xi32, #tpu.memory_space<hbm>>
      tpu.enqueue_dma source(%dma_start3A_101 : memref<40x128xi32, #tpu.memory_space<hbm>>) target(%arg7 : memref<40x128xi32, #tpu.memory_space<vmem>>) target_semaphore(%run_scoped3A_97 : memref<!tpu.dma_semaphore, #tpu.memory_space<semaphore_mem>>)
      %dma_wait3A_102 = arith.constant 0 : i32
      %dma_wait3A_103 = tpu.memref_slice %arg3[%add3A_59, %dma_wait3A_102] : memref<2560x128xi32, #tpu.memory_space<hbm>> -> memref<40x128xi32, #tpu.memory_space<hbm>>
      %dma_wait3A_104 = arith.constant 0 : i32
      %dma_wait3A_105 = tpu.memref_slice %arg3[%add3A_59, %dma_wait3A_104] : memref<2560x128xi32, #tpu.memory_space<hbm>> -> memref<40x128xi32, #tpu.memory_space<hbm>>
      tpu.wait_dma2 semaphore(%run_scoped3A_97 : memref<!tpu.dma_semaphore, #tpu.memory_space<semaphore_mem>>) src(%dma_wait3A_105 : memref<40x128xi32, #tpu.memory_space<hbm>>) dst(%arg7 : memref<40x128xi32, #tpu.memory_space<vmem>>)
      tpu.yield
    }) : () -> ()
    "tpu.region"() ({
      %run_scoped3A_97 = tpu.sem_alloc : memref<!tpu.dma_semaphore, #tpu.memory_space<semaphore_mem>>
      %dma_start3A_98 = arith.constant 0 : i32
      %dma_start3A_99 = tpu.memref_slice %arg4[%add3A_59, %dma_start3A_98] : memref<2560x128xi32, #tpu.memory_space<hbm>> -> memref<40x128xi32, #tpu.memory_space<hbm>>
      %dma_start3A_100 = arith.constant 0 : i32
      %dma_start3A_101 = tpu.memref_slice %arg4[%add3A_59, %dma_start3A_100] : memref<2560x128xi32, #tpu.memory_space<hbm>> -> memref<40x128xi32, #tpu.memory_space<hbm>>
      tpu.enqueue_dma source(%dma_start3A_101 : memref<40x128xi32, #tpu.memory_space<hbm>>) target(%arg8 : memref<40x128xi32, #tpu.memory_space<vmem>>) target_semaphore(%run_scoped3A_97 : memref<!tpu.dma_semaphore, #tpu.memory_space<semaphore_mem>>)
      %dma_wait3A_102 = arith.constant 0 : i32
      %dma_wait3A_103 = tpu.memref_slice %arg4[%add3A_59, %dma_wait3A_102] : memref<2560x128xi32, #tpu.memory_space<hbm>> -> memref<40x128xi32, #tpu.memory_space<hbm>>
      %dma_wait3A_104 = arith.constant 0 : i32
      %dma_wait3A_105 = tpu.memref_slice %arg4[%add3A_59, %dma_wait3A_104] : memref<2560x128xi32, #tpu.memory_space<hbm>> -> memref<40x128xi32, #tpu.memory_space<hbm>>
      tpu.wait_dma2 semaphore(%run_scoped3A_97 : memref<!tpu.dma_semaphore, #tpu.memory_space<semaphore_mem>>) src(%dma_wait3A_105 : memref<40x128xi32, #tpu.memory_space<hbm>>) dst(%arg8 : memref<40x128xi32, #tpu.memory_space<vmem>>)
      tpu.yield
    }) : () -> ()
    %dma_start3A_60 = arith.constant 0 : i32
    %dma_start3A_61 = arith.constant 0 : i32
    %dma_start3A_62 = tpu.memref_slice %arg7[%dma_start3A_60, %dma_start3A_61] : memref<40x128xi32, #tpu.memory_space<vmem>> -> memref<1x128xi32, #tpu.memory_space<vmem>>
    %dma_start3A_63 = tpu.memref_squeeze %dma_start3A_62 : memref<1x128xi32, #tpu.memory_space<vmem>> -> memref<128xi32, #tpu.memory_space<vmem>>
    %dma_start3A_64 = arith.constant 0 : i32
    %dma_start3A_65 = arith.constant 0 : i32
    %dma_start3A_66 = tpu.memref_slice %arg2[%dma_start3A_64, %dma_start3A_65] : memref<10000x128xf32, #tpu.memory_space<hbm>> -> memref<10000x128xf32, #tpu.memory_space<hbm>>
    tpu.enqueue_indirect_dma source(%dma_start3A_66 : memref<10000x128xf32, #tpu.memory_space<hbm>>) target(%arg9 : memref<128x128xf32, #tpu.memory_space<vmem>>) offsets(%dma_start3A_63 : memref<128xi32, #tpu.memory_space<vmem>>) semaphore(%arg11 : memref<!tpu.dma_semaphore, #tpu.memory_space<semaphore_mem>>)
    %dma_start3A_67 = arith.constant 1 : i32
    %dma_start3A_68 = arith.constant 0 : i32
    %dma_start3A_69 = tpu.memref_slice %arg7[%dma_start3A_67, %dma_start3A_68] : memref<40x128xi32, #tpu.memory_space<vmem>> -> memref<1x128xi32, #tpu.memory_space<vmem>>
    %dma_start3A_70 = tpu.memref_squeeze %dma_start3A_69 : memref<1x128xi32, #tpu.memory_space<vmem>> -> memref<128xi32, #tpu.memory_space<vmem>>
    %dma_start3A_71 = arith.constant 0 : i32
    %dma_start3A_72 = arith.constant 0 : i32
    %dma_start3A_73 = tpu.memref_slice %arg2[%dma_start3A_71, %dma_start3A_72] : memref<10000x128xf32, #tpu.memory_space<hbm>> -> memref<10000x128xf32, #tpu.memory_space<hbm>>
    tpu.enqueue_indirect_dma source(%dma_start3A_73 : memref<10000x128xf32, #tpu.memory_space<hbm>>) target(%arg10 : memref<128x128xf32, #tpu.memory_space<vmem>>) offsets(%dma_start3A_70 : memref<128xi32, #tpu.memory_space<vmem>>) semaphore(%arg12 : memref<!tpu.dma_semaphore, #tpu.memory_space<semaphore_mem>>)
    %scan3A_74 = arith.constant 0 : i32
    %scan3A_75 = arith.constant 0 : i32
    %scan3A_76 = arith.constant 19 : i32
    %scan3A_77 = arith.addi %scan3A_75, %scan3A_76 : i32
    %scan3A_78 = arith.constant 1 : i32
    scf.for %scan3A_97 = %scan3A_75 to %scan3A_77 step %scan3A_78  : i32 {
      %mul3A_98 = arith.constant 2 : i32
      %mul3A_99 = arith.muli %mul3A_98, %scan3A_97 : i32
      %dma_wait3A_100 = arith.constant 0 : i32
      %dma_wait3A_101 = tpu.memref_slice %arg7[%mul3A_99, %dma_wait3A_100] : memref<40x128xi32, #tpu.memory_space<vmem>> -> memref<1x128xi32, #tpu.memory_space<vmem>>
      %dma_wait3A_102 = tpu.memref_squeeze %dma_wait3A_101 : memref<1x128xi32, #tpu.memory_space<vmem>> -> memref<128xi32, #tpu.memory_space<vmem>>
      %dma_wait3A_103 = arith.constant 0 : i32
      %dma_wait3A_104 = arith.constant 0 : i32
      %dma_wait3A_105 = tpu.memref_slice %arg2[%dma_wait3A_103, %dma_wait3A_104] : memref<10000x128xf32, #tpu.memory_space<hbm>> -> memref<10000x128xf32, #tpu.memory_space<hbm>>
      tpu.wait_indirect_dma semaphore(%arg11 : memref<!tpu.dma_semaphore, #tpu.memory_space<semaphore_mem>>) src(%dma_wait3A_105 : memref<10000x128xf32, #tpu.memory_space<hbm>>) dst(%arg9 : memref<128x128xf32, #tpu.memory_space<vmem>>)
      "tpu.region"() ({
        %run_scoped3A_132 = tpu.sem_alloc : memref<!tpu.dma_semaphore, #tpu.memory_space<semaphore_mem>>
        %dma_start3A_133 = arith.constant 0 : i32
        %dma_start3A_134 = tpu.memref_slice %arg8[%mul3A_99, %dma_start3A_133] : memref<40x128xi32, #tpu.memory_space<vmem>> -> memref<1x128xi32, #tpu.memory_space<vmem>>
        %dma_start3A_135 = tpu.memref_squeeze %dma_start3A_134 : memref<1x128xi32, #tpu.memory_space<vmem>> -> memref<128xi32, #tpu.memory_space<vmem>>
        %dma_start3A_136 = arith.constant 0 : i32
        %dma_start3A_137 = arith.constant 0 : i32
        %dma_start3A_138 = tpu.memref_slice %arg6[%dma_start3A_136, %dma_start3A_137] : memref<10240x128xf32, #tpu.memory_space<vmem_shared>> -> memref<10240x128xf32, #tpu.memory_space<vmem_shared>>
        tpu.enqueue_indirect_dma source(%arg9 : memref<128x128xf32, #tpu.memory_space<vmem>>) target(%dma_start3A_138 : memref<10240x128xf32, #tpu.memory_space<vmem_shared>>) offsets(%dma_start3A_135 : memref<128xi32, #tpu.memory_space<vmem>>) semaphore(%run_scoped3A_132 : memref<!tpu.dma_semaphore, #tpu.memory_space<semaphore_mem>>) {add = true}
        %dma_wait3A_139 = arith.constant 0 : i32
        %dma_wait3A_140 = tpu.memref_slice %arg8[%mul3A_99, %dma_wait3A_139] : memref<40x128xi32, #tpu.memory_space<vmem>> -> memref<1x128xi32, #tpu.memory_space<vmem>>
        %dma_wait3A_141 = tpu.memref_squeeze %dma_wait3A_140 : memref<1x128xi32, #tpu.memory_space<vmem>> -> memref<128xi32, #tpu.memory_space<vmem>>
        %dma_wait3A_142 = arith.constant 0 : i32
        %dma_wait3A_143 = arith.constant 0 : i32
        %dma_wait3A_144 = tpu.memref_slice %arg6[%dma_wait3A_142, %dma_wait3A_143] : memref<10240x128xf32, #tpu.memory_space<vmem_shared>> -> memref<10240x128xf32, #tpu.memory_space<vmem_shared>>
        tpu.wait_indirect_dma semaphore(%run_scoped3A_132 : memref<!tpu.dma_semaphore, #tpu.memory_space<semaphore_mem>>) src(%arg9 : memref<128x128xf32, #tpu.memory_space<vmem>>) dst(%dma_wait3A_144 : memref<10240x128xf32, #tpu.memory_space<vmem_shared>>)
        tpu.yield
      }) : () -> ()
      %add3A_106 = arith.constant 2 : i32
      %add3A_107 = arith.addi %mul3A_99, %add3A_106 : i32
      %dma_start3A_108 = arith.constant 0 : i32
      %dma_start3A_109 = tpu.memref_slice %arg7[%add3A_107, %dma_start3A_108] : memref<40x128xi32, #tpu.memory_space<vmem>> -> memref<1x128xi32, #tpu.memory_space<vmem>>
      %dma_start3A_110 = tpu.memref_squeeze %dma_start3A_109 : memref<1x128xi32, #tpu.memory_space<vmem>> -> memref<128xi32, #tpu.memory_space<vmem>>
      %dma_start3A_111 = arith.constant 0 : i32
      %dma_start3A_112 = arith.constant 0 : i32
      %dma_start3A_113 = tpu.memref_slice %arg2[%dma_start3A_111, %dma_start3A_112] : memref<10000x128xf32, #tpu.memory_space<hbm>> -> memref<10000x128xf32, #tpu.memory_space<hbm>>
      tpu.enqueue_indirect_dma source(%dma_start3A_113 : memref<10000x128xf32, #tpu.memory_space<hbm>>) target(%arg9 : memref<128x128xf32, #tpu.memory_space<vmem>>) offsets(%dma_start3A_110 : memref<128xi32, #tpu.memory_space<vmem>>) semaphore(%arg11 : memref<!tpu.dma_semaphore, #tpu.memory_space<semaphore_mem>>)
      %add3A_114 = arith.constant 1 : i32
      %add3A_115 = arith.addi %mul3A_99, %add3A_114 : i32
      %dma_wait3A_116 = arith.constant 0 : i32
      %dma_wait3A_117 = tpu.memref_slice %arg7[%add3A_115, %dma_wait3A_116] : memref<40x128xi32, #tpu.memory_space<vmem>> -> memref<1x128xi32, #tpu.memory_space<vmem>>
      %dma_wait3A_118 = tpu.memref_squeeze %dma_wait3A_117 : memref<1x128xi32, #tpu.memory_space<vmem>> -> memref<128xi32, #tpu.memory_space<vmem>>
      %dma_wait3A_119 = arith.constant 0 : i32
      %dma_wait3A_120 = arith.constant 0 : i32
      %dma_wait3A_121 = tpu.memref_slice %arg2[%dma_wait3A_119, %dma_wait3A_120] : memref<10000x128xf32, #tpu.memory_space<hbm>> -> memref<10000x128xf32, #tpu.memory_space<hbm>>
      tpu.wait_indirect_dma semaphore(%arg12 : memref<!tpu.dma_semaphore, #tpu.memory_space<semaphore_mem>>) src(%dma_wait3A_121 : memref<10000x128xf32, #tpu.memory_space<hbm>>) dst(%arg10 : memref<128x128xf32, #tpu.memory_space<vmem>>)
      %add3A_122 = arith.constant 1 : i32
      %add3A_123 = arith.addi %mul3A_99, %add3A_122 : i32
      "tpu.region"() ({
        %run_scoped3A_132 = tpu.sem_alloc : memref<!tpu.dma_semaphore, #tpu.memory_space<semaphore_mem>>
        %dma_start3A_133 = arith.constant 0 : i32
        %dma_start3A_134 = tpu.memref_slice %arg8[%add3A_123, %dma_start3A_133] : memref<40x128xi32, #tpu.memory_space<vmem>> -> memref<1x128xi32, #tpu.memory_space<vmem>>
        %dma_start3A_135 = tpu.memref_squeeze %dma_start3A_134 : memref<1x128xi32, #tpu.memory_space<vmem>> -> memref<128xi32, #tpu.memory_space<vmem>>
        %dma_start3A_136 = arith.constant 0 : i32
        %dma_start3A_137 = arith.constant 0 : i32
        %dma_start3A_138 = tpu.memref_slice %arg6[%dma_start3A_136, %dma_start3A_137] : memref<10240x128xf32, #tpu.memory_space<vmem_shared>> -> memref<10240x128xf32, #tpu.memory_space<vmem_shared>>
        tpu.enqueue_indirect_dma source(%arg10 : memref<128x128xf32, #tpu.memory_space<vmem>>) target(%dma_start3A_138 : memref<10240x128xf32, #tpu.memory_space<vmem_shared>>) offsets(%dma_start3A_135 : memref<128xi32, #tpu.memory_space<vmem>>) semaphore(%run_scoped3A_132 : memref<!tpu.dma_semaphore, #tpu.memory_space<semaphore_mem>>) {add = true}
        %dma_wait3A_139 = arith.constant 0 : i32
        %dma_wait3A_140 = tpu.memref_slice %arg8[%add3A_123, %dma_wait3A_139] : memref<40x128xi32, #tpu.memory_space<vmem>> -> memref<1x128xi32, #tpu.memory_space<vmem>>
        %dma_wait3A_141 = tpu.memref_squeeze %dma_wait3A_140 : memref<1x128xi32, #tpu.memory_space<vmem>> -> memref<128xi32, #tpu.memory_space<vmem>>
        %dma_wait3A_142 = arith.constant 0 : i32
        %dma_wait3A_143 = arith.constant 0 : i32
        %dma_wait3A_144 = tpu.memref_slice %arg6[%dma_wait3A_142, %dma_wait3A_143] : memref<10240x128xf32, #tpu.memory_space<vmem_shared>> -> memref<10240x128xf32, #tpu.memory_space<vmem_shared>>
        tpu.wait_indirect_dma semaphore(%run_scoped3A_132 : memref<!tpu.dma_semaphore, #tpu.memory_space<semaphore_mem>>) src(%arg10 : memref<128x128xf32, #tpu.memory_space<vmem>>) dst(%dma_wait3A_144 : memref<10240x128xf32, #tpu.memory_space<vmem_shared>>)
        tpu.yield
      }) : () -> ()
      %add3A_124 = arith.constant 3 : i32
      %add3A_125 = arith.addi %mul3A_99, %add3A_124 : i32
      %dma_start3A_126 = arith.constant 0 : i32
      %dma_start3A_127 = tpu.memref_slice %arg7[%add3A_125, %dma_start3A_126] : memref<40x128xi32, #tpu.memory_space<vmem>> -> memref<1x128xi32, #tpu.memory_space<vmem>>
      %dma_start3A_128 = tpu.memref_squeeze %dma_start3A_127 : memref<1x128xi32, #tpu.memory_space<vmem>> -> memref<128xi32, #tpu.memory_space<vmem>>
      %dma_start3A_129 = arith.constant 0 : i32
      %dma_start3A_130 = arith.constant 0 : i32
      %dma_start3A_131 = tpu.memref_slice %arg2[%dma_start3A_129, %dma_start3A_130] : memref<10000x128xf32, #tpu.memory_space<hbm>> -> memref<10000x128xf32, #tpu.memory_space<hbm>>
      tpu.enqueue_indirect_dma source(%dma_start3A_131 : memref<10000x128xf32, #tpu.memory_space<hbm>>) target(%arg10 : memref<128x128xf32, #tpu.memory_space<vmem>>) offsets(%dma_start3A_128 : memref<128xi32, #tpu.memory_space<vmem>>) semaphore(%arg12 : memref<!tpu.dma_semaphore, #tpu.memory_space<semaphore_mem>>)
    }
    %scan3A_79 = arith.constant 19 : i32
    %dma_wait3A_80 = arith.constant 38 : i32
    %dma_wait3A_81 = arith.constant 0 : i32
    %dma_wait3A_82 = tpu.memref_slice %arg7[%dma_wait3A_80, %dma_wait3A_81] : memref<40x128xi32, #tpu.memory_space<vmem>> -> memref<1x128xi32, #tpu.memory_space<vmem>>
    %dma_wait3A_83 = tpu.memref_squeeze %dma_wait3A_82 : memref<1x128xi32, #tpu.memory_space<vmem>> -> memref<128xi32, #tpu.memory_space<vmem>>
    %dma_wait3A_84 = arith.constant 0 : i32
    %dma_wait3A_85 = arith.constant 0 : i32
    %dma_wait3A_86 = tpu.memref_slice %arg2[%dma_wait3A_84, %dma_wait3A_85] : memref<10000x128xf32, #tpu.memory_space<hbm>> -> memref<10000x128xf32, #tpu.memory_space<hbm>>
    tpu.wait_indirect_dma semaphore(%arg11 : memref<!tpu.dma_semaphore, #tpu.memory_space<semaphore_mem>>) src(%dma_wait3A_86 : memref<10000x128xf32, #tpu.memory_space<hbm>>) dst(%arg9 : memref<128x128xf32, #tpu.memory_space<vmem>>)
    %run_scoped3A_87 = arith.constant 38 : i32
    "tpu.region"() ({
      %run_scoped3A_97 = tpu.sem_alloc : memref<!tpu.dma_semaphore, #tpu.memory_space<semaphore_mem>>
      %dma_start3A_98 = arith.constant 0 : i32
      %dma_start3A_99 = tpu.memref_slice %arg8[%run_scoped3A_87, %dma_start3A_98] : memref<40x128xi32, #tpu.memory_space<vmem>> -> memref<1x128xi32, #tpu.memory_space<vmem>>
      %dma_start3A_100 = tpu.memref_squeeze %dma_start3A_99 : memref<1x128xi32, #tpu.memory_space<vmem>> -> memref<128xi32, #tpu.memory_space<vmem>>
      %dma_start3A_101 = arith.constant 0 : i32
      %dma_start3A_102 = arith.constant 0 : i32
      %dma_start3A_103 = tpu.memref_slice %arg6[%dma_start3A_101, %dma_start3A_102] : memref<10240x128xf32, #tpu.memory_space<vmem_shared>> -> memref<10240x128xf32, #tpu.memory_space<vmem_shared>>
      tpu.enqueue_indirect_dma source(%arg9 : memref<128x128xf32, #tpu.memory_space<vmem>>) target(%dma_start3A_103 : memref<10240x128xf32, #tpu.memory_space<vmem_shared>>) offsets(%dma_start3A_100 : memref<128xi32, #tpu.memory_space<vmem>>) semaphore(%run_scoped3A_97 : memref<!tpu.dma_semaphore, #tpu.memory_space<semaphore_mem>>) {add = true}
      %dma_wait3A_104 = arith.constant 0 : i32
      %dma_wait3A_105 = tpu.memref_slice %arg8[%run_scoped3A_87, %dma_wait3A_104] : memref<40x128xi32, #tpu.memory_space<vmem>> -> memref<1x128xi32, #tpu.memory_space<vmem>>
      %dma_wait3A_106 = tpu.memref_squeeze %dma_wait3A_105 : memref<1x128xi32, #tpu.memory_space<vmem>> -> memref<128xi32, #tpu.memory_space<vmem>>
      %dma_wait3A_107 = arith.constant 0 : i32
      %dma_wait3A_108 = arith.constant 0 : i32
      %dma_wait3A_109 = tpu.memref_slice %arg6[%dma_wait3A_107, %dma_wait3A_108] : memref<10240x128xf32, #tpu.memory_space<vmem_shared>> -> memref<10240x128xf32, #tpu.memory_space<vmem_shared>>
      tpu.wait_indirect_dma semaphore(%run_scoped3A_97 : memref<!tpu.dma_semaphore, #tpu.memory_space<semaphore_mem>>) src(%arg9 : memref<128x128xf32, #tpu.memory_space<vmem>>) dst(%dma_wait3A_109 : memref<10240x128xf32, #tpu.memory_space<vmem_shared>>)
      tpu.yield
    }) : () -> ()
    %dma_wait3A_88 = arith.constant 39 : i32
    %dma_wait3A_89 = arith.constant 0 : i32
    %dma_wait3A_90 = tpu.memref_slice %arg7[%dma_wait3A_88, %dma_wait3A_89] : memref<40x128xi32, #tpu.memory_space<vmem>> -> memref<1x128xi32, #tpu.memory_space<vmem>>
    %dma_wait3A_91 = tpu.memref_squeeze %dma_wait3A_90 : memref<1x128xi32, #tpu.memory_space<vmem>> -> memref<128xi32, #tpu.memory_space<vmem>>
    %dma_wait3A_92 = arith.constant 0 : i32
    %dma_wait3A_93 = arith.constant 0 : i32
    %dma_wait3A_94 = tpu.memref_slice %arg2[%dma_wait3A_92, %dma_wait3A_93] : memref<10000x128xf32, #tpu.memory_space<hbm>> -> memref<10000x128xf32, #tpu.memory_space<hbm>>
    tpu.wait_indirect_dma semaphore(%arg12 : memref<!tpu.dma_semaphore, #tpu.memory_space<semaphore_mem>>) src(%dma_wait3A_94 : memref<10000x128xf32, #tpu.memory_space<hbm>>) dst(%arg10 : memref<128x128xf32, #tpu.memory_space<vmem>>)
    %run_scoped3A_95 = arith.constant 39 : i32
    "tpu.region"() ({
      %run_scoped3A_97 = tpu.sem_alloc : memref<!tpu.dma_semaphore, #tpu.memory_space<semaphore_mem>>
      %dma_start3A_98 = arith.constant 0 : i32
      %dma_start3A_99 = tpu.memref_slice %arg8[%run_scoped3A_95, %dma_start3A_98] : memref<40x128xi32, #tpu.memory_space<vmem>> -> memref<1x128xi32, #tpu.memory_space<vmem>>
      %dma_start3A_100 = tpu.memref_squeeze %dma_start3A_99 : memref<1x128xi32, #tpu.memory_space<vmem>> -> memref<128xi32, #tpu.memory_space<vmem>>
      %dma_start3A_101 = arith.constant 0 : i32
      %dma_start3A_102 = arith.constant 0 : i32
      %dma_start3A_103 = tpu.memref_slice %arg6[%dma_start3A_101, %dma_start3A_102] : memref<10240x128xf32, #tpu.memory_space<vmem_shared>> -> memref<10240x128xf32, #tpu.memory_space<vmem_shared>>
      tpu.enqueue_indirect_dma source(%arg10 : memref<128x128xf32, #tpu.memory_space<vmem>>) target(%dma_start3A_103 : memref<10240x128xf32, #tpu.memory_space<vmem_shared>>) offsets(%dma_start3A_100 : memref<128xi32, #tpu.memory_space<vmem>>) semaphore(%run_scoped3A_97 : memref<!tpu.dma_semaphore, #tpu.memory_space<semaphore_mem>>) {add = true}
      %dma_wait3A_104 = arith.constant 0 : i32
      %dma_wait3A_105 = tpu.memref_slice %arg8[%run_scoped3A_95, %dma_wait3A_104] : memref<40x128xi32, #tpu.memory_space<vmem>> -> memref<1x128xi32, #tpu.memory_space<vmem>>
      %dma_wait3A_106 = tpu.memref_squeeze %dma_wait3A_105 : memref<1x128xi32, #tpu.memory_space<vmem>> -> memref<128xi32, #tpu.memory_space<vmem>>
      %dma_wait3A_107 = arith.constant 0 : i32
      %dma_wait3A_108 = arith.constant 0 : i32
      %dma_wait3A_109 = tpu.memref_slice %arg6[%dma_wait3A_107, %dma_wait3A_108] : memref<10240x128xf32, #tpu.memory_space<vmem_shared>> -> memref<10240x128xf32, #tpu.memory_space<vmem_shared>>
      tpu.wait_indirect_dma semaphore(%run_scoped3A_97 : memref<!tpu.dma_semaphore, #tpu.memory_space<semaphore_mem>>) src(%arg10 : memref<128x128xf32, #tpu.memory_space<vmem>>) dst(%dma_wait3A_109 : memref<10240x128xf32, #tpu.memory_space<vmem_shared>>)
      tpu.yield
    }) : () -> ()
    %barrier3A_96 = arith.constant 0 : index
    tpu.barrier barrier_id(%barrier3A_96)
    "tpu.region"() ({
      %run_scoped3A_97 = tpu.sem_alloc : memref<!tpu.dma_semaphore, #tpu.memory_space<semaphore_mem>>
      %dma_start3A_98 = arith.constant 0 : i32
      %dma_start3A_99 = tpu.memref_slice %arg5[%arg0, %mul3A_8, %dma_start3A_98] : memref<2x10240x128xf32, #tpu.memory_space<hbm>> -> memref<1x640x128xf32, #tpu.memory_space<hbm>>
      %dma_start3A_100 = tpu.memref_squeeze %dma_start3A_99 : memref<1x640x128xf32, #tpu.memory_space<hbm>> -> memref<640x128xf32, #tpu.memory_space<hbm>>
      %dma_start3A_101 = arith.constant 0 : i32
      %dma_start3A_102 = tpu.memref_slice %arg6[%mul3A_8, %dma_start3A_101] : memref<10240x128xf32, #tpu.memory_space<vmem_shared>> -> memref<640x128xf32, #tpu.memory_space<vmem_shared>>
      tpu.enqueue_dma source(%dma_start3A_102 : memref<640x128xf32, #tpu.memory_space<vmem_shared>>) target(%dma_start3A_100 : memref<640x128xf32, #tpu.memory_space<hbm>>) target_semaphore(%run_scoped3A_97 : memref<!tpu.dma_semaphore, #tpu.memory_space<semaphore_mem>>)
      %dma_wait3A_103 = arith.constant 0 : i32
      %dma_wait3A_104 = tpu.memref_slice %arg5[%arg0, %mul3A_8, %dma_wait3A_103] : memref<2x10240x128xf32, #tpu.memory_space<hbm>> -> memref<1x640x128xf32, #tpu.memory_space<hbm>>
      %dma_wait3A_105 = tpu.memref_squeeze %dma_wait3A_104 : memref<1x640x128xf32, #tpu.memory_space<hbm>> -> memref<640x128xf32, #tpu.memory_space<hbm>>
      %dma_wait3A_106 = arith.constant 0 : i32
      %dma_wait3A_107 = tpu.memref_slice %arg6[%mul3A_8, %dma_wait3A_106] : memref<10240x128xf32, #tpu.memory_space<vmem_shared>> -> memref<640x128xf32, #tpu.memory_space<vmem_shared>>
      tpu.wait_dma2 semaphore(%run_scoped3A_97 : memref<!tpu.dma_semaphore, #tpu.memory_space<semaphore_mem>>) src(%dma_wait3A_107 : memref<640x128xf32, #tpu.memory_space<vmem_shared>>) dst(%dma_wait3A_105 : memref<640x128xf32, #tpu.memory_space<hbm>>)
      tpu.yield
    }) : () -> ()
    return
  }
}

module attributes {stable_mosaic.version = 14 : i64} {
  func.func @_mm_body(%arg0: i32, %arg1: memref<2000x128xf32, #tpu.memory_space<vmem>>, %arg2: memref<128x128xf32, #tpu.memory_space<vmem>>, %arg3: memref<2000x128xf32, #tpu.memory_space<vmem>>) attributes {dimension_semantics = [#tpu.dimension_semantics<arbitrary>], iteration_bounds = array<i64: 5>, scalar_prefetch = 0 : i64, scratch_operands = 0 : i64, tpu.core_type = #tpu.core_type<tc>, window_params = [{transform_indices = @transform_0, window_bounds = array<i64: 2000, 128>}, {pipeline_mode = #tpu.pipeline_mode<synchronous>, transform_indices = @transform_1, window_bounds = array<i64: 128, 128>}, {transform_indices = @transform_2, window_bounds = array<i64: 2000, 128>}]} {
    %get3A = arith.constant 0 : index
    %get3A_0 = arith.constant 0 : index
    %get3A_1 = vector.load %arg1[%get3A, %get3A_0] : memref<2000x128xf32, #tpu.memory_space<vmem>>, vector<2000x128xf32>
    %get3A_2 = arith.constant 0 : index
    %get3A_3 = arith.constant 0 : index
    %get3A_4 = vector.load %arg2[%get3A_2, %get3A_3] : memref<128x128xf32, #tpu.memory_space<vmem>>, vector<128x128xf32>
    %dot_general3A = arith.constant dense<0.000000e+00> : vector<2000x128xf32>
    %dot_general3A_5 = tpu.matmul %get3A_1, %get3A_4, %dot_general3A {dimension_numbers = #tpu.dot_dimension_numbers<[1], [0], [0], [1], [0, 0, 1, 1], [], []>, precision = #tpu.contract_precision<fp32>, transpose_lhs_hint = false} : vector<2000x128xf32>, vector<128x128xf32>, vector<2000x128xf32> -> vector<2000x128xf32>
    %swap3A = arith.constant 0 : index
    %swap3A_6 = arith.constant 0 : index
    %swap3A_7 = vector.load %arg3[%swap3A, %swap3A_6] : memref<2000x128xf32, #tpu.memory_space<vmem>>, vector<2000x128xf32>
    tpu.vector_store %arg3[%swap3A, %swap3A_6], %dot_general3A_5 {strides = array<i32>} : memref<2000x128xf32, #tpu.memory_space<vmem>>, vector<2000x128xf32>,
    return
  }
  func.func @transform_0(%arg0: i32) -> (i32, i32) {
    %c0_i32 = arith.constant 0 : i32
    %c0_i32_0 = arith.constant 0 : i32
    return %arg0, %c0_i32 : i32, i32
  }
  func.func @transform_1(%arg0: i32) -> (i32, i32) {
    %c0_i32 = arith.constant 0 : i32
    %c0_i32_0 = arith.constant 0 : i32
    %c0_i32_1 = arith.constant 0 : i32
    return %c0_i32, %c0_i32_0 : i32, i32
  }
  func.func @transform_2(%arg0: i32) -> (i32, i32) {
    %c0_i32 = arith.constant 0 : i32
    %c0_i32_0 = arith.constant 0 : i32
    return %arg0, %c0_i32 : i32, i32
  }
}

module attributes {stable_mosaic.version = 14 : i64} {
  func.func @_prep_body(%arg0: i32, %arg1: memref<2000x32xf32, #tpu.memory_space<vmem>>, %arg2: memref<2000x128xf32, #tpu.memory_space<vmem>>, %arg3: memref<2000x128xf32, #tpu.memory_space<vmem>>, %arg4: memref<2000x1xf32, #tpu.memory_space<vmem>>) attributes {dimension_semantics = [#tpu.dimension_semantics<arbitrary>], iteration_bounds = array<i64: 5>, scalar_prefetch = 0 : i64, scratch_operands = 0 : i64, tpu.core_type = #tpu.core_type<tc>, window_params = [{transform_indices = @transform_0, window_bounds = array<i64: 2000, 32>}, {transform_indices = @transform_1, window_bounds = array<i64: 2000, 128>}, {transform_indices = @transform_2, window_bounds = array<i64: 2000, 128>}, {transform_indices = @transform_3, window_bounds = array<i64: 2000, 1>}]} {
    %get3A = arith.constant 0 : index
    %get3A_0 = arith.constant 0 : index
    %get3A_1 = vector.load %arg1[%get3A, %get3A_0] : memref<2000x32xf32, #tpu.memory_space<vmem>>, vector<2000x32xf32>
    %reduce_sum3A = arith.constant dense<0.000000e+00> : vector<2000xf32>
    %reduce_sum3A_2 = vector.multi_reduction <add>, %get3A_1, %reduce_sum3A [1] : vector<2000x32xf32> to vector<2000xf32>
    %broadcast_in_dim3A = vector.shape_cast %reduce_sum3A_2 : vector<2000xf32> to vector<2000x1xf32>
    %add3A = arith.constant 1.000000e+00 : f32
    %add3A_3 = vector.broadcast %add3A : f32 to vector<2000x1xf32>
    %add3A_4 = arith.addf %broadcast_in_dim3A, %add3A_3 : vector<2000x1xf32>
    %rsqrt3A = math.rsqrt %add3A_4 : vector<2000x1xf32>
    %get3A_5 = arith.constant 0 : index
    %get3A_6 = arith.constant 0 : index
    %get3A_7 = vector.load %arg2[%get3A_5, %get3A_6] : memref<2000x128xf32, #tpu.memory_space<vmem>>, vector<2000x128xf32>
    %mul3A = vector.broadcast %rsqrt3A : vector<2000x1xf32> to vector<2000x128xf32>
    %mul3A_8 = arith.mulf %get3A_7, %mul3A : vector<2000x128xf32>
    %swap3A = arith.constant 0 : index
    %swap3A_9 = arith.constant 0 : index
    %swap3A_10 = vector.load %arg3[%swap3A, %swap3A_9] : memref<2000x128xf32, #tpu.memory_space<vmem>>, vector<2000x128xf32>
    tpu.vector_store %arg3[%swap3A, %swap3A_9], %mul3A_8 {strides = array<i32>} : memref<2000x128xf32, #tpu.memory_space<vmem>>, vector<2000x128xf32>,
    %swap3A_11 = arith.constant 0 : index
    %swap3A_12 = arith.constant 0 : index
    %swap3A_13 = vector.load %arg4[%swap3A_11, %swap3A_12] : memref<2000x1xf32, #tpu.memory_space<vmem>>, vector<2000x1xf32>
    tpu.vector_store %arg4[%swap3A_11, %swap3A_12], %rsqrt3A {strides = array<i32>} : memref<2000x1xf32, #tpu.memory_space<vmem>>, vector<2000x1xf32>,
    return
  }
  func.func @transform_0(%arg0: i32) -> (i32, i32) {
    %c0_i32 = arith.constant 0 : i32
    %c0_i32_0 = arith.constant 0 : i32
    return %arg0, %c0_i32 : i32, i32
  }
  func.func @transform_1(%arg0: i32) -> (i32, i32) {
    %c0_i32 = arith.constant 0 : i32
    %c0_i32_0 = arith.constant 0 : i32
    return %arg0, %c0_i32 : i32, i32
  }
  func.func @transform_2(%arg0: i32) -> (i32, i32) {
    %c0_i32 = arith.constant 0 : i32
    %c0_i32_0 = arith.constant 0 : i32
    return %arg0, %c0_i32 : i32, i32
  }
  func.func @transform_3(%arg0: i32) -> (i32, i32) {
    %c0_i32 = arith.constant 0 : i32
    %c0_i32_0 = arith.constant 0 : i32
    return %arg0, %c0_i32 : i32, i32
  }
}

module attributes {stable_mosaic.version = 14 : i64} {
  func.func @_mid_body(%arg0: i32, %arg1: memref<2x2000x128xf32, #tpu.memory_space<vmem>>, %arg2: memref<2000x128xf32, #tpu.memory_space<vmem>>, %arg3: memref<2000x1xf32, #tpu.memory_space<vmem>>, %arg4: memref<2x128xf32, #tpu.memory_space<vmem>>, %arg5: memref<128x128xf32, #tpu.memory_space<vmem>>, %arg6: memref<2000x128xf32, #tpu.memory_space<vmem>>) attributes {dimension_semantics = [#tpu.dimension_semantics<arbitrary>], iteration_bounds = array<i64: 5>, scalar_prefetch = 0 : i64, scratch_operands = 0 : i64, tpu.core_type = #tpu.core_type<tc>, window_params = [{transform_indices = @transform_0, window_bounds = array<i64: 2, 2000, 128>}, {transform_indices = @transform_1, window_bounds = array<i64: 2000, 128>}, {transform_indices = @transform_2, window_bounds = array<i64: 2000, 1>}, {pipeline_mode = #tpu.pipeline_mode<synchronous>, transform_indices = @transform_3, window_bounds = array<i64: 2, 128>}, {pipeline_mode = #tpu.pipeline_mode<synchronous>, transform_indices = @transform_4, window_bounds = array<i64: 128, 128>}, {transform_indices = @transform_5, window_bounds = array<i64: 2000, 128>}]} {
    %get3A = arith.constant 0 : index
    %get3A_0 = arith.constant 0 : index
    %get3A_1 = vector.load %arg3[%get3A, %get3A_0] : memref<2000x1xf32, #tpu.memory_space<vmem>>, vector<2000x1xf32>
    %get3A_2 = arith.constant 0 : index
    %get3A_3 = arith.constant 0 : index
    %get3A_4 = vector.load %arg2[%get3A_2, %get3A_3] : memref<2000x128xf32, #tpu.memory_space<vmem>>, vector<2000x128xf32>
    %get3A_5 = arith.constant 0 : index
    %get3A_6 = arith.constant 0 : index
    %get3A_7 = arith.constant 0 : index
    %get3A_8 = vector.load %arg1[%get3A_5, %get3A_6, %get3A_7] : memref<2x2000x128xf32, #tpu.memory_space<vmem>>, vector<1x2000x128xf32>
    %get3A_9 = vector.shape_cast %get3A_8 : vector<1x2000x128xf32> to vector<2000x128xf32>
    %add3A = arith.addf %get3A_4, %get3A_9 : vector<2000x128xf32>
    %get3A_10 = arith.constant 1 : index
    %get3A_11 = arith.constant 0 : index
    %get3A_12 = arith.constant 0 : index
    %get3A_13 = vector.load %arg1[%get3A_10, %get3A_11, %get3A_12] : memref<2x2000x128xf32, #tpu.memory_space<vmem>>, vector<1x2000x128xf32>
    %get3A_14 = vector.shape_cast %get3A_13 : vector<1x2000x128xf32> to vector<2000x128xf32>
    %add3A_15 = arith.addf %add3A, %get3A_14 : vector<2000x128xf32>
    %mul3A = vector.broadcast %get3A_1 : vector<2000x1xf32> to vector<2000x128xf32>
    %mul3A_16 = arith.mulf %mul3A, %add3A_15 : vector<2000x128xf32>
    %get3A_17 = arith.constant 0 : index
    %get3A_18 = arith.constant 0 : index
    %get3A_19 = vector.load %arg4[%get3A_17, %get3A_18] : memref<2x128xf32, #tpu.memory_space<vmem>>, vector<1x128xf32>
    %mul3A_20 = vector.broadcast %get3A_19 : vector<1x128xf32> to vector<2000x128xf32>
    %mul3A_21 = arith.mulf %mul3A_16, %mul3A_20 : vector<2000x128xf32>
    %get3A_22 = arith.constant 1 : index
    %get3A_23 = arith.constant 0 : index
    %get3A_24 = vector.load %arg4[%get3A_22, %get3A_23] : memref<2x128xf32, #tpu.memory_space<vmem>>, vector<1x128xf32>
    %add3A_25 = vector.broadcast %get3A_24 : vector<1x128xf32> to vector<2000x128xf32>
    %add3A_26 = arith.addf %mul3A_21, %add3A_25 : vector<2000x128xf32>
    %max3A = arith.constant 0.000000e+00 : f32
    %max3A_27 = vector.broadcast %max3A : f32 to vector<2000x128xf32>
    %max3A_28 = arith.maximumf %add3A_26, %max3A_27 : vector<2000x128xf32>
    %get3A_29 = arith.constant 0 : index
    %get3A_30 = arith.constant 0 : index
    %get3A_31 = vector.load %arg5[%get3A_29, %get3A_30] : memref<128x128xf32, #tpu.memory_space<vmem>>, vector<128x128xf32>
    %dot_general3A = arith.constant dense<0.000000e+00> : vector<2000x128xf32>
    %dot_general3A_32 = tpu.matmul %max3A_28, %get3A_31, %dot_general3A {dimension_numbers = #tpu.dot_dimension_numbers<[1], [0], [0], [1], [0, 0, 1, 1], [], []>, precision = #tpu.contract_precision<fp32>, transpose_lhs_hint = false} : vector<2000x128xf32>, vector<128x128xf32>, vector<2000x128xf32> -> vector<2000x128xf32>
    %mul3A_33 = vector.broadcast %get3A_1 : vector<2000x1xf32> to vector<2000x128xf32>
    %mul3A_34 = arith.mulf %dot_general3A_32, %mul3A_33 : vector<2000x128xf32>
    %swap3A = arith.constant 0 : index
    %swap3A_35 = arith.constant 0 : index
    %swap3A_36 = vector.load %arg6[%swap3A, %swap3A_35] : memref<2000x128xf32, #tpu.memory_space<vmem>>, vector<2000x128xf32>
    tpu.vector_store %arg6[%swap3A, %swap3A_35], %mul3A_34 {strides = array<i32>} : memref<2000x128xf32, #tpu.memory_space<vmem>>, vector<2000x128xf32>,
    return
  }
  func.func @transform_0(%arg0: i32) -> (i32, i32, i32) {
    %c0_i32 = arith.constant 0 : i32
    %c0_i32_0 = arith.constant 0 : i32
    %c0_i32_1 = arith.constant 0 : i32
    return %c0_i32, %arg0, %c0_i32_0 : i32, i32, i32
  }
  func.func @transform_1(%arg0: i32) -> (i32, i32) {
    %c0_i32 = arith.constant 0 : i32
    %c0_i32_0 = arith.constant 0 : i32
    return %arg0, %c0_i32 : i32, i32
  }
  func.func @transform_2(%arg0: i32) -> (i32, i32) {
    %c0_i32 = arith.constant 0 : i32
    %c0_i32_0 = arith.constant 0 : i32
    return %arg0, %c0_i32 : i32, i32
  }
  func.func @transform_3(%arg0: i32) -> (i32, i32) {
    %c0_i32 = arith.constant 0 : i32
    %c0_i32_0 = arith.constant 0 : i32
    %c0_i32_1 = arith.constant 0 : i32
    return %c0_i32, %c0_i32_0 : i32, i32
  }
  func.func @transform_4(%arg0: i32) -> (i32, i32) {
    %c0_i32 = arith.constant 0 : i32
    %c0_i32_0 = arith.constant 0 : i32
    %c0_i32_1 = arith.constant 0 : i32
    return %c0_i32, %c0_i32_0 : i32, i32
  }
  func.func @transform_5(%arg0: i32) -> (i32, i32) {
    %c0_i32 = arith.constant 0 : i32
    %c0_i32_0 = arith.constant 0 : i32
    return %arg0, %c0_i32 : i32, i32
  }
}

module attributes {stable_mosaic.version = 14 : i64} {
  func.func @_final_body(%arg0: memref<2x10240x128xf32, #tpu.memory_space<vmem>>, %arg1: memref<10000x128xf32, #tpu.memory_space<vmem>>, %arg2: memref<10000x1xf32, #tpu.memory_space<vmem>>, %arg3: memref<1x128xf32, #tpu.memory_space<vmem>>, %arg4: memref<1x10000xi32, #tpu.memory_space<vmem>>, %arg5: memref<128x128xf32, #tpu.memory_space<vmem>>, %arg6: memref<1x128xf32, #tpu.memory_space<vmem>>, %arg7: memref<64x10xf32, #tpu.memory_space<vmem>>) attributes {dimension_semantics = [], scalar_prefetch = 0 : i64, scratch_operands = 0 : i64, tpu.core_type = #tpu.core_type<tc>} {
    %get3A = arith.constant 0 : index
    %get3A_0 = arith.constant 0 : index
    %get3A_1 = vector.load %arg2[%get3A, %get3A_0] : memref<10000x1xf32, #tpu.memory_space<vmem>>, vector<10000x1xf32>
    %get3A_2 = arith.constant 0 : index
    %get3A_3 = arith.constant 0 : index
    %get3A_4 = vector.load %arg1[%get3A_2, %get3A_3] : memref<10000x128xf32, #tpu.memory_space<vmem>>, vector<10000x128xf32>
    %get3A_5 = arith.constant 0 : index
    %get3A_6 = arith.constant 0 : index
    %get3A_7 = arith.constant 0 : index
    %get3A_8 = vector.load %arg0[%get3A_5, %get3A_6, %get3A_7] : memref<2x10240x128xf32, #tpu.memory_space<vmem>>, vector<1x10240x128xf32>
    %get3A_9 = vector.shape_cast %get3A_8 : vector<1x10240x128xf32> to vector<10240x128xf32>
    %slice3A = vector.extract_strided_slice %get3A_9 {offsets = [0, 0], sizes = [10000, 128], strides = [1, 1]} : vector<10240x128xf32> to vector<10000x128xf32>
    %add3A = arith.addf %get3A_4, %slice3A : vector<10000x128xf32>
    %get3A_10 = arith.constant 1 : index
    %get3A_11 = arith.constant 0 : index
    %get3A_12 = arith.constant 0 : index
    %get3A_13 = vector.load %arg0[%get3A_10, %get3A_11, %get3A_12] : memref<2x10240x128xf32, #tpu.memory_space<vmem>>, vector<1x10240x128xf32>
    %get3A_14 = vector.shape_cast %get3A_13 : vector<1x10240x128xf32> to vector<10240x128xf32>
    %slice3A_15 = vector.extract_strided_slice %get3A_14 {offsets = [0, 0], sizes = [10000, 128], strides = [1, 1]} : vector<10240x128xf32> to vector<10000x128xf32>
    %add3A_16 = arith.addf %add3A, %slice3A_15 : vector<10000x128xf32>
    %mul3A = vector.broadcast %get3A_1 : vector<10000x1xf32> to vector<10000x128xf32>
    %mul3A_17 = arith.mulf %mul3A, %add3A_16 : vector<10000x128xf32>
    %get3A_18 = arith.constant 0 : index
    %get3A_19 = arith.constant 0 : index
    %get3A_20 = vector.load %arg3[%get3A_18, %get3A_19] : memref<1x128xf32, #tpu.memory_space<vmem>>, vector<1x128xf32>
    %add3A_21 = vector.broadcast %get3A_20 : vector<1x128xf32> to vector<10000x128xf32>
    %add3A_22 = arith.addf %mul3A_17, %add3A_21 : vector<10000x128xf32>
    %max3A = arith.constant 0.000000e+00 : f32
    %max3A_23 = vector.broadcast %max3A : f32 to vector<10000x128xf32>
    %max3A_24 = arith.maximumf %add3A_22, %max3A_23 : vector<10000x128xf32>
    %iota3A = tpu.iota {dimensions = array<i32: 0>} : vector<64x10000xi32>
    %get3A_25 = arith.constant 0 : index
    %get3A_26 = arith.constant 0 : index
    %get3A_27 = vector.load %arg4[%get3A_25, %get3A_26] : memref<1x10000xi32, #tpu.memory_space<vmem>>, vector<1x10000xi32>
    %eq3A = vector.broadcast %get3A_27 : vector<1x10000xi32> to vector<64x10000xi32>
    %eq3A_28 = arith.cmpi eq, %iota3A, %eq3A : vector<64x10000xi32>
    %convert_element_type3A = arith.extui %eq3A_28 : vector<64x10000xi1> to vector<64x10000xi32>
    %convert_element_type3A_29 = arith.sitofp %convert_element_type3A : vector<64x10000xi32> to vector<64x10000xf32>
    %dot_general3A = arith.constant dense<0.000000e+00> : vector<64x128xf32>
    %dot_general3A_30 = tpu.matmul %convert_element_type3A_29, %max3A_24, %dot_general3A {dimension_numbers = #tpu.dot_dimension_numbers<[1], [0], [0], [1], [0, 0, 1, 1], [], []>, precision = #tpu.contract_precision<fp32>, transpose_lhs_hint = false} : vector<64x10000xf32>, vector<10000x128xf32>, vector<64x128xf32> -> vector<64x128xf32>
    %reduce_sum3A = arith.constant dense<0.000000e+00> : vector<64xf32>
    %reduce_sum3A_31 = vector.multi_reduction <add>, %convert_element_type3A_29, %reduce_sum3A [1] : vector<64x10000xf32> to vector<64xf32>
    %broadcast_in_dim3A = vector.shape_cast %reduce_sum3A_31 : vector<64xf32> to vector<64x1xf32>
    %max3A_32 = arith.constant 1.000000e+00 : f32
    %max3A_33 = vector.broadcast %max3A_32 : f32 to vector<64x1xf32>
    %max3A_34 = arith.maximumf %broadcast_in_dim3A, %max3A_33 : vector<64x1xf32>
    %div3A = vector.broadcast %max3A_34 : vector<64x1xf32> to vector<64x128xf32>
    %div3A_35 = arith.divf %dot_general3A_30, %div3A : vector<64x128xf32>
    %get3A_36 = arith.constant 0 : index
    %get3A_37 = arith.constant 0 : index
    %get3A_38 = vector.load %arg5[%get3A_36, %get3A_37] : memref<128x128xf32, #tpu.memory_space<vmem>>, vector<128x128xf32>
    %dot_general3A_39 = arith.constant dense<0.000000e+00> : vector<64x128xf32>
    %dot_general3A_40 = tpu.matmul %div3A_35, %get3A_38, %dot_general3A_39 {dimension_numbers = #tpu.dot_dimension_numbers<[1], [0], [0], [1], [0, 0, 1, 1], [], []>, precision = #tpu.contract_precision<fp32>, transpose_lhs_hint = false} : vector<64x128xf32>, vector<128x128xf32>, vector<64x128xf32> -> vector<64x128xf32>
    %get3A_41 = arith.constant 0 : index
    %get3A_42 = arith.constant 0 : index
    %get3A_43 = vector.load %arg6[%get3A_41, %get3A_42] : memref<1x128xf32, #tpu.memory_space<vmem>>, vector<1x128xf32>
    %add3A_44 = vector.broadcast %get3A_43 : vector<1x128xf32> to vector<64x128xf32>
    %add3A_45 = arith.addf %dot_general3A_40, %add3A_44 : vector<64x128xf32>
    %reduce_max3A = arith.constant dense<0xFF800000> : vector<64xf32>
    %reduce_max3A_46 = vector.multi_reduction <maximumf>, %add3A_45, %reduce_max3A [1] : vector<64x128xf32> to vector<64xf32>
    %broadcast_in_dim3A_47 = vector.shape_cast %reduce_max3A_46 : vector<64xf32> to vector<64x1xf32>
    %sub3A = vector.broadcast %broadcast_in_dim3A_47 : vector<64x1xf32> to vector<64x128xf32>
    %sub3A_48 = arith.subf %add3A_45, %sub3A : vector<64x128xf32>
    %exp3A = math.exp %sub3A_48 : vector<64x128xf32>
    %reduce_sum3A_49 = arith.constant dense<0.000000e+00> : vector<64xf32>
    %reduce_sum3A_50 = vector.multi_reduction <add>, %exp3A, %reduce_sum3A_49 [1] : vector<64x128xf32> to vector<64xf32>
    %broadcast_in_dim3A_51 = vector.shape_cast %reduce_sum3A_50 : vector<64xf32> to vector<64x1xf32>
    %log3A = math.log %broadcast_in_dim3A_51 : vector<64x1xf32>
    %sub3A_52 = vector.broadcast %broadcast_in_dim3A_47 : vector<64x1xf32> to vector<64x128xf32>
    %sub3A_53 = arith.subf %add3A_45, %sub3A_52 : vector<64x128xf32>
    %sub3A_54 = vector.broadcast %log3A : vector<64x1xf32> to vector<64x128xf32>
    %sub3A_55 = arith.subf %sub3A_53, %sub3A_54 : vector<64x128xf32>
    %slice3A_56 = vector.extract_strided_slice %sub3A_55 {offsets = [0, 0], sizes = [64, 10], strides = [1, 1]} : vector<64x128xf32> to vector<64x10xf32>
    %swap3A = arith.constant 0 : index
    %swap3A_57 = arith.constant 0 : index
    %swap3A_58 = vector.load %arg7[%swap3A, %swap3A_57] : memref<64x10xf32, #tpu.memory_space<vmem>>, vector<64x10xf32>
    tpu.vector_store %arg7[%swap3A, %swap3A_57], %slice3A_56 {strides = array<i32>} : memref<64x10xf32, #tpu.memory_space<vmem>>, vector<64x10xf32>,
    return
  }
}

</mosaic_0001>

<sc_bundles>
// kernel: kernel.11.cloned.1.call-start
scs
__scs_entry_jumppad:
0x0: {  	(pc) =	sbr.rel $0x88, $3  }
0x1: {  	(tag) =	ssettag $0x0;
	lr =	simm.s32 $0x1  }
0x2: {  	[smem:$0x3F92] =	sst lr;
	_ =	strace $0xD0000000  }
0x3: {  	_ = 	snop  }
0x4: {  	_ = 	snop  }
0x5: {  	_ = 	snop  }
0x6: {  	_ = 	snop  }
0x7: {  	_ = 	snop  }
__scs_overlays_trampoline_lowered:
0x8: {  	[smem:$0x3FA1] =	sst s0  }
0x9: {  	[smem:$0x3FA2] =	sst s1  }
0xa: {  	[smem:$0x3FA3] =	sst s2  }
0xb: {  	[smem:$0x3FA4] =	sst s3  }
0xc: {  	[smem:$0x3FA5] =	sst s4  }
0xd: {  	[smem:$0x3FA6] =	sst s5  }
0xe: {  	[smem:$0x3FA7] =	sst s6  }
0xf: {  	[smem:$0x3FA8] =	sst s7  }
0x10: {  	[smem:$0x3FA9] =	sst s8  }
0x11: {  	[smem:$0x3FAA] =	sst s9;
	s0 =	simm.s32 @!p0 $0x0  }
0x12: {  	s1 =	sld [smem:$0x3F90];
	s0 =	simm.s32 @p0 $0x1  }
0x13: {  	[smem:$0x3FAB] =	sst s0;
	s0 =	simm.s32 @!p1 $0x0  }
0x14: {  	s2 =	sld [smem:$0x3F8F];
	s0 =	simm.s32 @p1 $0x1  }
0x15: {  	[smem:$0x3FAC] =	sst s0;
	s0 =	simm.s32 @!p2 $0x0  }
0x16: {  	s3 =	sld [smem:$0x3FDB];
	s0 =	simm.s32 @p2 $0x1  }
0x17: {  	s4 =	simm.s32 $0x1BF5;
	[smem:$0x3FAE] =	sst s0  }
0x18: {  	s0 =	sld [smem:$0x3F91];
	_ =	swait.ge [sflag:s4], $0x0  }
0x19: {  	s7 =	sld [smem:$0x3F92]  }
0x1a: {  	s8 =	sadd.s32 $0xFFFFE003, lr  }
0x1b: {  	s9 =	sadd.s32 $0xFFFFFEF7, lr;
	s5 =	simm.s32 $0xFFFFFFFF;
	p2 =	slt.u32 s8, $0xFFFFF086  }
0x1c: {  	p1 =	slt.u32 s9, $0xF7A;
	s5 =	simm.s32 @!p2 $0x0  }
0x1d: {  	s5 =	simm.s32 @p1 $0x1;
	p0 =	seq.s32 s7, s2  }
0x1e: {  	s7 =	smul.u32 @!p0 $0xF7A, s2;
	p2 =	seq.s32 @!p0 s5, $0x0  }
0x1f: {  	s9 =	smul.u32 $0xF7A, s1;
	s8 =	simm.s32 @!p0 $0x1BF5;
	p2 =	por !p2, p0  }
0x20: {  	[sflag:s8] =	ssyncset.s32 @!p0 $0xFFFFF086;
	s6 =	sadd.s32 @!p0 s3, s7;
	s7 =	simm.s32 @!p0 $0x108  }
0x21: {  	s3 =	sadd.s32 s3, s9;
	s6 =	sadd.s32 @!p0 $0x88, s6;
	s7 =	simm.s32 @p2 $0x1082  }
0x22: {  	[simem:s7], [sflag:s8] =	dma.local @!p0 [hbm:s6], $0xF7A  }
0x23: {  	s9 =	sor.u32 $0xD0000000, s2;
	s6 =	simm.s32 $0x108;
	_ =	swait.ge @!p0 [sflag:s8], $0x0  }
0x24: {  	s3 =	sadd.s32 $0x88, s3;
	s6 =	simm.s32 @!p1 $0x1082;
	[sflag:s4] =	ssyncset.s32 $0xFFFFF086  }
0x25: {  	[simem:s6], [sflag:s4] =	dma.local [hbm:s3], $0xF7A  }
0x26: {  	[smem:$0x3F92] =	sst s1;
	(tag) =	ssettag s2;
	_ =	strace s9  }
0x27: {  	s1 =	sld [smem:$0x3FA2]  }
0x28: {  	s2 =	sld [smem:$0x3FA3]  }
0x29: {  	s4 =	sld [smem:$0x3FA5]  }
0x2a: {  	p0 =	seq.s32 s5, $0x0;
	s5 =	sld [smem:$0x3FA6]  }
0x2b: {  	s6 =	sld [smem:$0x3FA7]  }
0x2c: {  	s7 =	sld [smem:$0x3FA8]  }
0x2d: {  	s3 =	simm.s32 $0x108;
	s8 =	sld [smem:$0x3FA9]  }
0x2e: {  	s3 =	simm.s32 @!p0 $0x1082;
	s9 =	sld [smem:$0x3FAA]  }
0x2f: {  	lr =	sadd.s32 s0, s3;
	s0 =	sld [smem:$0x3FA1]  }
0x30: {  	s3 =	sld [smem:$0x3FA4]  }
0x31: {  	[smem:$0x3FAD] =	sst s10  }
0x32: {  	s10 =	sld [smem:$0x3FAB];
	_ =	sdelay $0x3  }
0x33: {  	p0 =	seq.s32 s10, $0x1;
	s10 =	sld [smem:$0x3FAD];
	_ =	sdelay $0x3  }
0x34: {  	[smem:$0x3FAD] =	sst s10  }
0x35: {  	s10 =	sld [smem:$0x3FAC];
	_ =	sdelay $0x3  }
0x36: {  	p1 =	seq.s32 s10, $0x1;
	s10 =	sld [smem:$0x3FAD];
	_ =	sdelay $0x3  }
0x37: {  	[smem:$0x3FAD] =	sst s10  }
0x38: {  	s10 =	sld [smem:$0x3FAE]  }
0x39: {  	_ = 	snop;
	(pc) =	sbr.ind lr, $3  }
0x3a: {  	_ = 	snop  }
0x3b: {  	_ = 	snop  }
0x3c: {  	p2 =	seq.s32 s10, $0x1;
	s10 =	sld [smem:$0x3FAD]  }
0x3d: {  	_ =	shalt  }
0x3e: {  	_ =	shalt  }
0x3f: {  	_ =	shalt  }
0x40: {  	_ =	shalt  }
0x41: {  	_ =	shalt  }
0x42: {  	_ =	shalt  }
0x43: {  	_ =	shalt  }
0x44: {  	_ =	shalt  }
0x45: {  	_ =	shalt  }
0x46: {  	_ =	shalt  }
0x47: {  	_ =	shalt  }
0x48: {  	_ =	shalt  }
0x49: {  	_ =	shalt  }
0x4a: {  	_ =	shalt  }
0x4b: {  	_ =	shalt  }
0x4c: {  	_ =	shalt  }
0x4d: {  	_ =	shalt  }
0x4e: {  	_ =	shalt  }
0x4f: {  	_ =	shalt  }
0x50: {  	_ =	shalt  }
0x51: {  	_ =	shalt  }
0x52: {  	_ =	shalt  }
0x53: {  	_ =	shalt  }
0x54: {  	_ =	shalt  }
0x55: {  	_ =	shalt  }
0x56: {  	_ =	shalt  }
0x57: {  	_ =	shalt  }
0x58: {  	_ =	shalt  }
0x59: {  	_ =	shalt  }
0x5a: {  	_ =	shalt  }
0x5b: {  	_ =	shalt  }
0x5c: {  	_ =	shalt  }
0x5d: {  	_ =	shalt  }
0x5e: {  	_ =	shalt  }
0x5f: {  	_ =	shalt  }
0x60: {  	_ =	shalt  }
0x61: {  	_ =	shalt  }
0x62: {  	_ =	shalt  }
0x63: {  	_ =	shalt  }
0x64: {  	_ =	shalt  }
0x65: {  	_ =	shalt  }
0x66: {  	_ =	shalt  }
0x67: {  	_ =	shalt  }
0x68: {  	_ =	shalt  }
0x69: {  	_ =	shalt  }
0x6a: {  	_ =	shalt  }
0x6b: {  	_ =	shalt  }
0x6c: {  	_ =	shalt  }
0x6d: {  	_ =	shalt  }
0x6e: {  	_ =	shalt  }
0x6f: {  	_ =	shalt  }
0x70: {  	_ =	shalt  }
0x71: {  	_ =	shalt  }
0x72: {  	_ =	shalt  }
0x73: {  	_ =	shalt  }
0x74: {  	_ =	shalt  }
0x75: {  	_ =	shalt  }
0x76: {  	_ =	shalt  }
0x77: {  	_ =	shalt  }
0x78: {  	_ =	shalt  }
0x79: {  	_ =	shalt  }
0x7a: {  	_ =	shalt  }
0x7b: {  	_ =	shalt  }
0x7c: {  	_ =	shalt  }
0x7d: {  	_ =	shalt  }
0x7e: {  	_ =	shalt  }
0x7f: {  	_ =	shalt  }
0x80: {  	_ =	shalt  }
0x81: {  	_ =	shalt  }
0x82: {  	_ =	shalt  }
0x83: {  	_ =	shalt  }
0x84: {  	_ =	shalt  }
0x85: {  	_ =	shalt  }
0x86: {  	_ =	shalt  }
0x87: {  	_ =	shalt  }
.Lfunc_end0:
.L_simem_size_0:
called_computation_lowered:
.L_overlay_start_0:
0x88: {  	s2 =	sld [smem:$0x3FD9]  }
0x89: {  	s3 =	sld [smem:$0x3FFE];
	_ =	sdelay $0x1  }
0x8a: {  	s1 =	srdreg.scid  }
0x8b: {  	s0 =	sand.u32 $0x1, s1  }
0x8c: {  	s16 =	sshll.u32 s0, $0xA;
	s2 =	sadd.s32 s3, s2  }
0x8d: {  	s2 =	sadd.s32 s2, s16  }
0x8e: {  	[smem:$0x3FB9] =	sst s2  }
0x8f: {  	_ = 	snop  }
0x90: {  	(tm) =	ssettm $0x1  }
0x91: {  	s17 =	sld [smem:$0x3FFB];
	_ =	sdelay $0x3  }
0x92: {  	_ =	strace s17  }
0x93: {  	s2 =	sld [smem:$0x3FFC];
	_ =	sdelay $0x3  }
0x94: {  	_ =	strace s2  }
0x95: {  	s2 =	sld [smem:$0x3FFD];
	_ =	sdelay $0x3  }
0x96: {  	_ =	strace s2  }
0x97: {  	_ =	strace $0x8FFFFFFF  }
0x98: {  	s18 =	sld [smem:$0x3FDB];
	_ =	sdelay $0x1  }
0x99: {  	s19 =	simm.s32 $_scs_section_size  }
0x9a: {  	s4 =	simm.s32 $_size__tile_overlayer_lowered;
	s5 =	simm.s32 $_tile_overlayer_lowered  }
0x9b: {  	s22 =	simm.s32 $0x1BFF;
	s21 =	sshll.u32 s5, $0x1;
	s2 =	sadd.s32 s19, s18  }
0x9c: {  	s6 =	simm.s32 $0x0;
	s20 =	sshll.u32 s4, $0x1;
	s4 =	sadd.s32 s21, s2  }
0x9d: {  	[timem:s6], [sflag:s22] =	dma.local [hbm:s4], s20  }
0x9e: {  	_ =	swait.ge [sflag:s22], s20  }
0x9f: {  	s3 =	ssub.s32 $0x0, s20;
	[sflag:s22] =	ssyncset.done $0x0  }
0xa0: {  	[sflag:s22] =	ssyncadd.s32 s3;
	_ =	sdelay $0x1  }
0xa1: {  	s23 =	simm.s32 $0x1B8B  }
0xa2: {  	_ =	swait.ge [sflag:s23], $0x1  }
0xa3: {  	[sflag:s23] =	ssyncset.done $0x0  }
0xa4: {  	s25 =	simm.s32 $0x1B8E;
	s24 =	sld [smem:$0x3FFE];
	[sflag:s23] =	ssyncadd.s32 $0xFFFFFFFF  }
0xa5: {  	s26 =	simm.s32 $execute0_lowered;
	[smem:$0x3FD2] =	sst s25  }
0xa6: {  	s4 =	sshll.u32 s26, $0x1;
	_ =	strace $0x80000046;
	[dreg:$0x1] =	wrdreg $0xFFFFFFFF  }
0xa7: {  	s28 =	simm.s32 $_size_execute0_lowered;
	s2 =	sadd.s32 s2, s4;
	[dreg:$0x0] =	wrdreg $0x0  }
0xa8: {  	s4 =	sshll.u32 s28, $0x1;
	[dreg:$0x2] =	wrdreg s2  }
0xa9: {  	[dreg:$0x3] =	wrdreg s4  }
0xaa: {  	[dreg:$0x4] =	wrdreg $0xC0  }
0xab: {  	_ =	task [dreg:s6], $0x5FFFF  }
0xac: {  	[dreg:$0x1] =	wrdreg $0xFFFFFFFF  }
0xad: {  	[dreg:$0x0] =	wrdreg $0x60  }
0xae: {  	[dreg:$0x2] =	wrdreg s24  }
0xaf: {  	[dreg:$0x3] =	wrdreg $0x9  }
0xb0: {  	_ =	task.clear_ibuf [dreg:s6], $0x4FFFF;
	_ =	strace $0x90000046  }
0xb1: {  	s29 =	simm.s32 $0x9;
	_ =	strace $0x80000048  }
0xb2: {  	_ =	swait.ge [sflag:s29], $0x1  }
0xb3: {  	[sflag:s29] =	ssyncadd.s32 $0xFFFFFFFF  }
0xb4: {  	_ =	strace $0x90000048  }
0xb5: {  	_ =	sfence  }
0xb6: {  	s30 =	sld [smem:$0x0];
	_ =	sdelay $0x2  }
0xb7: {  	s31 =	sshll.u32 s1, $0xD;
	s1 =	sshrl.u32 s1, $0x2  }
0xb8: {  	s3 =	sand.u32 $0x4000, s31;
	s1 =	sadd.s32 s1, s30  }
0xb9: {  	s0 =	sor.u32 s3, s0;
	s1 =	sshll.u32 s1, $0x11  }
0xba: {  	s0 =	sor.u32 s1, s0  }
0xbb: {  	s0 =	sadd.s32 $0x8F2B, s0  }
0xbc: {  	[sflag:s0] =	ssyncadd.remote.s32 $0x1  }
0xbd: {  	_ =	sfence.sel $0xFFFF  }
0xbe: {  	[dreg:$0x0] =	wrdreg $0xFFFFFFFF;
	(pc) =	sbr.abs _section_cstart, $3  }
0xbf: {  	[dreg:$0x1] =	wrdreg $0xFFFFFFFF  }
0xc0: {  	_ =	task.clear_ibuf [dreg:s6], $0x2FFFF;
	_ =	strace $0x9FFFFFFF  }
0xc1: {  	(tm) =	ssettm $0x7FFFFFFF  }
tec
execute0_lowered:
.L_overlay_start_1:
0x0: {  	(tag) =	ssettag $0x1  }
0x1: {  	s1 =	srdreg.scid  }
0x2: {  	s0 =	stileid.u32;
	s5 =	rddreg [dreg:$0x0]  }
0x3: {  	s2 =	simm.s32 $0x0;
	s8 =	simm.s32 $0x80;
	s9 =	simm.s32 $0x400  }
0x4: {  	s10 =	simm.s32 $0x0;
	s3 =	sand.u32 $0x1, s1;
	s29 =	sshll.u32 s0, $0x1  }
0x5: {  	s30 =	sshrl.u32 s0, $0x2;
	s1 =	rddreg [dreg:$0x1];
	s4 =	sor.u32 s3, s29  }
0x6: {  	[smem:$0x7FF] =	sst s2;
	s6 =	smul.u32 $0x14000, s30;
	s7 =	sshll.u32 s4, $0x7  }
0x7: {  	s3 =	ssub.s32 $0x2, s3;
	s4 =	smul.u32 $0x500, s4;
	s7 =	sand.u32 $0x380, s7  }
0x8: {  	_ =	strace $0x80000047;
	s31 =	sshrl.u32 s3, $0x1;
	s6 =	sor.u32 s6, s7  }
0x9: {  	s4 =	sadd.s32 s4, s5;
	s7 =	simm.s32 $0x2800;
	s6 =	sshrl.u32 s6, $0x3  }
0xa: {  	s5 =	sadd.s32 s6, s5;
	s6 =	ssub.s32 s3, s31;
	s3 =	sadd.s32 $0x3E00, s4  }
0xb: {  	v0 =	vimm.f32 $0.0e+00;
	v1 =	vimm.f32 $1.000000000e+00;
	s4 =	sadd.s32 $0x17E00, s5;
	s5 =	smax.u32 s6, $0x1;
	s6 =	simm.s32 $0x1  }
.LBB2_1:
0xc: {  	[tilespmem:s2], [sflag:$0x1] =	stream.linear.gather [hbm4b:s3+s2], $0x2800, $0x38;
	[tilespmem:$0x5000] =	vst v63  }
0xd: {  	_ =	swait.ge [sflag:s6], $0x2800  }
0xe: {  	[sflag:s6] =	ssyncset.done $0x0  }
0xf: {  	s11 =	simm.s32 $0x0;
	[sflag:s6] =	ssyncadd.s32 $0xFFFFD800  }
.LBB2_2:
0x10: {  	p0 =	sne.s32 s11, $0x9FC0  }
.Ltmp0:
0x11: {  	_ = 	snop;
	(pc) =	sbr.rel @p0 .LBB2_2-.Ltmp0, $3  }
0x12: {  	_ =	sdelay $0x1  }
0x13: {  	s12 =	sshra.s32 s11, $0x2  }
0x14: {  	s11 =	sadd.s32 $0x40, s11;
	[tilespmem:s12+$0x2800] =	vst v0  }
0x15: {  	s11 =	simm.s32 $0x0  }
.LBB2_4:
0x16: {  	s12 =	sshra.s32 s11, $0x2  }
0x17: {  	v2 =	vld [tilespmem:s12+$0x0];
	_ =	sdelay $0x7  }
0x18: {  	[tilespmem:v2+s7+$0x0] =	vst.idx.add.f32.msk $0xffff, v1  }
0x19: {  	v2 =	vld [tilespmem:s12+$0x10];
	_ =	sdelay $0x7  }
0x1a: {  	[tilespmem:v2+s7+$0x0] =	vst.idx.add.f32.msk $0xffff, v1  }
0x1b: {  	v2 =	vld [tilespmem:s12+$0x20];
	_ =	sdelay $0x7  }
0x1c: {  	[tilespmem:v2+s7+$0x0] =	vst.idx.add.f32.msk $0xffff, v1  }
0x1d: {  	v2 =	vld [tilespmem:s12+$0x30];
	_ =	sdelay $0x7  }
0x1e: {  	[tilespmem:v2+s7+$0x0] =	vst.idx.add.f32.msk $0xffff, v1  }
0x1f: {  	v2 =	vld [tilespmem:s12+$0x40];
	_ =	sdelay $0x7  }
0x20: {  	[tilespmem:v2+s7+$0x0] =	vst.idx.add.f32.msk $0xffff, v1  }
0x21: {  	v2 =	vld [tilespmem:s12+$0x50];
	_ =	sdelay $0x7  }
0x22: {  	[tilespmem:v2+s7+$0x0] =	vst.idx.add.f32.msk $0xffff, v1  }
0x23: {  	v2 =	vld [tilespmem:s12+$0x60];
	_ =	sdelay $0x7  }
0x24: {  	[tilespmem:v2+s7+$0x0] =	vst.idx.add.f32.msk $0xffff, v1  }
0x25: {  	v2 =	vld [tilespmem:s12+$0x70];
	_ =	sdelay $0x2  }
0x26: {  	p0 =	sne.s32 s11, $0x9E00  }
.Ltmp1:
0x27: {  	_ = 	snop;
	(pc) =	sbr.rel @p0 .LBB2_4-.Ltmp1, $2  }
0x28: {  	_ =	sdelay $0x2  }
0x29: {  	s11 =	sadd.s32 $0x200, s11;
	[tilespmem:v2+s7+$0x0] =	vst.idx.add.f32.msk $0xffff, v1  }
0x2a: {  	s10 =	sadd.s32 $0x1, s10  }
0x2b: {  	p0 =	sne.s32 s10, s5  }
.Ltmp2:
0x2c: {  	_ = 	snop;
	(pc) =	sbr.rel @p0 .LBB2_1-.Ltmp2, $4  }
0x2d: {  	[hbm4b:s4+s8] =	stream.strided.scatter [tilespmem:s7], [sflag:$0x1], $0x2800, s9, s8, $0x38;
	[tilespmem:$0x5000] =	vst v63  }
0x2e: {  	_ =	swait.ge [sflag:s6], $0x2800  }
0x2f: {  	[sflag:s6] =	ssyncset.done $0x0  }
0x30: {  	[sflag:s6] =	ssyncadd.s32 $0xFFFFD800  }
0x31: {  	_ =	sfence.sel $0x180000  }
0x32: {  	[bflag:$0x0] =	sbarrier.arrive $0xFFFF  }
0x33: {  	p0 =	sne.s32 s0, $0x0;
	_ =	strace $0x90000047  }
0x34: {  	s0 =	sadd.s32 @!p0 $0x100000, s1;
	[bflag:$0x2] =	sbarrier.arrive $0xFFFF  }
0x35: {  	[sflag:s0] =	ssyncadd.tile.s32 @!p0 $0x1;
	_ =	shalt  }
.Lfunc_end2:
_tile_overlayer_lowered:
.L_overlay_start_2:
0x36: {  	(tag) =	ssettag $0x2  }
0x37: {  	s0 =	rddreg [dreg:$0x0];
	s2 =	stileid.u32  }
0x38: {  	s1 =	rddreg [dreg:$0x1];
	p0 =	sne.s32 s2, $0x0  }
0x39: {  	s3 =	rddreg [dreg:$0x2];
	[bflag:$0x3] =	sbarrier.arrive $0xFFFF;
	s2 =	simm.s32 @!p0 $0x1C01  }
0x3a: {  	[timem:s3], [sflag:s2] =	dma.local @!p0 [hbm:s0], s1  }
0x3b: {  	s0 =	simm.s32 @!p0 $0x1  }
0x3c: {  	_ =	swait.ge @!p0 [sflag:s0], s1  }
0x3d: {  	s1 =	ssub.s32 @!p0 $0x0, s1;
	[sflag:s0] =	ssyncset.done @!p0 $0x0  }
0x3e: {  	[sflag:s0] =	ssyncadd.s32 @!p0 s1  }
0x3f: {  	[bflag:$0x3] =	sbarrier.arrive $0xFFFF  }
0x40: {  	_ =	shalt  }

// kernel: kernel.14.cloned.1.call-start
scs
__scs_entry_jumppad:
0x0: {  	(pc) =	sbr.rel $0x88, $3  }
0x1: {  	(tag) =	ssettag $0x0;
	lr =	simm.s32 $0x1  }
0x2: {  	[smem:$0x3F92] =	sst lr;
	_ =	strace $0xD0000000  }
0x3: {  	_ = 	snop  }
0x4: {  	_ = 	snop  }
0x5: {  	_ = 	snop  }
0x6: {  	_ = 	snop  }
0x7: {  	_ = 	snop  }
__scs_overlays_trampoline_lowered:
0x8: {  	[smem:$0x3FA1] =	sst s0  }
0x9: {  	[smem:$0x3FA2] =	sst s1  }
0xa: {  	[smem:$0x3FA3] =	sst s2  }
0xb: {  	[smem:$0x3FA4] =	sst s3  }
0xc: {  	[smem:$0x3FA5] =	sst s4  }
0xd: {  	[smem:$0x3FA6] =	sst s5  }
0xe: {  	[smem:$0x3FA7] =	sst s6  }
0xf: {  	[smem:$0x3FA8] =	sst s7  }
0x10: {  	[smem:$0x3FA9] =	sst s8  }
0x11: {  	[smem:$0x3FAA] =	sst s9;
	s0 =	simm.s32 @!p0 $0x0  }
0x12: {  	s1 =	sld [smem:$0x3F90];
	s0 =	simm.s32 @p0 $0x1  }
0x13: {  	[smem:$0x3FAB] =	sst s0;
	s0 =	simm.s32 @!p1 $0x0  }
0x14: {  	s2 =	sld [smem:$0x3F8F];
	s0 =	simm.s32 @p1 $0x1  }
0x15: {  	[smem:$0x3FAC] =	sst s0;
	s0 =	simm.s32 @!p2 $0x0  }
0x16: {  	s3 =	sld [smem:$0x3FDB];
	s0 =	simm.s32 @p2 $0x1  }
0x17: {  	s4 =	simm.s32 $0x1BF5;
	[smem:$0x3FAE] =	sst s0  }
0x18: {  	s0 =	sld [smem:$0x3F91];
	_ =	swait.ge [sflag:s4], $0x0  }
0x19: {  	s7 =	sld [smem:$0x3F92]  }
0x1a: {  	s8 =	sadd.s32 $0xFFFFE003, lr  }
0x1b: {  	s9 =	sadd.s32 $0xFFFFFEF7, lr;
	s5 =	simm.s32 $0xFFFFFFFF;
	p2 =	slt.u32 s8, $0xFFFFF086  }
0x1c: {  	p1 =	slt.u32 s9, $0xF7A;
	s5 =	simm.s32 @!p2 $0x0  }
0x1d: {  	s5 =	simm.s32 @p1 $0x1;
	p0 =	seq.s32 s7, s2  }
0x1e: {  	s7 =	smul.u32 @!p0 $0xF7A, s2;
	p2 =	seq.s32 @!p0 s5, $0x0  }
0x1f: {  	s9 =	smul.u32 $0xF7A, s1;
	s8 =	simm.s32 @!p0 $0x1BF5;
	p2 =	por !p2, p0  }
0x20: {  	[sflag:s8] =	ssyncset.s32 @!p0 $0xFFFFF086;
	s6 =	sadd.s32 @!p0 s3, s7;
	s7 =	simm.s32 @!p0 $0x108  }
0x21: {  	s3 =	sadd.s32 s3, s9;
	s6 =	sadd.s32 @!p0 $0x88, s6;
	s7 =	simm.s32 @p2 $0x1082  }
0x22: {  	[simem:s7], [sflag:s8] =	dma.local @!p0 [hbm:s6], $0xF7A  }
0x23: {  	s9 =	sor.u32 $0xD0000000, s2;
	s6 =	simm.s32 $0x108;
	_ =	swait.ge @!p0 [sflag:s8], $0x0  }
0x24: {  	s3 =	sadd.s32 $0x88, s3;
	s6 =	simm.s32 @!p1 $0x1082;
	[sflag:s4] =	ssyncset.s32 $0xFFFFF086  }
0x25: {  	[simem:s6], [sflag:s4] =	dma.local [hbm:s3], $0xF7A  }
0x26: {  	[smem:$0x3F92] =	sst s1;
	(tag) =	ssettag s2;
	_ =	strace s9  }
0x27: {  	s1 =	sld [smem:$0x3FA2]  }
0x28: {  	s2 =	sld [smem:$0x3FA3]  }
0x29: {  	s4 =	sld [smem:$0x3FA5]  }
0x2a: {  	p0 =	seq.s32 s5, $0x0;
	s5 =	sld [smem:$0x3FA6]  }
0x2b: {  	s6 =	sld [smem:$0x3FA7]  }
0x2c: {  	s7 =	sld [smem:$0x3FA8]  }
0x2d: {  	s3 =	simm.s32 $0x108;
	s8 =	sld [smem:$0x3FA9]  }
0x2e: {  	s3 =	simm.s32 @!p0 $0x1082;
	s9 =	sld [smem:$0x3FAA]  }
0x2f: {  	lr =	sadd.s32 s0, s3;
	s0 =	sld [smem:$0x3FA1]  }
0x30: {  	s3 =	sld [smem:$0x3FA4]  }
0x31: {  	[smem:$0x3FAD] =	sst s10  }
0x32: {  	s10 =	sld [smem:$0x3FAB];
	_ =	sdelay $0x3  }
0x33: {  	p0 =	seq.s32 s10, $0x1;
	s10 =	sld [smem:$0x3FAD];
	_ =	sdelay $0x3  }
0x34: {  	[smem:$0x3FAD] =	sst s10  }
0x35: {  	s10 =	sld [smem:$0x3FAC];
	_ =	sdelay $0x3  }
0x36: {  	p1 =	seq.s32 s10, $0x1;
	s10 =	sld [smem:$0x3FAD];
	_ =	sdelay $0x3  }
0x37: {  	[smem:$0x3FAD] =	sst s10  }
0x38: {  	s10 =	sld [smem:$0x3FAE]  }
0x39: {  	_ = 	snop;
	(pc) =	sbr.ind lr, $3  }
0x3a: {  	_ = 	snop  }
0x3b: {  	_ = 	snop  }
0x3c: {  	p2 =	seq.s32 s10, $0x1;
	s10 =	sld [smem:$0x3FAD]  }
0x3d: {  	_ =	shalt  }
0x3e: {  	_ =	shalt  }
0x3f: {  	_ =	shalt  }
0x40: {  	_ =	shalt  }
0x41: {  	_ =	shalt  }
0x42: {  	_ =	shalt  }
0x43: {  	_ =	shalt  }
0x44: {  	_ =	shalt  }
0x45: {  	_ =	shalt  }
0x46: {  	_ =	shalt  }
0x47: {  	_ =	shalt  }
0x48: {  	_ =	shalt  }
0x49: {  	_ =	shalt  }
0x4a: {  	_ =	shalt  }
0x4b: {  	_ =	shalt  }
0x4c: {  	_ =	shalt  }
0x4d: {  	_ =	shalt  }
0x4e: {  	_ =	shalt  }
0x4f: {  	_ =	shalt  }
0x50: {  	_ =	shalt  }
0x51: {  	_ =	shalt  }
0x52: {  	_ =	shalt  }
0x53: {  	_ =	shalt  }
0x54: {  	_ =	shalt  }
0x55: {  	_ =	shalt  }
0x56: {  	_ =	shalt  }
0x57: {  	_ =	shalt  }
0x58: {  	_ =	shalt  }
0x59: {  	_ =	shalt  }
0x5a: {  	_ =	shalt  }
0x5b: {  	_ =	shalt  }
0x5c: {  	_ =	shalt  }
0x5d: {  	_ =	shalt  }
0x5e: {  	_ =	shalt  }
0x5f: {  	_ =	shalt  }
0x60: {  	_ =	shalt  }
0x61: {  	_ =	shalt  }
0x62: {  	_ =	shalt  }
0x63: {  	_ =	shalt  }
0x64: {  	_ =	shalt  }
0x65: {  	_ =	shalt  }
0x66: {  	_ =	shalt  }
0x67: {  	_ =	shalt  }
0x68: {  	_ =	shalt  }
0x69: {  	_ =	shalt  }
0x6a: {  	_ =	shalt  }
0x6b: {  	_ =	shalt  }
0x6c: {  	_ =	shalt  }
0x6d: {  	_ =	shalt  }
0x6e: {  	_ =	shalt  }
0x6f: {  	_ =	shalt  }
0x70: {  	_ =	shalt  }
0x71: {  	_ =	shalt  }
0x72: {  	_ =	shalt  }
0x73: {  	_ =	shalt  }
0x74: {  	_ =	shalt  }
0x75: {  	_ =	shalt  }
0x76: {  	_ =	shalt  }
0x77: {  	_ =	shalt  }
0x78: {  	_ =	shalt  }
0x79: {  	_ =	shalt  }
0x7a: {  	_ =	shalt  }
0x7b: {  	_ =	shalt  }
0x7c: {  	_ =	shalt  }
0x7d: {  	_ =	shalt  }
0x7e: {  	_ =	shalt  }
0x7f: {  	_ =	shalt  }
0x80: {  	_ =	shalt  }
0x81: {  	_ =	shalt  }
0x82: {  	_ =	shalt  }
0x83: {  	_ =	shalt  }
0x84: {  	_ =	shalt  }
0x85: {  	_ =	shalt  }
0x86: {  	_ =	shalt  }
0x87: {  	_ =	shalt  }
.Lfunc_end0:
.L_simem_size_0:
called_computation.1_lowered:
.L_overlay_start_0:
0x88: {  	s2 =	sld [smem:$0x3FD9]  }
0x89: {  	s3 =	sld [smem:$0x3FFE];
	_ =	sdelay $0x1  }
0x8a: {  	s1 =	srdreg.scid  }
0x8b: {  	s0 =	sand.u32 $0x1, s1  }
0x8c: {  	s16 =	sshll.u32 s0, $0xA;
	s2 =	sadd.s32 s3, s2  }
0x8d: {  	s2 =	sadd.s32 s2, s16  }
0x8e: {  	[smem:$0x3FB9] =	sst s2  }
0x8f: {  	_ = 	snop  }
0x90: {  	(tm) =	ssettm $0x1  }
0x91: {  	s17 =	sld [smem:$0x3FFB];
	_ =	sdelay $0x3  }
0x92: {  	_ =	strace s17  }
0x93: {  	s2 =	sld [smem:$0x3FFC];
	_ =	sdelay $0x3  }
0x94: {  	_ =	strace s2  }
0x95: {  	s2 =	sld [smem:$0x3FFD];
	_ =	sdelay $0x3  }
0x96: {  	_ =	strace s2  }
0x97: {  	_ =	strace $0x8FFFFFFF  }
0x98: {  	s18 =	sld [smem:$0x3FDB];
	_ =	sdelay $0x1  }
0x99: {  	s19 =	simm.s32 $_scs_section_size  }
0x9a: {  	s4 =	simm.s32 $_size__tile_overlayer_lowered;
	s5 =	simm.s32 $_tile_overlayer_lowered  }
0x9b: {  	s22 =	simm.s32 $0x1BFF;
	s21 =	sshll.u32 s5, $0x1;
	s2 =	sadd.s32 s19, s18  }
0x9c: {  	s6 =	simm.s32 $0x0;
	s20 =	sshll.u32 s4, $0x1;
	s4 =	sadd.s32 s21, s2  }
0x9d: {  	[timem:s6], [sflag:s22] =	dma.local [hbm:s4], s20  }
0x9e: {  	_ =	swait.ge [sflag:s22], s20  }
0x9f: {  	s3 =	ssub.s32 $0x0, s20;
	[sflag:s22] =	ssyncset.done $0x0  }
0xa0: {  	[sflag:s22] =	ssyncadd.s32 s3;
	_ =	sdelay $0x1  }
0xa1: {  	s23 =	simm.s32 $0x1B8B  }
0xa2: {  	_ =	swait.ge [sflag:s23], $0x1  }
0xa3: {  	[sflag:s23] =	ssyncset.done $0x0  }
0xa4: {  	s25 =	simm.s32 $0x1B8E;
	s24 =	sld [smem:$0x3FFE];
	[sflag:s23] =	ssyncadd.s32 $0xFFFFFFFF  }
0xa5: {  	s26 =	simm.s32 $execute0_lowered;
	[smem:$0x3FD2] =	sst s25  }
0xa6: {  	s4 =	sshll.u32 s26, $0x1;
	_ =	strace $0x80000049;
	[dreg:$0x1] =	wrdreg $0xFFFFFFFF  }
0xa7: {  	s28 =	simm.s32 $_size_execute0_lowered;
	s2 =	sadd.s32 s2, s4;
	[dreg:$0x0] =	wrdreg $0x0  }
0xa8: {  	s4 =	sshll.u32 s28, $0x1;
	[dreg:$0x2] =	wrdreg s2  }
0xa9: {  	[dreg:$0x3] =	wrdreg s4  }
0xaa: {  	[dreg:$0x4] =	wrdreg $0xC0  }
0xab: {  	_ =	task [dreg:s6], $0x5FFFF  }
0xac: {  	[dreg:$0x1] =	wrdreg $0xFFFFFFFF  }
0xad: {  	[dreg:$0x0] =	wrdreg $0x60  }
0xae: {  	[dreg:$0x2] =	wrdreg s24  }
0xaf: {  	[dreg:$0x3] =	wrdreg $0x0  }
0xb0: {  	[dreg:$0x4] =	wrdreg $0x9  }
0xb1: {  	_ =	task.clear_ibuf [dreg:s6], $0x5FFFF;
	_ =	strace $0x90000049  }
0xb2: {  	s29 =	simm.s32 $0x9;
	_ =	strace $0x8000004B  }
0xb3: {  	_ =	swait.ge [sflag:s29], $0x1  }
0xb4: {  	[sflag:s29] =	ssyncadd.s32 $0xFFFFFFFF  }
0xb5: {  	_ =	strace $0x9000004B  }
0xb6: {  	_ =	sfence  }
0xb7: {  	s30 =	sld [smem:$0x0];
	_ =	sdelay $0x2  }
0xb8: {  	s31 =	sshll.u32 s1, $0xD;
	s1 =	sshrl.u32 s1, $0x2  }
0xb9: {  	s3 =	sand.u32 $0x4000, s31;
	s1 =	sadd.s32 s1, s30  }
0xba: {  	s0 =	sor.u32 s3, s0;
	s1 =	sshll.u32 s1, $0x11  }
0xbb: {  	s0 =	sor.u32 s1, s0  }
0xbc: {  	s0 =	sadd.s32 $0x8F2B, s0  }
0xbd: {  	[sflag:s0] =	ssyncadd.remote.s32 $0x1  }
0xbe: {  	_ =	sfence.sel $0xFFFF  }
0xbf: {  	[dreg:$0x0] =	wrdreg $0xFFFFFFFF;
	(pc) =	sbr.abs _section_cstart, $3  }
0xc0: {  	[dreg:$0x1] =	wrdreg $0xFFFFFFFF  }
0xc1: {  	_ =	task.clear_ibuf [dreg:s6], $0x2FFFF;
	_ =	strace $0x9FFFFFFF  }
0xc2: {  	(tm) =	ssettm $0x7FFFFFFF  }
0xc3: {  	_ =	shalt  }
tec
execute0_lowered:
.L_overlay_start_1:
0x0: {  	(tag) =	ssettag $0x1  }
0x1: {  	s5 =	rddreg [dreg:$0x0]  }
0x2: {  	s1 =	rddreg [dreg:$0x1]  }
0x3: {  	s2 =	srdreg.scid;
	s0 =	rddreg [dreg:$0x2];
	s3 =	simm.s32 $0x0  }
0x4: {  	s18 =	simm.s32 $0x14000;
	s19 =	simm.s32 $0x15400;
	s20 =	simm.s32 $0x80  }
0x5: {  	s21 =	simm.s32 $0x14080;
	s22 =	simm.s32 $0x1A800;
	s23 =	simm.s32 $0x1  }
0x6: {  	s24 =	simm.s32 $0x2;
	s25 =	simm.s32 $0x16700;
	s6 =	sand.u32 $0x1, s2  }
0x7: {  	s2 =	stileid.u32;
	[smem:$0x7FF] =	sst s3;
	s4 =	sadd.s32 $0x17E00, s5  }
0x8: {  	s12 =	sadd.s32 $0xDE00, s5;
	s13 =	sadd.s32 $0x3E00, s5;
	s7 =	smul.u32 $0x140000, s6  }
0x9: {  	s8 =	smul.u32 $0x14000, s2;
	_ =	strace $0x8000004A;
	s29 =	sshll.u32 s2, $0x1  }
0xa: {  	s26 =	smul.u32 $0x50000, s2;
	s28 =	ssub.s32 $0x2, s6;
	s10 =	sor.u32 s6, s29  }
0xb: {  	s9 =	sshrl.u32 s28, $0x1;
	s7 =	sadd.s32 s8, s7;
	s11 =	smul.u32 $0x2800, s10  }
0xc: {  	s30 =	sshrl.u32 s26, $0x2;
	s15 =	ssub.s32 s28, s9;
	s16 =	smul.u32 $0x500, s10  }
0xd: {  	s26 =	simm.s32 $0x16780;
	s7 =	sshrl.u32 s7, $0x3;
	s15 =	smax.u32 s15, $0x1  }
0xe: {  	s14 =	sadd.s32 s7, s5;
	s5 =	sadd.s32 s30, s1;
	s17 =	sshrl.u32 s11, $0x3  }
0xf: {  	s10 =	sadd.s32 s12, s16;
	s11 =	sadd.s32 s13, s16;
	s16 =	simm.s32 $0x16800  }
0x10: {  	s6 =	sadd.s32 $0x4000, s5;
	s7 =	sadd.s32 $0x8000, s5;
	s8 =	sadd.s32 $0xC000, s5  }
0x11: {  	s9 =	sadd.s32 $0x10000, s5;
	s31 =	sadd.s32 $0x280, s17;
	s14 =	sadd.s32 $0x3F000, s14  }
0x12: {  	v0 =	vimm.f32 $0.0e+00;
	s17 =	simm.s32 $0x3;
	s12 =	sadd.s32 s12, s31;
	s13 =	sadd.s32 s13, s31  }
.LBB2_1:
0x13: {  	s28 =	simm.s32 $0x0;
	s29 =	simm.s32 $0x200  }
.LBB2_2:
0x14: {  	p0 =	sne.s32 s29, $0xFE00;
	[tilespmem:s28+$0x16870] =	vst v0  }
0x15: {  	[tilespmem:s28+$0x16800] =	vst v0  }
0x16: {  	[tilespmem:s28+$0x16810] =	vst v0  }
.Ltmp0:
0x17: {  	[tilespmem:s28+$0x16820] =	vst v0;
	(pc) =	sbr.rel @p0 .LBB2_2-.Ltmp0, $4  }
0x18: {  	[tilespmem:s28+$0x16830] =	vst v0  }
0x19: {  	[tilespmem:s28+$0x16840] =	vst v0  }
0x1a: {  	[tilespmem:s28+$0x16850] =	vst v0  }
0x1b: {  	[tilespmem:s28+$0x16860] =	vst v0;
	s28 =	sshra.s32 s29, $0x2;
	s29 =	sadd.s32 $0x200, s29  }
0x1c: {  	[tilespmem:s28+$0x16870] =	vst v0  }
0x1d: {  	[tilespmem:s28+$0x16800] =	vst v0  }
0x1e: {  	[tilespmem:s28+$0x16810] =	vst v0  }
0x1f: {  	[tilespmem:s28+$0x16820] =	vst v0  }
0x20: {  	[tilespmem:s28+$0x16830] =	vst v0  }
0x21: {  	[tilespmem:s28+$0x16840] =	vst v0  }
0x22: {  	[tilespmem:s28+$0x16850] =	vst v0  }
0x23: {  	[tilespmem:s28+$0x16860] =	vst v0  }
0x24: {  	[spmem:s5] =	stream.linear.scatter [tilespmem:s16], [sflag:$0x3], $0x4000, $0x38;
	[tilespmem:$0x1E800] =	vst v63  }
0x25: {  	_ =	swait.ge [sflag:s17], $0x4000  }
0x26: {  	[sflag:s17] =	ssyncset.done $0x0  }
0x27: {  	[sflag:s17] =	ssyncadd.s32 $0xFFFFC000  }
0x28: {  	[spmem:s6] =	stream.linear.scatter [tilespmem:s16], [sflag:$0x3], $0x4000, $0x38;
	[tilespmem:$0x1E800] =	vst v63  }
0x29: {  	_ =	swait.ge [sflag:s17], $0x4000  }
0x2a: {  	[sflag:s17] =	ssyncset.done $0x0  }
0x2b: {  	[sflag:s17] =	ssyncadd.s32 $0xFFFFC000  }
0x2c: {  	[spmem:s7] =	stream.linear.scatter [tilespmem:s16], [sflag:$0x3], $0x4000, $0x38;
	[tilespmem:$0x1E800] =	vst v63  }
0x2d: {  	_ =	swait.ge [sflag:s17], $0x4000  }
0x2e: {  	[sflag:s17] =	ssyncset.done $0x0  }
0x2f: {  	[sflag:s17] =	ssyncadd.s32 $0xFFFFC000  }
0x30: {  	[spmem:s8] =	stream.linear.scatter [tilespmem:s16], [sflag:$0x3], $0x4000, $0x38;
	[tilespmem:$0x1E800] =	vst v63  }
0x31: {  	_ =	swait.ge [sflag:s17], $0x4000  }
0x32: {  	[sflag:s17] =	ssyncset.done $0x0  }
0x33: {  	[sflag:s17] =	ssyncadd.s32 $0xFFFFC000  }
0x34: {  	[spmem:s9] =	stream.linear.scatter [tilespmem:s16], [sflag:$0x3], $0x4000, $0x38;
	[tilespmem:$0x1E800] =	vst v63  }
0x35: {  	_ =	swait.ge [sflag:s17], $0x4000  }
0x36: {  	[sflag:s17] =	ssyncset.done $0x0  }
0x37: {  	[sflag:s17] =	ssyncadd.s32 $0xFFFFC000  }
0x38: {  	s28 =	simm.s32 $0x0;
	[bflag:$0x0] =	sbarrier.arrive $0xFFFF  }
0x39: {  	[tilespmem:s18], [sflag:$0x3] =	stream.linear.gather [hbm4b:s10+s28], $0x1400, $0x38;
	[tilespmem:$0x1E800] =	vst v63  }
0x3a: {  	_ =	swait.ge [sflag:s17], $0x1400  }
0x3b: {  	[sflag:s17] =	ssyncset.done $0x0  }
0x3c: {  	[sflag:s17] =	ssyncadd.s32 $0xFFFFEC00  }
0x3d: {  	[tilespmem:s19], [sflag:$0x3] =	stream.linear.gather [hbm4b:s11+s28], $0x1400, $0x38;
	[tilespmem:$0x1E800] =	vst v63  }
0x3e: {  	_ =	swait.ge [sflag:s17], $0x1400  }
0x3f: {  	[sflag:s17] =	ssyncset.done $0x0  }
0x40: {  	[sflag:s17] =	ssyncadd.s32 $0xFFFFEC00  }
0x41: {  	[tilespmem:s16], [sflag:$0x1] =	stream.indirect.gather [hbm4b:s4+s20], $0x80, s18, s20, $0xb8;
	[tilespmem:$0x1E800] =	vst v63  }
0x42: {  	_ = 	snop  }
0x43: {  	[tilespmem:s22], [sflag:$0x2] =	stream.indirect.gather [hbm4b:s4+s20], $0x80, s21, s20, $0xb8;
	[tilespmem:$0x1E800] =	vst v63  }
0x44: {  	_ =	swait.ge [sflag:s23], $0x4000  }
0x45: {  	[sflag:s23] =	ssyncset.done $0x0  }
0x46: {  	s28 =	simm.s32 $0x15400;
	[sflag:s23] =	ssyncadd.s32 $0xFFFFC000  }
0x47: {  	[spmem:s1] =	stream.indirect.scatter.add.f32 [tilespmem:s16], [sflag:$0x3], $0x80, s28, s20, $0xb8;
	[tilespmem:$0x1E800] =	vst v63  }
0x48: {  	_ =	swait.ge [sflag:s17], $0x4000  }
0x49: {  	[sflag:s17] =	ssyncset.done $0x0  }
0x4a: {  	s28 =	simm.s32 $0x14100;
	[sflag:s17] =	ssyncadd.s32 $0xFFFFC000  }
0x4b: {  	[tilespmem:s16], [sflag:$0x1] =	stream.indirect.gather [hbm4b:s4+s20], $0x80, s28, s20, $0xb8;
	[tilespmem:$0x1E800] =	vst v63  }
0x4c: {  	_ =	swait.ge [sflag:s24], $0x4000  }
0x4d: {  	[sflag:s24] =	ssyncset.done $0x0  }
0x4e: {  	s28 =	simm.s32 $0x15480;
	[sflag:s24] =	ssyncadd.s32 $0xFFFFC000  }
0x4f: {  	[spmem:s1] =	stream.indirect.scatter.add.f32 [tilespmem:s22], [sflag:$0x3], $0x80, s28, s20, $0xb8;
	[tilespmem:$0x1E800] =	vst v63  }
0x50: {  	_ =	swait.ge [sflag:s17], $0x4000  }
0x51: {  	[sflag:s17] =	ssyncset.done $0x0  }
0x52: {  	s29 =	simm.s32 $0x14180;
	s28 =	simm.s32 $0x400;
	[sflag:s17] =	ssyncadd.s32 $0xFFFFC000  }
.LBB2_4:
0x53: {  	[tilespmem:s22], [sflag:$0x2] =	stream.indirect.gather [hbm4b:s4+s20], $0x80, s29, s20, $0xb8;
	[tilespmem:$0x1E800] =	vst v63  }
0x54: {  	s29 =	smov.u32 s28  }
0x55: {  	p0 =	sne.s32 s28, $0x4800;
	s28 =	sadd.s32 $0x400, s28;
	_ =	swait.ge [sflag:s23], $0x4000  }
0x56: {  	s29 =	sshra.s32 s29, $0x2;
	[sflag:s23] =	ssyncset.done $0x0  }
0x57: {  	s30 =	sadd.s32 $0x15400, s29;
	[sflag:s23] =	ssyncadd.s32 $0xFFFFC000  }
0x58: {  	[spmem:s1] =	stream.indirect.scatter.add.f32 [tilespmem:s16], [sflag:$0x3], $0x80, s30, s20, $0xb8;
	[tilespmem:$0x1E800] =	vst v63  }
0x59: {  	_ =	swait.ge [sflag:s17], $0x4000  }
0x5a: {  	[sflag:s17] =	ssyncset.done $0x0  }
0x5b: {  	s30 =	sadd.s32 $0x14100, s29;
	[sflag:s17] =	ssyncadd.s32 $0xFFFFC000  }
0x5c: {  	[tilespmem:s16], [sflag:$0x1] =	stream.indirect.gather [hbm4b:s4+s20], $0x80, s30, s20, $0xb8;
	[tilespmem:$0x1E800] =	vst v63  }
0x5d: {  	_ =	swait.ge [sflag:s24], $0x4000  }
0x5e: {  	[sflag:s24] =	ssyncset.done $0x0  }
.Ltmp1:
0x5f: {  	s30 =	sadd.s32 $0x15480, s29;
	[sflag:s24] =	ssyncadd.s32 $0xFFFFC000;
	(pc) =	sbr.rel @p0 .LBB2_4-.Ltmp1, $4  }
0x60: {  	[spmem:s1] =	stream.indirect.scatter.add.f32 [tilespmem:s22], [sflag:$0x3], $0x80, s30, s20, $0xb8;
	[tilespmem:$0x1E800] =	vst v63  }
0x61: {  	_ =	swait.ge [sflag:s17], $0x4000  }
0x62: {  	[sflag:s17] =	ssyncset.done $0x0  }
0x63: {  	s29 =	sadd.s32 $0x14180, s29;
	[sflag:s17] =	ssyncadd.s32 $0xFFFFC000  }
0x64: {  	[tilespmem:s22], [sflag:$0x2] =	stream.indirect.gather [hbm4b:s4+s20], $0x80, s29, s20, $0xb8;
	[tilespmem:$0x1E800] =	vst v63  }
0x65: {  	_ =	swait.ge [sflag:s23], $0x4000  }
0x66: {  	[sflag:s23] =	ssyncset.done $0x0  }
0x67: {  	[sflag:s23] =	ssyncadd.s32 $0xFFFFC000  }
0x68: {  	[spmem:s1] =	stream.indirect.scatter.add.f32 [tilespmem:s16], [sflag:$0x3], $0x80, s25, s20, $0xb8;
	[tilespmem:$0x1E800] =	vst v63  }
0x69: {  	_ =	swait.ge [sflag:s17], $0x4000  }
0x6a: {  	[sflag:s17] =	ssyncset.done $0x0  }
0x6b: {  	[sflag:s17] =	ssyncadd.s32 $0xFFFFC000  }
0x6c: {  	_ =	swait.ge [sflag:s24], $0x4000  }
0x6d: {  	[sflag:s24] =	ssyncset.done $0x0  }
0x6e: {  	[sflag:s24] =	ssyncadd.s32 $0xFFFFC000  }
0x6f: {  	[spmem:s1] =	stream.indirect.scatter.add.f32 [tilespmem:s22], [sflag:$0x3], $0x80, s26, s20, $0xb8;
	[tilespmem:$0x1E800] =	vst v63  }
0x70: {  	_ =	swait.ge [sflag:s17], $0x4000  }
0x71: {  	[sflag:s17] =	ssyncset.done $0x0  }
0x72: {  	s28 =	simm.s32 $0x0;
	[sflag:s17] =	ssyncadd.s32 $0xFFFFC000  }
0x73: {  	[tilespmem:s18], [sflag:$0x3] =	stream.linear.gather [hbm4b:s12+s28], $0x1400, $0x38;
	[tilespmem:$0x1E800] =	vst v63  }
0x74: {  	_ =	swait.ge [sflag:s17], $0x1400  }
0x75: {  	[sflag:s17] =	ssyncset.done $0x0  }
0x76: {  	[sflag:s17] =	ssyncadd.s32 $0xFFFFEC00  }
0x77: {  	[tilespmem:s19], [sflag:$0x3] =	stream.linear.gather [hbm4b:s13+s28], $0x1400, $0x38;
	[tilespmem:$0x1E800] =	vst v63  }
0x78: {  	_ =	swait.ge [sflag:s17], $0x1400  }
0x79: {  	[sflag:s17] =	ssyncset.done $0x0  }
0x7a: {  	[sflag:s17] =	ssyncadd.s32 $0xFFFFEC00  }
0x7b: {  	[tilespmem:s16], [sflag:$0x1] =	stream.indirect.gather [hbm4b:s4+s20], $0x80, s18, s20, $0xb8;
	[tilespmem:$0x1E800] =	vst v63  }
0x7c: {  	_ = 	snop  }
0x7d: {  	[tilespmem:s22], [sflag:$0x2] =	stream.indirect.gather [hbm4b:s4+s20], $0x80, s21, s20, $0xb8;
	[tilespmem:$0x1E800] =	vst v63  }
0x7e: {  	_ =	swait.ge [sflag:s23], $0x4000  }
0x7f: {  	[sflag:s23] =	ssyncset.done $0x0  }
0x80: {  	s28 =	simm.s32 $0x15400;
	[sflag:s23] =	ssyncadd.s32 $0xFFFFC000  }
0x81: {  	[spmem:s1] =	stream.indirect.scatter.add.f32 [tilespmem:s16], [sflag:$0x3], $0x80, s28, s20, $0xb8;
	[tilespmem:$0x1E800] =	vst v63  }
0x82: {  	_ =	swait.ge [sflag:s17], $0x4000  }
0x83: {  	[sflag:s17] =	ssyncset.done $0x0  }
0x84: {  	s28 =	simm.s32 $0x14100;
	[sflag:s17] =	ssyncadd.s32 $0xFFFFC000  }
0x85: {  	[tilespmem:s16], [sflag:$0x1] =	stream.indirect.gather [hbm4b:s4+s20], $0x80, s28, s20, $0xb8;
	[tilespmem:$0x1E800] =	vst v63  }
0x86: {  	_ =	swait.ge [sflag:s24], $0x4000  }
0x87: {  	[sflag:s24] =	ssyncset.done $0x0  }
0x88: {  	s28 =	simm.s32 $0x15480;
	[sflag:s24] =	ssyncadd.s32 $0xFFFFC000  }
0x89: {  	[spmem:s1] =	stream.indirect.scatter.add.f32 [tilespmem:s22], [sflag:$0x3], $0x80, s28, s20, $0xb8;
	[tilespmem:$0x1E800] =	vst v63  }
0x8a: {  	_ =	swait.ge [sflag:s17], $0x4000  }
0x8b: {  	[sflag:s17] =	ssyncset.done $0x0  }
0x8c: {  	s29 =	simm.s32 $0x14180;
	s28 =	simm.s32 $0x400;
	[sflag:s17] =	ssyncadd.s32 $0xFFFFC000  }
.LBB2_6:
0x8d: {  	[tilespmem:s22], [sflag:$0x2] =	stream.indirect.gather [hbm4b:s4+s20], $0x80, s29, s20, $0xb8;
	[tilespmem:$0x1E800] =	vst v63  }
0x8e: {  	s29 =	smov.u32 s28  }
0x8f: {  	p0 =	sne.s32 s28, $0x4800;
	s28 =	sadd.s32 $0x400, s28;
	_ =	swait.ge [sflag:s23], $0x4000  }
0x90: {  	s29 =	sshra.s32 s29, $0x2;
	[sflag:s23] =	ssyncset.done $0x0  }
0x91: {  	s30 =	sadd.s32 $0x15400, s29;
	[sflag:s23] =	ssyncadd.s32 $0xFFFFC000  }
0x92: {  	[spmem:s1] =	stream.indirect.scatter.add.f32 [tilespmem:s16], [sflag:$0x3], $0x80, s30, s20, $0xb8;
	[tilespmem:$0x1E800] =	vst v63  }
0x93: {  	_ =	swait.ge [sflag:s17], $0x4000  }
0x94: {  	[sflag:s17] =	ssyncset.done $0x0  }
0x95: {  	s30 =	sadd.s32 $0x14100, s29;
	[sflag:s17] =	ssyncadd.s32 $0xFFFFC000  }
0x96: {  	[tilespmem:s16], [sflag:$0x1] =	stream.indirect.gather [hbm4b:s4+s20], $0x80, s30, s20, $0xb8;
	[tilespmem:$0x1E800] =	vst v63  }
0x97: {  	_ =	swait.ge [sflag:s24], $0x4000  }
0x98: {  	[sflag:s24] =	ssyncset.done $0x0  }
.Ltmp2:
0x99: {  	s30 =	sadd.s32 $0x15480, s29;
	[sflag:s24] =	ssyncadd.s32 $0xFFFFC000;
	(pc) =	sbr.rel @p0 .LBB2_6-.Ltmp2, $4  }
0x9a: {  	[spmem:s1] =	stream.indirect.scatter.add.f32 [tilespmem:s22], [sflag:$0x3], $0x80, s30, s20, $0xb8;
	[tilespmem:$0x1E800] =	vst v63  }
0x9b: {  	_ =	swait.ge [sflag:s17], $0x4000  }
0x9c: {  	[sflag:s17] =	ssyncset.done $0x0  }
0x9d: {  	s29 =	sadd.s32 $0x14180, s29;
	[sflag:s17] =	ssyncadd.s32 $0xFFFFC000  }
0x9e: {  	[tilespmem:s22], [sflag:$0x2] =	stream.indirect.gather [hbm4b:s4+s20], $0x80, s29, s20, $0xb8;
	[tilespmem:$0x1E800] =	vst v63  }
0x9f: {  	_ =	swait.ge [sflag:s23], $0x4000  }
0xa0: {  	[sflag:s23] =	ssyncset.done $0x0  }
0xa1: {  	[sflag:s23] =	ssyncadd.s32 $0xFFFFC000  }
0xa2: {  	[spmem:s1] =	stream.indirect.scatter.add.f32 [tilespmem:s16], [sflag:$0x3], $0x80, s25, s20, $0xb8;
	[tilespmem:$0x1E800] =	vst v63  }
0xa3: {  	_ =	swait.ge [sflag:s17], $0x4000  }
0xa4: {  	[sflag:s17] =	ssyncset.done $0x0  }
0xa5: {  	[sflag:s17] =	ssyncadd.s32 $0xFFFFC000  }
0xa6: {  	_ =	swait.ge [sflag:s24], $0x4000  }
0xa7: {  	[sflag:s24] =	ssyncset.done $0x0  }
0xa8: {  	[sflag:s24] =	ssyncadd.s32 $0xFFFFC000  }
0xa9: {  	[spmem:s1] =	stream.indirect.scatter.add.f32 [tilespmem:s22], [sflag:$0x3], $0x80, s26, s20, $0xb8;
	[tilespmem:$0x1E800] =	vst v63  }
0xaa: {  	_ =	swait.ge [sflag:s17], $0x4000  }
0xab: {  	s28 =	sshll.u32 s2, $0x6;
	s3 =	sadd.s32 $0x1, s3;
	[sflag:s17] =	ssyncset.done $0x0  }
0xac: {  	s31 =	sshrl.u32 s5, $0x3;
	p0 =	sne.s32 s3, s15;
	[sflag:s17] =	ssyncadd.s32 $0xFFFFC000  }
.Ltmp3:
0xad: {  	s28 =	sor.u32 $0x1C03, s28;
	[bflag:$0x0] =	sbarrier.arrive $0xFFFF;
	(pc) =	sbr.rel @p0 .LBB2_1-.Ltmp3, $4  }
0xae: {  	[hbm:s14], [sflag:s28] =	dma.local [spmem:s31], $0x2800  }
0xaf: {  	_ =	swait.ge [sflag:s17], $0x2800  }
0xb0: {  	[sflag:s17] =	ssyncset.done $0x0  }
0xb1: {  	[sflag:s17] =	ssyncadd.s32 $0xFFFFD800  }
0xb2: {  	_ =	sfence.sel $0x180000  }
0xb3: {  	[bflag:$0x0] =	sbarrier.arrive $0xFFFF  }
0xb4: {  	p0 =	sne.s32 s2, $0x0;
	_ =	strace $0x9000004A  }
0xb5: {  	s0 =	sadd.s32 @!p0 $0x100000, s0;
	[bflag:$0x2] =	sbarrier.arrive $0xFFFF  }
0xb6: {  	[sflag:s0] =	ssyncadd.tile.s32 @!p0 $0x1;
	_ =	shalt  }
.Lfunc_end2:
_tile_overlayer_lowered:
.L_overlay_start_2:
0xb7: {  	(tag) =	ssettag $0x2  }
0xb8: {  	s0 =	rddreg [dreg:$0x0];
	s2 =	stileid.u32  }
0xb9: {  	s1 =	rddreg [dreg:$0x1];
	p0 =	sne.s32 s2, $0x0  }
0xba: {  	s3 =	rddreg [dreg:$0x2];
	[bflag:$0x3] =	sbarrier.arrive $0xFFFF;
	s2 =	simm.s32 @!p0 $0x1C03  }
0xbb: {  	[timem:s3], [sflag:s2] =	dma.local @!p0 [hbm:s0], s1  }
0xbc: {  	s0 =	simm.s32 @!p0 $0x3  }
0xbd: {  	_ =	swait.ge @!p0 [sflag:s0], s1  }
0xbe: {  	s1 =	ssub.s32 @!p0 $0x0, s1;
	[sflag:s0] =	ssyncset.done @!p0 $0x0  }
0xbf: {  	[sflag:s0] =	ssyncadd.s32 @!p0 s1  }
0xc0: {  	[bflag:$0x3] =	sbarrier.arrive $0xFFFF  }
0xc1: {  	_ =	shalt  }

// kernel: kernel.17.cloned.1.call-start
scs
__scs_entry_jumppad:
0x0: {  	(pc) =	sbr.rel $0x88, $3  }
0x1: {  	(tag) =	ssettag $0x0;
	lr =	simm.s32 $0x1  }
0x2: {  	[smem:$0x3F92] =	sst lr;
	_ =	strace $0xD0000000  }
0x3: {  	_ = 	snop  }
0x4: {  	_ = 	snop  }
0x5: {  	_ = 	snop  }
0x6: {  	_ = 	snop  }
0x7: {  	_ = 	snop  }
__scs_overlays_trampoline_lowered:
0x8: {  	[smem:$0x3FA1] =	sst s0  }
0x9: {  	[smem:$0x3FA2] =	sst s1  }
0xa: {  	[smem:$0x3FA3] =	sst s2  }
0xb: {  	[smem:$0x3FA4] =	sst s3  }
0xc: {  	[smem:$0x3FA5] =	sst s4  }
0xd: {  	[smem:$0x3FA6] =	sst s5  }
0xe: {  	[smem:$0x3FA7] =	sst s6  }
0xf: {  	[smem:$0x3FA8] =	sst s7  }
0x10: {  	[smem:$0x3FA9] =	sst s8  }
0x11: {  	[smem:$0x3FAA] =	sst s9;
	s0 =	simm.s32 @!p0 $0x0  }
0x12: {  	s1 =	sld [smem:$0x3F90];
	s0 =	simm.s32 @p0 $0x1  }
0x13: {  	[smem:$0x3FAB] =	sst s0;
	s0 =	simm.s32 @!p1 $0x0  }
0x14: {  	s2 =	sld [smem:$0x3F8F];
	s0 =	simm.s32 @p1 $0x1  }
0x15: {  	[smem:$0x3FAC] =	sst s0;
	s0 =	simm.s32 @!p2 $0x0  }
0x16: {  	s3 =	sld [smem:$0x3FDB];
	s0 =	simm.s32 @p2 $0x1  }
0x17: {  	s4 =	simm.s32 $0x1BF5;
	[smem:$0x3FAE] =	sst s0  }
0x18: {  	s0 =	sld [smem:$0x3F91];
	_ =	swait.ge [sflag:s4], $0x0  }
0x19: {  	s7 =	sld [smem:$0x3F92]  }
0x1a: {  	s8 =	sadd.s32 $0xFFFFE003, lr  }
0x1b: {  	s9 =	sadd.s32 $0xFFFFFEF7, lr;
	s5 =	simm.s32 $0xFFFFFFFF;
	p2 =	slt.u32 s8, $0xFFFFF086  }
0x1c: {  	p1 =	slt.u32 s9, $0xF7A;
	s5 =	simm.s32 @!p2 $0x0  }
0x1d: {  	s5 =	simm.s32 @p1 $0x1;
	p0 =	seq.s32 s7, s2  }
0x1e: {  	s7 =	smul.u32 @!p0 $0xF7A, s2;
	p2 =	seq.s32 @!p0 s5, $0x0  }
0x1f: {  	s9 =	smul.u32 $0xF7A, s1;
	s8 =	simm.s32 @!p0 $0x1BF5;
	p2 =	por !p2, p0  }
0x20: {  	[sflag:s8] =	ssyncset.s32 @!p0 $0xFFFFF086;
	s6 =	sadd.s32 @!p0 s3, s7;
	s7 =	simm.s32 @!p0 $0x108  }
0x21: {  	s3 =	sadd.s32 s3, s9;
	s6 =	sadd.s32 @!p0 $0x88, s6;
	s7 =	simm.s32 @p2 $0x1082  }
0x22: {  	[simem:s7], [sflag:s8] =	dma.local @!p0 [hbm:s6], $0xF7A  }
0x23: {  	s9 =	sor.u32 $0xD0000000, s2;
	s6 =	simm.s32 $0x108;
	_ =	swait.ge @!p0 [sflag:s8], $0x0  }
0x24: {  	s3 =	sadd.s32 $0x88, s3;
	s6 =	simm.s32 @!p1 $0x1082;
	[sflag:s4] =	ssyncset.s32 $0xFFFFF086  }
0x25: {  	[simem:s6], [sflag:s4] =	dma.local [hbm:s3], $0xF7A  }
0x26: {  	[smem:$0x3F92] =	sst s1;
	(tag) =	ssettag s2;
	_ =	strace s9  }
0x27: {  	s1 =	sld [smem:$0x3FA2]  }
0x28: {  	s2 =	sld [smem:$0x3FA3]  }
0x29: {  	s4 =	sld [smem:$0x3FA5]  }
0x2a: {  	p0 =	seq.s32 s5, $0x0;
	s5 =	sld [smem:$0x3FA6]  }
0x2b: {  	s6 =	sld [smem:$0x3FA7]  }
0x2c: {  	s7 =	sld [smem:$0x3FA8]  }
0x2d: {  	s3 =	simm.s32 $0x108;
	s8 =	sld [smem:$0x3FA9]  }
0x2e: {  	s3 =	simm.s32 @!p0 $0x1082;
	s9 =	sld [smem:$0x3FAA]  }
0x2f: {  	lr =	sadd.s32 s0, s3;
	s0 =	sld [smem:$0x3FA1]  }
0x30: {  	s3 =	sld [smem:$0x3FA4]  }
0x31: {  	[smem:$0x3FAD] =	sst s10  }
0x32: {  	s10 =	sld [smem:$0x3FAB];
	_ =	sdelay $0x3  }
0x33: {  	p0 =	seq.s32 s10, $0x1;
	s10 =	sld [smem:$0x3FAD];
	_ =	sdelay $0x3  }
0x34: {  	[smem:$0x3FAD] =	sst s10  }
0x35: {  	s10 =	sld [smem:$0x3FAC];
	_ =	sdelay $0x3  }
0x36: {  	p1 =	seq.s32 s10, $0x1;
	s10 =	sld [smem:$0x3FAD];
	_ =	sdelay $0x3  }
0x37: {  	[smem:$0x3FAD] =	sst s10  }
0x38: {  	s10 =	sld [smem:$0x3FAE]  }
0x39: {  	_ = 	snop;
	(pc) =	sbr.ind lr, $3  }
0x3a: {  	_ = 	snop  }
0x3b: {  	_ = 	snop  }
0x3c: {  	p2 =	seq.s32 s10, $0x1;
	s10 =	sld [smem:$0x3FAD]  }
0x3d: {  	_ =	shalt  }
0x3e: {  	_ =	shalt  }
0x3f: {  	_ =	shalt  }
0x40: {  	_ =	shalt  }
0x41: {  	_ =	shalt  }
0x42: {  	_ =	shalt  }
0x43: {  	_ =	shalt  }
0x44: {  	_ =	shalt  }
0x45: {  	_ =	shalt  }
0x46: {  	_ =	shalt  }
0x47: {  	_ =	shalt  }
0x48: {  	_ =	shalt  }
0x49: {  	_ =	shalt  }
0x4a: {  	_ =	shalt  }
0x4b: {  	_ =	shalt  }
0x4c: {  	_ =	shalt  }
0x4d: {  	_ =	shalt  }
0x4e: {  	_ =	shalt  }
0x4f: {  	_ =	shalt  }
0x50: {  	_ =	shalt  }
0x51: {  	_ =	shalt  }
0x52: {  	_ =	shalt  }
0x53: {  	_ =	shalt  }
0x54: {  	_ =	shalt  }
0x55: {  	_ =	shalt  }
0x56: {  	_ =	shalt  }
0x57: {  	_ =	shalt  }
0x58: {  	_ =	shalt  }
0x59: {  	_ =	shalt  }
0x5a: {  	_ =	shalt  }
0x5b: {  	_ =	shalt  }
0x5c: {  	_ =	shalt  }
0x5d: {  	_ =	shalt  }
0x5e: {  	_ =	shalt  }
0x5f: {  	_ =	shalt  }
0x60: {  	_ =	shalt  }
0x61: {  	_ =	shalt  }
0x62: {  	_ =	shalt  }
0x63: {  	_ =	shalt  }
0x64: {  	_ =	shalt  }
0x65: {  	_ =	shalt  }
0x66: {  	_ =	shalt  }
0x67: {  	_ =	shalt  }
0x68: {  	_ =	shalt  }
0x69: {  	_ =	shalt  }
0x6a: {  	_ =	shalt  }
0x6b: {  	_ =	shalt  }
0x6c: {  	_ =	shalt  }
0x6d: {  	_ =	shalt  }
0x6e: {  	_ =	shalt  }
0x6f: {  	_ =	shalt  }
0x70: {  	_ =	shalt  }
0x71: {  	_ =	shalt  }
0x72: {  	_ =	shalt  }
0x73: {  	_ =	shalt  }
0x74: {  	_ =	shalt  }
0x75: {  	_ =	shalt  }
0x76: {  	_ =	shalt  }
0x77: {  	_ =	shalt  }
0x78: {  	_ =	shalt  }
0x79: {  	_ =	shalt  }
0x7a: {  	_ =	shalt  }
0x7b: {  	_ =	shalt  }
0x7c: {  	_ =	shalt  }
0x7d: {  	_ =	shalt  }
0x7e: {  	_ =	shalt  }
0x7f: {  	_ =	shalt  }
0x80: {  	_ =	shalt  }
0x81: {  	_ =	shalt  }
0x82: {  	_ =	shalt  }
0x83: {  	_ =	shalt  }
0x84: {  	_ =	shalt  }
0x85: {  	_ =	shalt  }
0x86: {  	_ =	shalt  }
0x87: {  	_ =	shalt  }
.Lfunc_end0:
.L_simem_size_0:
called_computation.2_lowered:
.L_overlay_start_0:
0x88: {  	s2 =	sld [smem:$0x3FD9]  }
0x89: {  	s3 =	sld [smem:$0x3FFE];
	_ =	sdelay $0x1  }
0x8a: {  	s1 =	srdreg.scid  }
0x8b: {  	s0 =	sand.u32 $0x1, s1  }
0x8c: {  	s16 =	sshll.u32 s0, $0xA;
	s2 =	sadd.s32 s3, s2  }
0x8d: {  	s2 =	sadd.s32 s2, s16  }
0x8e: {  	[smem:$0x3FB9] =	sst s2  }
0x8f: {  	_ = 	snop  }
0x90: {  	(tm) =	ssettm $0x1  }
0x91: {  	s17 =	sld [smem:$0x3FFB];
	_ =	sdelay $0x3  }
0x92: {  	_ =	strace s17  }
0x93: {  	s2 =	sld [smem:$0x3FFC];
	_ =	sdelay $0x3  }
0x94: {  	_ =	strace s2  }
0x95: {  	s2 =	sld [smem:$0x3FFD];
	_ =	sdelay $0x3  }
0x96: {  	_ =	strace s2  }
0x97: {  	_ =	strace $0x8FFFFFFF  }
0x98: {  	s18 =	sld [smem:$0x3FDB];
	_ =	sdelay $0x1  }
0x99: {  	s19 =	simm.s32 $_scs_section_size  }
0x9a: {  	s4 =	simm.s32 $_size__tile_overlayer_lowered;
	s5 =	simm.s32 $_tile_overlayer_lowered  }
0x9b: {  	s22 =	simm.s32 $0x1BFF;
	s21 =	sshll.u32 s5, $0x1;
	s2 =	sadd.s32 s19, s18  }
0x9c: {  	s6 =	simm.s32 $0x0;
	s20 =	sshll.u32 s4, $0x1;
	s4 =	sadd.s32 s21, s2  }
0x9d: {  	[timem:s6], [sflag:s22] =	dma.local [hbm:s4], s20  }
0x9e: {  	_ =	swait.ge [sflag:s22], s20  }
0x9f: {  	s3 =	ssub.s32 $0x0, s20;
	[sflag:s22] =	ssyncset.done $0x0  }
0xa0: {  	[sflag:s22] =	ssyncadd.s32 s3;
	_ =	sdelay $0x1  }
0xa1: {  	s23 =	simm.s32 $0x1B8B  }
0xa2: {  	_ =	swait.ge [sflag:s23], $0x1  }
0xa3: {  	[sflag:s23] =	ssyncset.done $0x0  }
0xa4: {  	s25 =	simm.s32 $0x1B8E;
	s24 =	sld [smem:$0x3FFE];
	[sflag:s23] =	ssyncadd.s32 $0xFFFFFFFF  }
0xa5: {  	s26 =	simm.s32 $execute0_lowered;
	[smem:$0x3FD2] =	sst s25  }
0xa6: {  	s4 =	sshll.u32 s26, $0x1;
	_ =	strace $0x8000004C;
	[dreg:$0x1] =	wrdreg $0xFFFFFFFF  }
0xa7: {  	s28 =	simm.s32 $_size_execute0_lowered;
	s2 =	sadd.s32 s2, s4;
	[dreg:$0x0] =	wrdreg $0x0  }
0xa8: {  	s4 =	sshll.u32 s28, $0x1;
	[dreg:$0x2] =	wrdreg s2  }
0xa9: {  	[dreg:$0x3] =	wrdreg s4  }
0xaa: {  	[dreg:$0x4] =	wrdreg $0xC0  }
0xab: {  	_ =	task [dreg:s6], $0x5FFFF  }
0xac: {  	[dreg:$0x1] =	wrdreg $0xFFFFFFFF  }
0xad: {  	[dreg:$0x0] =	wrdreg $0x60  }
0xae: {  	[dreg:$0x2] =	wrdreg s24  }
0xaf: {  	[dreg:$0x3] =	wrdreg $0x0  }
0xb0: {  	[dreg:$0x4] =	wrdreg $0x9  }
0xb1: {  	_ =	task.clear_ibuf [dreg:s6], $0x5FFFF;
	_ =	strace $0x9000004C  }
0xb2: {  	s29 =	simm.s32 $0x9;
	_ =	strace $0x8000004E  }
0xb3: {  	_ =	swait.ge [sflag:s29], $0x1  }
0xb4: {  	[sflag:s29] =	ssyncadd.s32 $0xFFFFFFFF  }
0xb5: {  	_ =	strace $0x9000004E  }
0xb6: {  	_ =	sfence  }
0xb7: {  	s30 =	sld [smem:$0x0];
	_ =	sdelay $0x2  }
0xb8: {  	s31 =	sshll.u32 s1, $0xD;
	s1 =	sshrl.u32 s1, $0x2  }
0xb9: {  	s3 =	sand.u32 $0x4000, s31;
	s1 =	sadd.s32 s1, s30  }
0xba: {  	s0 =	sor.u32 s3, s0;
	s1 =	sshll.u32 s1, $0x11  }
0xbb: {  	s0 =	sor.u32 s1, s0  }
0xbc: {  	s0 =	sadd.s32 $0x8F2B, s0  }
0xbd: {  	[sflag:s0] =	ssyncadd.remote.s32 $0x1  }
0xbe: {  	_ =	sfence.sel $0xFFFF  }
0xbf: {  	[dreg:$0x0] =	wrdreg $0xFFFFFFFF;
	(pc) =	sbr.abs _section_cstart, $3  }
0xc0: {  	[dreg:$0x1] =	wrdreg $0xFFFFFFFF  }
0xc1: {  	_ =	task.clear_ibuf [dreg:s6], $0x2FFFF;
	_ =	strace $0x9FFFFFFF  }
0xc2: {  	(tm) =	ssettm $0x7FFFFFFF  }
0xc3: {  	_ =	shalt  }
tec
execute0_lowered:
.L_overlay_start_1:
0x0: {  	(tag) =	ssettag $0x1  }
0x1: {  	s5 =	rddreg [dreg:$0x0]  }
0x2: {  	s1 =	rddreg [dreg:$0x1]  }
0x3: {  	s2 =	srdreg.scid;
	s0 =	rddreg [dreg:$0x2];
	s3 =	simm.s32 $0x0  }
0x4: {  	s18 =	simm.s32 $0x14000;
	s19 =	simm.s32 $0x15400;
	s20 =	simm.s32 $0x80  }
0x5: {  	s21 =	simm.s32 $0x14080;
	s22 =	simm.s32 $0x1A800;
	s23 =	simm.s32 $0x1  }
0x6: {  	s24 =	simm.s32 $0x2;
	s25 =	simm.s32 $0x16700;
	s6 =	sand.u32 $0x1, s2  }
0x7: {  	s2 =	stileid.u32;
	[smem:$0x7FF] =	sst s3;
	s4 =	sadd.s32 $0x17E00, s5  }
0x8: {  	s12 =	sadd.s32 $0xDE00, s5;
	s13 =	sadd.s32 $0x3E00, s5;
	s7 =	smul.u32 $0x140000, s6  }
0x9: {  	s8 =	smul.u32 $0x14000, s2;
	_ =	strace $0x8000004D;
	s29 =	sshll.u32 s2, $0x1  }
0xa: {  	s26 =	smul.u32 $0x50000, s2;
	s28 =	ssub.s32 $0x2, s6;
	s10 =	sor.u32 s6, s29  }
0xb: {  	s9 =	sshrl.u32 s28, $0x1;
	s7 =	sadd.s32 s8, s7;
	s11 =	smul.u32 $0x2800, s10  }
0xc: {  	s30 =	sshrl.u32 s26, $0x2;
	s15 =	ssub.s32 s28, s9;
	s16 =	smul.u32 $0x500, s10  }
0xd: {  	s26 =	simm.s32 $0x16780;
	s7 =	sshrl.u32 s7, $0x3;
	s15 =	smax.u32 s15, $0x1  }
0xe: {  	s14 =	sadd.s32 s7, s5;
	s5 =	sadd.s32 s30, s1;
	s17 =	sshrl.u32 s11, $0x3  }
0xf: {  	s10 =	sadd.s32 s12, s16;
	s11 =	sadd.s32 s13, s16;
	s16 =	simm.s32 $0x16800  }
0x10: {  	s6 =	sadd.s32 $0x4000, s5;
	s7 =	sadd.s32 $0x8000, s5;
	s8 =	sadd.s32 $0xC000, s5  }
0x11: {  	s9 =	sadd.s32 $0x10000, s5;
	s31 =	sadd.s32 $0x280, s17;
	s14 =	sadd.s32 $0x3F000, s14  }
0x12: {  	v0 =	vimm.f32 $0.0e+00;
	s17 =	simm.s32 $0x3;
	s12 =	sadd.s32 s12, s31;
	s13 =	sadd.s32 s13, s31  }
.LBB2_1:
0x13: {  	s28 =	simm.s32 $0x0;
	s29 =	simm.s32 $0x200  }
.LBB2_2:
0x14: {  	p0 =	sne.s32 s29, $0xFE00;
	[tilespmem:s28+$0x16870] =	vst v0  }
0x15: {  	[tilespmem:s28+$0x16800] =	vst v0  }
0x16: {  	[tilespmem:s28+$0x16810] =	vst v0  }
.Ltmp0:
0x17: {  	[tilespmem:s28+$0x16820] =	vst v0;
	(pc) =	sbr.rel @p0 .LBB2_2-.Ltmp0, $4  }
0x18: {  	[tilespmem:s28+$0x16830] =	vst v0  }
0x19: {  	[tilespmem:s28+$0x16840] =	vst v0  }
0x1a: {  	[tilespmem:s28+$0x16850] =	vst v0  }
0x1b: {  	[tilespmem:s28+$0x16860] =	vst v0;
	s28 =	sshra.s32 s29, $0x2;
	s29 =	sadd.s32 $0x200, s29  }
0x1c: {  	[tilespmem:s28+$0x16870] =	vst v0  }
0x1d: {  	[tilespmem:s28+$0x16800] =	vst v0  }
0x1e: {  	[tilespmem:s28+$0x16810] =	vst v0  }
0x1f: {  	[tilespmem:s28+$0x16820] =	vst v0  }
0x20: {  	[tilespmem:s28+$0x16830] =	vst v0  }
0x21: {  	[tilespmem:s28+$0x16840] =	vst v0  }
0x22: {  	[tilespmem:s28+$0x16850] =	vst v0  }
0x23: {  	[tilespmem:s28+$0x16860] =	vst v0  }
0x24: {  	[spmem:s5] =	stream.linear.scatter [tilespmem:s16], [sflag:$0x3], $0x4000, $0x38;
	[tilespmem:$0x1E800] =	vst v63  }
0x25: {  	_ =	swait.ge [sflag:s17], $0x4000  }
0x26: {  	[sflag:s17] =	ssyncset.done $0x0  }
0x27: {  	[sflag:s17] =	ssyncadd.s32 $0xFFFFC000  }
0x28: {  	[spmem:s6] =	stream.linear.scatter [tilespmem:s16], [sflag:$0x3], $0x4000, $0x38;
	[tilespmem:$0x1E800] =	vst v63  }
0x29: {  	_ =	swait.ge [sflag:s17], $0x4000  }
0x2a: {  	[sflag:s17] =	ssyncset.done $0x0  }
0x2b: {  	[sflag:s17] =	ssyncadd.s32 $0xFFFFC000  }
0x2c: {  	[spmem:s7] =	stream.linear.scatter [tilespmem:s16], [sflag:$0x3], $0x4000, $0x38;
	[tilespmem:$0x1E800] =	vst v63  }
0x2d: {  	_ =	swait.ge [sflag:s17], $0x4000  }
0x2e: {  	[sflag:s17] =	ssyncset.done $0x0  }
0x2f: {  	[sflag:s17] =	ssyncadd.s32 $0xFFFFC000  }
0x30: {  	[spmem:s8] =	stream.linear.scatter [tilespmem:s16], [sflag:$0x3], $0x4000, $0x38;
	[tilespmem:$0x1E800] =	vst v63  }
0x31: {  	_ =	swait.ge [sflag:s17], $0x4000  }
0x32: {  	[sflag:s17] =	ssyncset.done $0x0  }
0x33: {  	[sflag:s17] =	ssyncadd.s32 $0xFFFFC000  }
0x34: {  	[spmem:s9] =	stream.linear.scatter [tilespmem:s16], [sflag:$0x3], $0x4000, $0x38;
	[tilespmem:$0x1E800] =	vst v63  }
0x35: {  	_ =	swait.ge [sflag:s17], $0x4000  }
0x36: {  	[sflag:s17] =	ssyncset.done $0x0  }
0x37: {  	[sflag:s17] =	ssyncadd.s32 $0xFFFFC000  }
0x38: {  	s28 =	simm.s32 $0x0;
	[bflag:$0x0] =	sbarrier.arrive $0xFFFF  }
0x39: {  	[tilespmem:s18], [sflag:$0x3] =	stream.linear.gather [hbm4b:s10+s28], $0x1400, $0x38;
	[tilespmem:$0x1E800] =	vst v63  }
0x3a: {  	_ =	swait.ge [sflag:s17], $0x1400  }
0x3b: {  	[sflag:s17] =	ssyncset.done $0x0  }
0x3c: {  	[sflag:s17] =	ssyncadd.s32 $0xFFFFEC00  }
0x3d: {  	[tilespmem:s19], [sflag:$0x3] =	stream.linear.gather [hbm4b:s11+s28], $0x1400, $0x38;
	[tilespmem:$0x1E800] =	vst v63  }
0x3e: {  	_ =	swait.ge [sflag:s17], $0x1400  }
0x3f: {  	[sflag:s17] =	ssyncset.done $0x0  }
0x40: {  	[sflag:s17] =	ssyncadd.s32 $0xFFFFEC00  }
0x41: {  	[tilespmem:s16], [sflag:$0x1] =	stream.indirect.gather [hbm4b:s4+s20], $0x80, s18, s20, $0xb8;
	[tilespmem:$0x1E800] =	vst v63  }
0x42: {  	_ = 	snop  }
0x43: {  	[tilespmem:s22], [sflag:$0x2] =	stream.indirect.gather [hbm4b:s4+s20], $0x80, s21, s20, $0xb8;
	[tilespmem:$0x1E800] =	vst v63  }
0x44: {  	_ =	swait.ge [sflag:s23], $0x4000  }
0x45: {  	[sflag:s23] =	ssyncset.done $0x0  }
0x46: {  	s28 =	simm.s32 $0x15400;
	[sflag:s23] =	ssyncadd.s32 $0xFFFFC000  }
0x47: {  	[spmem:s1] =	stream.indirect.scatter.add.f32 [tilespmem:s16], [sflag:$0x3], $0x80, s28, s20, $0xb8;
	[tilespmem:$0x1E800] =	vst v63  }
0x48: {  	_ =	swait.ge [sflag:s17], $0x4000  }
0x49: {  	[sflag:s17] =	ssyncset.done $0x0  }
0x4a: {  	s28 =	simm.s32 $0x14100;
	[sflag:s17] =	ssyncadd.s32 $0xFFFFC000  }
0x4b: {  	[tilespmem:s16], [sflag:$0x1] =	stream.indirect.gather [hbm4b:s4+s20], $0x80, s28, s20, $0xb8;
	[tilespmem:$0x1E800] =	vst v63  }
0x4c: {  	_ =	swait.ge [sflag:s24], $0x4000  }
0x4d: {  	[sflag:s24] =	ssyncset.done $0x0  }
0x4e: {  	s28 =	simm.s32 $0x15480;
	[sflag:s24] =	ssyncadd.s32 $0xFFFFC000  }
0x4f: {  	[spmem:s1] =	stream.indirect.scatter.add.f32 [tilespmem:s22], [sflag:$0x3], $0x80, s28, s20, $0xb8;
	[tilespmem:$0x1E800] =	vst v63  }
0x50: {  	_ =	swait.ge [sflag:s17], $0x4000  }
0x51: {  	[sflag:s17] =	ssyncset.done $0x0  }
0x52: {  	s29 =	simm.s32 $0x14180;
	s28 =	simm.s32 $0x400;
	[sflag:s17] =	ssyncadd.s32 $0xFFFFC000  }
.LBB2_4:
0x53: {  	[tilespmem:s22], [sflag:$0x2] =	stream.indirect.gather [hbm4b:s4+s20], $0x80, s29, s20, $0xb8;
	[tilespmem:$0x1E800] =	vst v63  }
0x54: {  	s29 =	smov.u32 s28  }
0x55: {  	p0 =	sne.s32 s28, $0x4800;
	s28 =	sadd.s32 $0x400, s28;
	_ =	swait.ge [sflag:s23], $0x4000  }
0x56: {  	s29 =	sshra.s32 s29, $0x2;
	[sflag:s23] =	ssyncset.done $0x0  }
0x57: {  	s30 =	sadd.s32 $0x15400, s29;
	[sflag:s23] =	ssyncadd.s32 $0xFFFFC000  }
0x58: {  	[spmem:s1] =	stream.indirect.scatter.add.f32 [tilespmem:s16], [sflag:$0x3], $0x80, s30, s20, $0xb8;
	[tilespmem:$0x1E800] =	vst v63  }
0x59: {  	_ =	swait.ge [sflag:s17], $0x4000  }
0x5a: {  	[sflag:s17] =	ssyncset.done $0x0  }
0x5b: {  	s30 =	sadd.s32 $0x14100, s29;
	[sflag:s17] =	ssyncadd.s32 $0xFFFFC000  }
0x5c: {  	[tilespmem:s16], [sflag:$0x1] =	stream.indirect.gather [hbm4b:s4+s20], $0x80, s30, s20, $0xb8;
	[tilespmem:$0x1E800] =	vst v63  }
0x5d: {  	_ =	swait.ge [sflag:s24], $0x4000  }
0x5e: {  	[sflag:s24] =	ssyncset.done $0x0  }
.Ltmp1:
0x5f: {  	s30 =	sadd.s32 $0x15480, s29;
	[sflag:s24] =	ssyncadd.s32 $0xFFFFC000;
	(pc) =	sbr.rel @p0 .LBB2_4-.Ltmp1, $4  }
0x60: {  	[spmem:s1] =	stream.indirect.scatter.add.f32 [tilespmem:s22], [sflag:$0x3], $0x80, s30, s20, $0xb8;
	[tilespmem:$0x1E800] =	vst v63  }
0x61: {  	_ =	swait.ge [sflag:s17], $0x4000  }
0x62: {  	[sflag:s17] =	ssyncset.done $0x0  }
0x63: {  	s29 =	sadd.s32 $0x14180, s29;
	[sflag:s17] =	ssyncadd.s32 $0xFFFFC000  }
0x64: {  	[tilespmem:s22], [sflag:$0x2] =	stream.indirect.gather [hbm4b:s4+s20], $0x80, s29, s20, $0xb8;
	[tilespmem:$0x1E800] =	vst v63  }
0x65: {  	_ =	swait.ge [sflag:s23], $0x4000  }
0x66: {  	[sflag:s23] =	ssyncset.done $0x0  }
0x67: {  	[sflag:s23] =	ssyncadd.s32 $0xFFFFC000  }
0x68: {  	[spmem:s1] =	stream.indirect.scatter.add.f32 [tilespmem:s16], [sflag:$0x3], $0x80, s25, s20, $0xb8;
	[tilespmem:$0x1E800] =	vst v63  }
0x69: {  	_ =	swait.ge [sflag:s17], $0x4000  }
0x6a: {  	[sflag:s17] =	ssyncset.done $0x0  }
0x6b: {  	[sflag:s17] =	ssyncadd.s32 $0xFFFFC000  }
0x6c: {  	_ =	swait.ge [sflag:s24], $0x4000  }
0x6d: {  	[sflag:s24] =	ssyncset.done $0x0  }
0x6e: {  	[sflag:s24] =	ssyncadd.s32 $0xFFFFC000  }
0x6f: {  	[spmem:s1] =	stream.indirect.scatter.add.f32 [tilespmem:s22], [sflag:$0x3], $0x80, s26, s20, $0xb8;
	[tilespmem:$0x1E800] =	vst v63  }
0x70: {  	_ =	swait.ge [sflag:s17], $0x4000  }
0x71: {  	[sflag:s17] =	ssyncset.done $0x0  }
0x72: {  	s28 =	simm.s32 $0x0;
	[sflag:s17] =	ssyncadd.s32 $0xFFFFC000  }
0x73: {  	[tilespmem:s18], [sflag:$0x3] =	stream.linear.gather [hbm4b:s12+s28], $0x1400, $0x38;
	[tilespmem:$0x1E800] =	vst v63  }
0x74: {  	_ =	swait.ge [sflag:s17], $0x1400  }
0x75: {  	[sflag:s17] =	ssyncset.done $0x0  }
0x76: {  	[sflag:s17] =	ssyncadd.s32 $0xFFFFEC00  }
0x77: {  	[tilespmem:s19], [sflag:$0x3] =	stream.linear.gather [hbm4b:s13+s28], $0x1400, $0x38;
	[tilespmem:$0x1E800] =	vst v63  }
0x78: {  	_ =	swait.ge [sflag:s17], $0x1400  }
0x79: {  	[sflag:s17] =	ssyncset.done $0x0  }
0x7a: {  	[sflag:s17] =	ssyncadd.s32 $0xFFFFEC00  }
0x7b: {  	[tilespmem:s16], [sflag:$0x1] =	stream.indirect.gather [hbm4b:s4+s20], $0x80, s18, s20, $0xb8;
	[tilespmem:$0x1E800] =	vst v63  }
0x7c: {  	_ = 	snop  }
0x7d: {  	[tilespmem:s22], [sflag:$0x2] =	stream.indirect.gather [hbm4b:s4+s20], $0x80, s21, s20, $0xb8;
	[tilespmem:$0x1E800] =	vst v63  }
0x7e: {  	_ =	swait.ge [sflag:s23], $0x4000  }
0x7f: {  	[sflag:s23] =	ssyncset.done $0x0  }
0x80: {  	s28 =	simm.s32 $0x15400;
	[sflag:s23] =	ssyncadd.s32 $0xFFFFC000  }
0x81: {  	[spmem:s1] =	stream.indirect.scatter.add.f32 [tilespmem:s16], [sflag:$0x3], $0x80, s28, s20, $0xb8;
	[tilespmem:$0x1E800] =	vst v63  }
0x82: {  	_ =	swait.ge [sflag:s17], $0x4000  }
0x83: {  	[sflag:s17] =	ssyncset.done $0x0  }
0x84: {  	s28 =	simm.s32 $0x14100;
	[sflag:s17] =	ssyncadd.s32 $0xFFFFC000  }
0x85: {  	[tilespmem:s16], [sflag:$0x1] =	stream.indirect.gather [hbm4b:s4+s20], $0x80, s28, s20, $0xb8;
	[tilespmem:$0x1E800] =	vst v63  }
0x86: {  	_ =	swait.ge [sflag:s24], $0x4000  }
0x87: {  	[sflag:s24] =	ssyncset.done $0x0  }
0x88: {  	s28 =	simm.s32 $0x15480;
	[sflag:s24] =	ssyncadd.s32 $0xFFFFC000  }
0x89: {  	[spmem:s1] =	stream.indirect.scatter.add.f32 [tilespmem:s22], [sflag:$0x3], $0x80, s28, s20, $0xb8;
	[tilespmem:$0x1E800] =	vst v63  }
0x8a: {  	_ =	swait.ge [sflag:s17], $0x4000  }
0x8b: {  	[sflag:s17] =	ssyncset.done $0x0  }
0x8c: {  	s29 =	simm.s32 $0x14180;
	s28 =	simm.s32 $0x400;
	[sflag:s17] =	ssyncadd.s32 $0xFFFFC000  }
.LBB2_6:
0x8d: {  	[tilespmem:s22], [sflag:$0x2] =	stream.indirect.gather [hbm4b:s4+s20], $0x80, s29, s20, $0xb8;
	[tilespmem:$0x1E800] =	vst v63  }
0x8e: {  	s29 =	smov.u32 s28  }
0x8f: {  	p0 =	sne.s32 s28, $0x4800;
	s28 =	sadd.s32 $0x400, s28;
	_ =	swait.ge [sflag:s23], $0x4000  }
0x90: {  	s29 =	sshra.s32 s29, $0x2;
	[sflag:s23] =	ssyncset.done $0x0  }
0x91: {  	s30 =	sadd.s32 $0x15400, s29;
	[sflag:s23] =	ssyncadd.s32 $0xFFFFC000  }
0x92: {  	[spmem:s1] =	stream.indirect.scatter.add.f32 [tilespmem:s16], [sflag:$0x3], $0x80, s30, s20, $0xb8;
	[tilespmem:$0x1E800] =	vst v63  }
0x93: {  	_ =	swait.ge [sflag:s17], $0x4000  }
0x94: {  	[sflag:s17] =	ssyncset.done $0x0  }
0x95: {  	s30 =	sadd.s32 $0x14100, s29;
	[sflag:s17] =	ssyncadd.s32 $0xFFFFC000  }
0x96: {  	[tilespmem:s16], [sflag:$0x1] =	stream.indirect.gather [hbm4b:s4+s20], $0x80, s30, s20, $0xb8;
	[tilespmem:$0x1E800] =	vst v63  }
0x97: {  	_ =	swait.ge [sflag:s24], $0x4000  }
0x98: {  	[sflag:s24] =	ssyncset.done $0x0  }
.Ltmp2:
0x99: {  	s30 =	sadd.s32 $0x15480, s29;
	[sflag:s24] =	ssyncadd.s32 $0xFFFFC000;
	(pc) =	sbr.rel @p0 .LBB2_6-.Ltmp2, $4  }
0x9a: {  	[spmem:s1] =	stream.indirect.scatter.add.f32 [tilespmem:s22], [sflag:$0x3], $0x80, s30, s20, $0xb8;
	[tilespmem:$0x1E800] =	vst v63  }
0x9b: {  	_ =	swait.ge [sflag:s17], $0x4000  }
0x9c: {  	[sflag:s17] =	ssyncset.done $0x0  }
0x9d: {  	s29 =	sadd.s32 $0x14180, s29;
	[sflag:s17] =	ssyncadd.s32 $0xFFFFC000  }
0x9e: {  	[tilespmem:s22], [sflag:$0x2] =	stream.indirect.gather [hbm4b:s4+s20], $0x80, s29, s20, $0xb8;
	[tilespmem:$0x1E800] =	vst v63  }
0x9f: {  	_ =	swait.ge [sflag:s23], $0x4000  }
0xa0: {  	[sflag:s23] =	ssyncset.done $0x0  }
0xa1: {  	[sflag:s23] =	ssyncadd.s32 $0xFFFFC000  }
0xa2: {  	[spmem:s1] =	stream.indirect.scatter.add.f32 [tilespmem:s16], [sflag:$0x3], $0x80, s25, s20, $0xb8;
	[tilespmem:$0x1E800] =	vst v63  }
0xa3: {  	_ =	swait.ge [sflag:s17], $0x4000  }
0xa4: {  	[sflag:s17] =	ssyncset.done $0x0  }
0xa5: {  	[sflag:s17] =	ssyncadd.s32 $0xFFFFC000  }
0xa6: {  	_ =	swait.ge [sflag:s24], $0x4000  }
0xa7: {  	[sflag:s24] =	ssyncset.done $0x0  }
0xa8: {  	[sflag:s24] =	ssyncadd.s32 $0xFFFFC000  }
0xa9: {  	[spmem:s1] =	stream.indirect.scatter.add.f32 [tilespmem:s22], [sflag:$0x3], $0x80, s26, s20, $0xb8;
	[tilespmem:$0x1E800] =	vst v63  }
0xaa: {  	_ =	swait.ge [sflag:s17], $0x4000  }
0xab: {  	s28 =	sshll.u32 s2, $0x6;
	s3 =	sadd.s32 $0x1, s3;
	[sflag:s17] =	ssyncset.done $0x0  }
0xac: {  	s31 =	sshrl.u32 s5, $0x3;
	p0 =	sne.s32 s3, s15;
	[sflag:s17] =	ssyncadd.s32 $0xFFFFC000  }
.Ltmp3:
0xad: {  	s28 =	sor.u32 $0x1C03, s28;
	[bflag:$0x0] =	sbarrier.arrive $0xFFFF;
	(pc) =	sbr.rel @p0 .LBB2_1-.Ltmp3, $4  }
0xae: {  	[hbm:s14], [sflag:s28] =	dma.local [spmem:s31], $0x2800  }
0xaf: {  	_ =	swait.ge [sflag:s17], $0x2800  }
0xb0: {  	[sflag:s17] =	ssyncset.done $0x0  }
0xb1: {  	[sflag:s17] =	ssyncadd.s32 $0xFFFFD800  }
0xb2: {  	_ =	sfence.sel $0x180000  }
0xb3: {  	[bflag:$0x0] =	sbarrier.arrive $0xFFFF  }
0xb4: {  	p0 =	sne.s32 s2, $0x0;
	_ =	strace $0x9000004D  }
0xb5: {  	s0 =	sadd.s32 @!p0 $0x100000, s0;
	[bflag:$0x2] =	sbarrier.arrive $0xFFFF  }
0xb6: {  	[sflag:s0] =	ssyncadd.tile.s32 @!p0 $0x1;
	_ =	shalt  }
.Lfunc_end2:
_tile_overlayer_lowered:
.L_overlay_start_2:
0xb7: {  	(tag) =	ssettag $0x2  }
0xb8: {  	s0 =	rddreg [dreg:$0x0];
	s2 =	stileid.u32  }
0xb9: {  	s1 =	rddreg [dreg:$0x1];
	p0 =	sne.s32 s2, $0x0  }
0xba: {  	s3 =	rddreg [dreg:$0x2];
	[bflag:$0x3] =	sbarrier.arrive $0xFFFF;
	s2 =	simm.s32 @!p0 $0x1C03  }
0xbb: {  	[timem:s3], [sflag:s2] =	dma.local @!p0 [hbm:s0], s1  }
0xbc: {  	s0 =	simm.s32 @!p0 $0x3  }
0xbd: {  	_ =	swait.ge @!p0 [sflag:s0], s1  }
0xbe: {  	s1 =	ssub.s32 @!p0 $0x0, s1;
	[sflag:s0] =	ssyncset.done @!p0 $0x0  }
0xbf: {  	[sflag:s0] =	ssyncadd.s32 @!p0 s1  }
0xc0: {  	[bflag:$0x3] =	sbarrier.arrive $0xFFFF  }
0xc1: {  	_ =	shalt  }

// kernel: kernel.20.cloned.1.call-start
scs
__scs_entry_jumppad:
0x0: {  	(pc) =	sbr.rel $0x88, $3  }
0x1: {  	(tag) =	ssettag $0x0;
	lr =	simm.s32 $0x1  }
0x2: {  	[smem:$0x3F92] =	sst lr;
	_ =	strace $0xD0000000  }
0x3: {  	_ = 	snop  }
0x4: {  	_ = 	snop  }
0x5: {  	_ = 	snop  }
0x6: {  	_ = 	snop  }
0x7: {  	_ = 	snop  }
__scs_overlays_trampoline_lowered:
0x8: {  	[smem:$0x3FA1] =	sst s0  }
0x9: {  	[smem:$0x3FA2] =	sst s1  }
0xa: {  	[smem:$0x3FA3] =	sst s2  }
0xb: {  	[smem:$0x3FA4] =	sst s3  }
0xc: {  	[smem:$0x3FA5] =	sst s4  }
0xd: {  	[smem:$0x3FA6] =	sst s5  }
0xe: {  	[smem:$0x3FA7] =	sst s6  }
0xf: {  	[smem:$0x3FA8] =	sst s7  }
0x10: {  	[smem:$0x3FA9] =	sst s8  }
0x11: {  	[smem:$0x3FAA] =	sst s9;
	s0 =	simm.s32 @!p0 $0x0  }
0x12: {  	s1 =	sld [smem:$0x3F90];
	s0 =	simm.s32 @p0 $0x1  }
0x13: {  	[smem:$0x3FAB] =	sst s0;
	s0 =	simm.s32 @!p1 $0x0  }
0x14: {  	s2 =	sld [smem:$0x3F8F];
	s0 =	simm.s32 @p1 $0x1  }
0x15: {  	[smem:$0x3FAC] =	sst s0;
	s0 =	simm.s32 @!p2 $0x0  }
0x16: {  	s3 =	sld [smem:$0x3FDB];
	s0 =	simm.s32 @p2 $0x1  }
0x17: {  	s4 =	simm.s32 $0x1BF5;
	[smem:$0x3FAE] =	sst s0  }
0x18: {  	s0 =	sld [smem:$0x3F91];
	_ =	swait.ge [sflag:s4], $0x0  }
0x19: {  	s7 =	sld [smem:$0x3F92]  }
0x1a: {  	s8 =	sadd.s32 $0xFFFFE003, lr  }
0x1b: {  	s9 =	sadd.s32 $0xFFFFFEF7, lr;
	s5 =	simm.s32 $0xFFFFFFFF;
	p2 =	slt.u32 s8, $0xFFFFF086  }
0x1c: {  	p1 =	slt.u32 s9, $0xF7A;
	s5 =	simm.s32 @!p2 $0x0  }
0x1d: {  	s5 =	simm.s32 @p1 $0x1;
	p0 =	seq.s32 s7, s2  }
0x1e: {  	s7 =	smul.u32 @!p0 $0xF7A, s2;
	p2 =	seq.s32 @!p0 s5, $0x0  }
0x1f: {  	s9 =	smul.u32 $0xF7A, s1;
	s8 =	simm.s32 @!p0 $0x1BF5;
	p2 =	por !p2, p0  }
0x20: {  	[sflag:s8] =	ssyncset.s32 @!p0 $0xFFFFF086;
	s6 =	sadd.s32 @!p0 s3, s7;
	s7 =	simm.s32 @!p0 $0x108  }
0x21: {  	s3 =	sadd.s32 s3, s9;
	s6 =	sadd.s32 @!p0 $0x88, s6;
	s7 =	simm.s32 @p2 $0x1082  }
0x22: {  	[simem:s7], [sflag:s8] =	dma.local @!p0 [hbm:s6], $0xF7A  }
0x23: {  	s9 =	sor.u32 $0xD0000000, s2;
	s6 =	simm.s32 $0x108;
	_ =	swait.ge @!p0 [sflag:s8], $0x0  }
0x24: {  	s3 =	sadd.s32 $0x88, s3;
	s6 =	simm.s32 @!p1 $0x1082;
	[sflag:s4] =	ssyncset.s32 $0xFFFFF086  }
0x25: {  	[simem:s6], [sflag:s4] =	dma.local [hbm:s3], $0xF7A  }
0x26: {  	[smem:$0x3F92] =	sst s1;
	(tag) =	ssettag s2;
	_ =	strace s9  }
0x27: {  	s1 =	sld [smem:$0x3FA2]  }
0x28: {  	s2 =	sld [smem:$0x3FA3]  }
0x29: {  	s4 =	sld [smem:$0x3FA5]  }
0x2a: {  	p0 =	seq.s32 s5, $0x0;
	s5 =	sld [smem:$0x3FA6]  }
0x2b: {  	s6 =	sld [smem:$0x3FA7]  }
0x2c: {  	s7 =	sld [smem:$0x3FA8]  }
0x2d: {  	s3 =	simm.s32 $0x108;
	s8 =	sld [smem:$0x3FA9]  }
0x2e: {  	s3 =	simm.s32 @!p0 $0x1082;
	s9 =	sld [smem:$0x3FAA]  }
0x2f: {  	lr =	sadd.s32 s0, s3;
	s0 =	sld [smem:$0x3FA1]  }
0x30: {  	s3 =	sld [smem:$0x3FA4]  }
0x31: {  	[smem:$0x3FAD] =	sst s10  }
0x32: {  	s10 =	sld [smem:$0x3FAB];
	_ =	sdelay $0x3  }
0x33: {  	p0 =	seq.s32 s10, $0x1;
	s10 =	sld [smem:$0x3FAD];
	_ =	sdelay $0x3  }
0x34: {  	[smem:$0x3FAD] =	sst s10  }
0x35: {  	s10 =	sld [smem:$0x3FAC];
	_ =	sdelay $0x3  }
0x36: {  	p1 =	seq.s32 s10, $0x1;
	s10 =	sld [smem:$0x3FAD];
	_ =	sdelay $0x3  }
0x37: {  	[smem:$0x3FAD] =	sst s10  }
0x38: {  	s10 =	sld [smem:$0x3FAE]  }
0x39: {  	_ = 	snop;
	(pc) =	sbr.ind lr, $3  }
0x3a: {  	_ = 	snop  }
0x3b: {  	_ = 	snop  }
0x3c: {  	p2 =	seq.s32 s10, $0x1;
	s10 =	sld [smem:$0x3FAD]  }
0x3d: {  	_ =	shalt  }
0x3e: {  	_ =	shalt  }
0x3f: {  	_ =	shalt  }
0x40: {  	_ =	shalt  }
0x41: {  	_ =	shalt  }
0x42: {  	_ =	shalt  }
0x43: {  	_ =	shalt  }
0x44: {  	_ =	shalt  }
0x45: {  	_ =	shalt  }
0x46: {  	_ =	shalt  }
0x47: {  	_ =	shalt  }
0x48: {  	_ =	shalt  }
0x49: {  	_ =	shalt  }
0x4a: {  	_ =	shalt  }
0x4b: {  	_ =	shalt  }
0x4c: {  	_ =	shalt  }
0x4d: {  	_ =	shalt  }
0x4e: {  	_ =	shalt  }
0x4f: {  	_ =	shalt  }
0x50: {  	_ =	shalt  }
0x51: {  	_ =	shalt  }
0x52: {  	_ =	shalt  }
0x53: {  	_ =	shalt  }
0x54: {  	_ =	shalt  }
0x55: {  	_ =	shalt  }
0x56: {  	_ =	shalt  }
0x57: {  	_ =	shalt  }
0x58: {  	_ =	shalt  }
0x59: {  	_ =	shalt  }
0x5a: {  	_ =	shalt  }
0x5b: {  	_ =	shalt  }
0x5c: {  	_ =	shalt  }
0x5d: {  	_ =	shalt  }
0x5e: {  	_ =	shalt  }
0x5f: {  	_ =	shalt  }
0x60: {  	_ =	shalt  }
0x61: {  	_ =	shalt  }
0x62: {  	_ =	shalt  }
0x63: {  	_ =	shalt  }
0x64: {  	_ =	shalt  }
0x65: {  	_ =	shalt  }
0x66: {  	_ =	shalt  }
0x67: {  	_ =	shalt  }
0x68: {  	_ =	shalt  }
0x69: {  	_ =	shalt  }
0x6a: {  	_ =	shalt  }
0x6b: {  	_ =	shalt  }
0x6c: {  	_ =	shalt  }
0x6d: {  	_ =	shalt  }
0x6e: {  	_ =	shalt  }
0x6f: {  	_ =	shalt  }
0x70: {  	_ =	shalt  }
0x71: {  	_ =	shalt  }
0x72: {  	_ =	shalt  }
0x73: {  	_ =	shalt  }
0x74: {  	_ =	shalt  }
0x75: {  	_ =	shalt  }
0x76: {  	_ =	shalt  }
0x77: {  	_ =	shalt  }
0x78: {  	_ =	shalt  }
0x79: {  	_ =	shalt  }
0x7a: {  	_ =	shalt  }
0x7b: {  	_ =	shalt  }
0x7c: {  	_ =	shalt  }
0x7d: {  	_ =	shalt  }
0x7e: {  	_ =	shalt  }
0x7f: {  	_ =	shalt  }
0x80: {  	_ =	shalt  }
0x81: {  	_ =	shalt  }
0x82: {  	_ =	shalt  }
0x83: {  	_ =	shalt  }
0x84: {  	_ =	shalt  }
0x85: {  	_ =	shalt  }
0x86: {  	_ =	shalt  }
0x87: {  	_ =	shalt  }
.Lfunc_end0:
.L_simem_size_0:
called_computation.3_lowered:
.L_overlay_start_0:
0x88: {  	s2 =	sld [smem:$0x3FD9]  }
0x89: {  	s3 =	sld [smem:$0x3FFE];
	_ =	sdelay $0x1  }
0x8a: {  	s1 =	srdreg.scid  }
0x8b: {  	s0 =	sand.u32 $0x1, s1  }
0x8c: {  	s16 =	sshll.u32 s0, $0xA;
	s2 =	sadd.s32 s3, s2  }
0x8d: {  	s2 =	sadd.s32 s2, s16  }
0x8e: {  	[smem:$0x3FB9] =	sst s2  }
0x8f: {  	_ = 	snop  }
0x90: {  	(tm) =	ssettm $0x1  }
0x91: {  	s17 =	sld [smem:$0x3FFB];
	_ =	sdelay $0x3  }
0x92: {  	_ =	strace s17  }
0x93: {  	s2 =	sld [smem:$0x3FFC];
	_ =	sdelay $0x3  }
0x94: {  	_ =	strace s2  }
0x95: {  	s2 =	sld [smem:$0x3FFD];
	_ =	sdelay $0x3  }
0x96: {  	_ =	strace s2  }
0x97: {  	_ =	strace $0x8FFFFFFF  }
0x98: {  	s18 =	sld [smem:$0x3FDB];
	_ =	sdelay $0x1  }
0x99: {  	s19 =	simm.s32 $_scs_section_size  }
0x9a: {  	s4 =	simm.s32 $_size__tile_overlayer_lowered;
	s5 =	simm.s32 $_tile_overlayer_lowered  }
0x9b: {  	s22 =	simm.s32 $0x1BFF;
	s21 =	sshll.u32 s5, $0x1;
	s2 =	sadd.s32 s19, s18  }
0x9c: {  	s6 =	simm.s32 $0x0;
	s20 =	sshll.u32 s4, $0x1;
	s4 =	sadd.s32 s21, s2  }
0x9d: {  	[timem:s6], [sflag:s22] =	dma.local [hbm:s4], s20  }
0x9e: {  	_ =	swait.ge [sflag:s22], s20  }
0x9f: {  	s3 =	ssub.s32 $0x0, s20;
	[sflag:s22] =	ssyncset.done $0x0  }
0xa0: {  	[sflag:s22] =	ssyncadd.s32 s3;
	_ =	sdelay $0x1  }
0xa1: {  	s23 =	simm.s32 $0x1B8B  }
0xa2: {  	_ =	swait.ge [sflag:s23], $0x1  }
0xa3: {  	[sflag:s23] =	ssyncset.done $0x0  }
0xa4: {  	s25 =	simm.s32 $0x1B8E;
	s24 =	sld [smem:$0x3FFE];
	[sflag:s23] =	ssyncadd.s32 $0xFFFFFFFF  }
0xa5: {  	s26 =	simm.s32 $execute0_lowered;
	[smem:$0x3FD2] =	sst s25  }
0xa6: {  	s4 =	sshll.u32 s26, $0x1;
	_ =	strace $0x8000004F;
	[dreg:$0x1] =	wrdreg $0xFFFFFFFF  }
0xa7: {  	s28 =	simm.s32 $_size_execute0_lowered;
	s2 =	sadd.s32 s2, s4;
	[dreg:$0x0] =	wrdreg $0x0  }
0xa8: {  	s4 =	sshll.u32 s28, $0x1;
	[dreg:$0x2] =	wrdreg s2  }
0xa9: {  	[dreg:$0x3] =	wrdreg s4  }
0xaa: {  	[dreg:$0x4] =	wrdreg $0xC0  }
0xab: {  	_ =	task [dreg:s6], $0x5FFFF  }
0xac: {  	[dreg:$0x1] =	wrdreg $0xFFFFFFFF  }
0xad: {  	[dreg:$0x0] =	wrdreg $0x60  }
0xae: {  	[dreg:$0x2] =	wrdreg s24  }
0xaf: {  	[dreg:$0x3] =	wrdreg $0x0  }
0xb0: {  	[dreg:$0x4] =	wrdreg $0x9  }
0xb1: {  	_ =	task.clear_ibuf [dreg:s6], $0x5FFFF;
	_ =	strace $0x9000004F  }
0xb2: {  	s29 =	simm.s32 $0x9;
	_ =	strace $0x80000051  }
0xb3: {  	_ =	swait.ge [sflag:s29], $0x1  }
0xb4: {  	[sflag:s29] =	ssyncadd.s32 $0xFFFFFFFF  }
0xb5: {  	_ =	strace $0x90000051  }
0xb6: {  	_ =	sfence  }
0xb7: {  	s30 =	sld [smem:$0x0];
	_ =	sdelay $0x2  }
0xb8: {  	s31 =	sshll.u32 s1, $0xD;
	s1 =	sshrl.u32 s1, $0x2  }
0xb9: {  	s3 =	sand.u32 $0x4000, s31;
	s1 =	sadd.s32 s1, s30  }
0xba: {  	s0 =	sor.u32 s3, s0;
	s1 =	sshll.u32 s1, $0x11  }
0xbb: {  	s0 =	sor.u32 s1, s0  }
0xbc: {  	s0 =	sadd.s32 $0x8F2B, s0  }
0xbd: {  	[sflag:s0] =	ssyncadd.remote.s32 $0x1  }
0xbe: {  	_ =	sfence.sel $0xFFFF  }
0xbf: {  	[dreg:$0x0] =	wrdreg $0xFFFFFFFF;
	(pc) =	sbr.abs _section_cstart, $3  }
0xc0: {  	[dreg:$0x1] =	wrdreg $0xFFFFFFFF  }
0xc1: {  	_ =	task.clear_ibuf [dreg:s6], $0x2FFFF;
	_ =	strace $0x9FFFFFFF  }
0xc2: {  	(tm) =	ssettm $0x7FFFFFFF  }
0xc3: {  	_ =	shalt  }
tec
execute0_lowered:
.L_overlay_start_1:
0x0: {  	(tag) =	ssettag $0x1  }
0x1: {  	s5 =	rddreg [dreg:$0x0]  }
0x2: {  	s1 =	rddreg [dreg:$0x1]  }
0x3: {  	s2 =	srdreg.scid;
	s0 =	rddreg [dreg:$0x2];
	s3 =	simm.s32 $0x0  }
0x4: {  	s18 =	simm.s32 $0x14000;
	s19 =	simm.s32 $0x15400;
	s20 =	simm.s32 $0x80  }
0x5: {  	s21 =	simm.s32 $0x14080;
	s22 =	simm.s32 $0x1A800;
	s23 =	simm.s32 $0x1  }
0x6: {  	s24 =	simm.s32 $0x2;
	s25 =	simm.s32 $0x16700;
	s6 =	sand.u32 $0x1, s2  }
0x7: {  	s2 =	stileid.u32;
	[smem:$0x7FF] =	sst s3;
	s4 =	sadd.s32 $0x17E00, s5  }
0x8: {  	s12 =	sadd.s32 $0xDE00, s5;
	s13 =	sadd.s32 $0x3E00, s5;
	s7 =	smul.u32 $0x140000, s6  }
0x9: {  	s8 =	smul.u32 $0x14000, s2;
	_ =	strace $0x80000050;
	s29 =	sshll.u32 s2, $0x1  }
0xa: {  	s26 =	smul.u32 $0x50000, s2;
	s28 =	ssub.s32 $0x2, s6;
	s10 =	sor.u32 s6, s29  }
0xb: {  	s9 =	sshrl.u32 s28, $0x1;
	s7 =	sadd.s32 s8, s7;
	s11 =	smul.u32 $0x2800, s10  }
0xc: {  	s30 =	sshrl.u32 s26, $0x2;
	s15 =	ssub.s32 s28, s9;
	s16 =	smul.u32 $0x500, s10  }
0xd: {  	s26 =	simm.s32 $0x16780;
	s7 =	sshrl.u32 s7, $0x3;
	s15 =	smax.u32 s15, $0x1  }
0xe: {  	s14 =	sadd.s32 s7, s5;
	s5 =	sadd.s32 s30, s1;
	s17 =	sshrl.u32 s11, $0x3  }
0xf: {  	s10 =	sadd.s32 s12, s16;
	s11 =	sadd.s32 s13, s16;
	s16 =	simm.s32 $0x16800  }
0x10: {  	s6 =	sadd.s32 $0x4000, s5;
	s7 =	sadd.s32 $0x8000, s5;
	s8 =	sadd.s32 $0xC000, s5  }
0x11: {  	s9 =	sadd.s32 $0x10000, s5;
	s31 =	sadd.s32 $0x280, s17;
	s14 =	sadd.s32 $0x3F000, s14  }
0x12: {  	v0 =	vimm.f32 $0.0e+00;
	s17 =	simm.s32 $0x3;
	s12 =	sadd.s32 s12, s31;
	s13 =	sadd.s32 s13, s31  }
.LBB2_1:
0x13: {  	s28 =	simm.s32 $0x0;
	s29 =	simm.s32 $0x200  }
.LBB2_2:
0x14: {  	p0 =	sne.s32 s29, $0xFE00;
	[tilespmem:s28+$0x16870] =	vst v0  }
0x15: {  	[tilespmem:s28+$0x16800] =	vst v0  }
0x16: {  	[tilespmem:s28+$0x16810] =	vst v0  }
.Ltmp0:
0x17: {  	[tilespmem:s28+$0x16820] =	vst v0;
	(pc) =	sbr.rel @p0 .LBB2_2-.Ltmp0, $4  }
0x18: {  	[tilespmem:s28+$0x16830] =	vst v0  }
0x19: {  	[tilespmem:s28+$0x16840] =	vst v0  }
0x1a: {  	[tilespmem:s28+$0x16850] =	vst v0  }
0x1b: {  	[tilespmem:s28+$0x16860] =	vst v0;
	s28 =	sshra.s32 s29, $0x2;
	s29 =	sadd.s32 $0x200, s29  }
0x1c: {  	[tilespmem:s28+$0x16870] =	vst v0  }
0x1d: {  	[tilespmem:s28+$0x16800] =	vst v0  }
0x1e: {  	[tilespmem:s28+$0x16810] =	vst v0  }
0x1f: {  	[tilespmem:s28+$0x16820] =	vst v0  }
0x20: {  	[tilespmem:s28+$0x16830] =	vst v0  }
0x21: {  	[tilespmem:s28+$0x16840] =	vst v0  }
0x22: {  	[tilespmem:s28+$0x16850] =	vst v0  }
0x23: {  	[tilespmem:s28+$0x16860] =	vst v0  }
0x24: {  	[spmem:s5] =	stream.linear.scatter [tilespmem:s16], [sflag:$0x3], $0x4000, $0x38;
	[tilespmem:$0x1E800] =	vst v63  }
0x25: {  	_ =	swait.ge [sflag:s17], $0x4000  }
0x26: {  	[sflag:s17] =	ssyncset.done $0x0  }
0x27: {  	[sflag:s17] =	ssyncadd.s32 $0xFFFFC000  }
0x28: {  	[spmem:s6] =	stream.linear.scatter [tilespmem:s16], [sflag:$0x3], $0x4000, $0x38;
	[tilespmem:$0x1E800] =	vst v63  }
0x29: {  	_ =	swait.ge [sflag:s17], $0x4000  }
0x2a: {  	[sflag:s17] =	ssyncset.done $0x0  }
0x2b: {  	[sflag:s17] =	ssyncadd.s32 $0xFFFFC000  }
0x2c: {  	[spmem:s7] =	stream.linear.scatter [tilespmem:s16], [sflag:$0x3], $0x4000, $0x38;
	[tilespmem:$0x1E800] =	vst v63  }
0x2d: {  	_ =	swait.ge [sflag:s17], $0x4000  }
0x2e: {  	[sflag:s17] =	ssyncset.done $0x0  }
0x2f: {  	[sflag:s17] =	ssyncadd.s32 $0xFFFFC000  }
0x30: {  	[spmem:s8] =	stream.linear.scatter [tilespmem:s16], [sflag:$0x3], $0x4000, $0x38;
	[tilespmem:$0x1E800] =	vst v63  }
0x31: {  	_ =	swait.ge [sflag:s17], $0x4000  }
0x32: {  	[sflag:s17] =	ssyncset.done $0x0  }
0x33: {  	[sflag:s17] =	ssyncadd.s32 $0xFFFFC000  }
0x34: {  	[spmem:s9] =	stream.linear.scatter [tilespmem:s16], [sflag:$0x3], $0x4000, $0x38;
	[tilespmem:$0x1E800] =	vst v63  }
0x35: {  	_ =	swait.ge [sflag:s17], $0x4000  }
0x36: {  	[sflag:s17] =	ssyncset.done $0x0  }
0x37: {  	[sflag:s17] =	ssyncadd.s32 $0xFFFFC000  }
0x38: {  	s28 =	simm.s32 $0x0;
	[bflag:$0x0] =	sbarrier.arrive $0xFFFF  }
0x39: {  	[tilespmem:s18], [sflag:$0x3] =	stream.linear.gather [hbm4b:s10+s28], $0x1400, $0x38;
	[tilespmem:$0x1E800] =	vst v63  }
0x3a: {  	_ =	swait.ge [sflag:s17], $0x1400  }
0x3b: {  	[sflag:s17] =	ssyncset.done $0x0  }
0x3c: {  	[sflag:s17] =	ssyncadd.s32 $0xFFFFEC00  }
0x3d: {  	[tilespmem:s19], [sflag:$0x3] =	stream.linear.gather [hbm4b:s11+s28], $0x1400, $0x38;
	[tilespmem:$0x1E800] =	vst v63  }
0x3e: {  	_ =	swait.ge [sflag:s17], $0x1400  }
0x3f: {  	[sflag:s17] =	ssyncset.done $0x0  }
0x40: {  	[sflag:s17] =	ssyncadd.s32 $0xFFFFEC00  }
0x41: {  	[tilespmem:s16], [sflag:$0x1] =	stream.indirect.gather [hbm4b:s4+s20], $0x80, s18, s20, $0xb8;
	[tilespmem:$0x1E800] =	vst v63  }
0x42: {  	_ = 	snop  }
0x43: {  	[tilespmem:s22], [sflag:$0x2] =	stream.indirect.gather [hbm4b:s4+s20], $0x80, s21, s20, $0xb8;
	[tilespmem:$0x1E800] =	vst v63  }
0x44: {  	_ =	swait.ge [sflag:s23], $0x4000  }
0x45: {  	[sflag:s23] =	ssyncset.done $0x0  }
0x46: {  	s28 =	simm.s32 $0x15400;
	[sflag:s23] =	ssyncadd.s32 $0xFFFFC000  }
0x47: {  	[spmem:s1] =	stream.indirect.scatter.add.f32 [tilespmem:s16], [sflag:$0x3], $0x80, s28, s20, $0xb8;
	[tilespmem:$0x1E800] =	vst v63  }
0x48: {  	_ =	swait.ge [sflag:s17], $0x4000  }
0x49: {  	[sflag:s17] =	ssyncset.done $0x0  }
0x4a: {  	s28 =	simm.s32 $0x14100;
	[sflag:s17] =	ssyncadd.s32 $0xFFFFC000  }
0x4b: {  	[tilespmem:s16], [sflag:$0x1] =	stream.indirect.gather [hbm4b:s4+s20], $0x80, s28, s20, $0xb8;
	[tilespmem:$0x1E800] =	vst v63  }
0x4c: {  	_ =	swait.ge [sflag:s24], $0x4000  }
0x4d: {  	[sflag:s24] =	ssyncset.done $0x0  }
0x4e: {  	s28 =	simm.s32 $0x15480;
	[sflag:s24] =	ssyncadd.s32 $0xFFFFC000  }
0x4f: {  	[spmem:s1] =	stream.indirect.scatter.add.f32 [tilespmem:s22], [sflag:$0x3], $0x80, s28, s20, $0xb8;
	[tilespmem:$0x1E800] =	vst v63  }
0x50: {  	_ =	swait.ge [sflag:s17], $0x4000  }
0x51: {  	[sflag:s17] =	ssyncset.done $0x0  }
0x52: {  	s29 =	simm.s32 $0x14180;
	s28 =	simm.s32 $0x400;
	[sflag:s17] =	ssyncadd.s32 $0xFFFFC000  }
.LBB2_4:
0x53: {  	[tilespmem:s22], [sflag:$0x2] =	stream.indirect.gather [hbm4b:s4+s20], $0x80, s29, s20, $0xb8;
	[tilespmem:$0x1E800] =	vst v63  }
0x54: {  	s29 =	smov.u32 s28  }
0x55: {  	p0 =	sne.s32 s28, $0x4800;
	s28 =	sadd.s32 $0x400, s28;
	_ =	swait.ge [sflag:s23], $0x4000  }
0x56: {  	s29 =	sshra.s32 s29, $0x2;
	[sflag:s23] =	ssyncset.done $0x0  }
0x57: {  	s30 =	sadd.s32 $0x15400, s29;
	[sflag:s23] =	ssyncadd.s32 $0xFFFFC000  }
0x58: {  	[spmem:s1] =	stream.indirect.scatter.add.f32 [tilespmem:s16], [sflag:$0x3], $0x80, s30, s20, $0xb8;
	[tilespmem:$0x1E800] =	vst v63  }
0x59: {  	_ =	swait.ge [sflag:s17], $0x4000  }
0x5a: {  	[sflag:s17] =	ssyncset.done $0x0  }
0x5b: {  	s30 =	sadd.s32 $0x14100, s29;
	[sflag:s17] =	ssyncadd.s32 $0xFFFFC000  }
0x5c: {  	[tilespmem:s16], [sflag:$0x1] =	stream.indirect.gather [hbm4b:s4+s20], $0x80, s30, s20, $0xb8;
	[tilespmem:$0x1E800] =	vst v63  }
0x5d: {  	_ =	swait.ge [sflag:s24], $0x4000  }
0x5e: {  	[sflag:s24] =	ssyncset.done $0x0  }
.Ltmp1:
0x5f: {  	s30 =	sadd.s32 $0x15480, s29;
	[sflag:s24] =	ssyncadd.s32 $0xFFFFC000;
	(pc) =	sbr.rel @p0 .LBB2_4-.Ltmp1, $4  }
0x60: {  	[spmem:s1] =	stream.indirect.scatter.add.f32 [tilespmem:s22], [sflag:$0x3], $0x80, s30, s20, $0xb8;
	[tilespmem:$0x1E800] =	vst v63  }
0x61: {  	_ =	swait.ge [sflag:s17], $0x4000  }
0x62: {  	[sflag:s17] =	ssyncset.done $0x0  }
0x63: {  	s29 =	sadd.s32 $0x14180, s29;
	[sflag:s17] =	ssyncadd.s32 $0xFFFFC000  }
0x64: {  	[tilespmem:s22], [sflag:$0x2] =	stream.indirect.gather [hbm4b:s4+s20], $0x80, s29, s20, $0xb8;
	[tilespmem:$0x1E800] =	vst v63  }
0x65: {  	_ =	swait.ge [sflag:s23], $0x4000  }
0x66: {  	[sflag:s23] =	ssyncset.done $0x0  }
0x67: {  	[sflag:s23] =	ssyncadd.s32 $0xFFFFC000  }
0x68: {  	[spmem:s1] =	stream.indirect.scatter.add.f32 [tilespmem:s16], [sflag:$0x3], $0x80, s25, s20, $0xb8;
	[tilespmem:$0x1E800] =	vst v63  }
0x69: {  	_ =	swait.ge [sflag:s17], $0x4000  }
0x6a: {  	[sflag:s17] =	ssyncset.done $0x0  }
0x6b: {  	[sflag:s17] =	ssyncadd.s32 $0xFFFFC000  }
0x6c: {  	_ =	swait.ge [sflag:s24], $0x4000  }
0x6d: {  	[sflag:s24] =	ssyncset.done $0x0  }
0x6e: {  	[sflag:s24] =	ssyncadd.s32 $0xFFFFC000  }
0x6f: {  	[spmem:s1] =	stream.indirect.scatter.add.f32 [tilespmem:s22], [sflag:$0x3], $0x80, s26, s20, $0xb8;
	[tilespmem:$0x1E800] =	vst v63  }
0x70: {  	_ =	swait.ge [sflag:s17], $0x4000  }
0x71: {  	[sflag:s17] =	ssyncset.done $0x0  }
0x72: {  	s28 =	simm.s32 $0x0;
	[sflag:s17] =	ssyncadd.s32 $0xFFFFC000  }
0x73: {  	[tilespmem:s18], [sflag:$0x3] =	stream.linear.gather [hbm4b:s12+s28], $0x1400, $0x38;
	[tilespmem:$0x1E800] =	vst v63  }
0x74: {  	_ =	swait.ge [sflag:s17], $0x1400  }
0x75: {  	[sflag:s17] =	ssyncset.done $0x0  }
0x76: {  	[sflag:s17] =	ssyncadd.s32 $0xFFFFEC00  }
0x77: {  	[tilespmem:s19], [sflag:$0x3] =	stream.linear.gather [hbm4b:s13+s28], $0x1400, $0x38;
	[tilespmem:$0x1E800] =	vst v63  }
0x78: {  	_ =	swait.ge [sflag:s17], $0x1400  }
0x79: {  	[sflag:s17] =	ssyncset.done $0x0  }
0x7a: {  	[sflag:s17] =	ssyncadd.s32 $0xFFFFEC00  }
0x7b: {  	[tilespmem:s16], [sflag:$0x1] =	stream.indirect.gather [hbm4b:s4+s20], $0x80, s18, s20, $0xb8;
	[tilespmem:$0x1E800] =	vst v63  }
0x7c: {  	_ = 	snop  }
0x7d: {  	[tilespmem:s22], [sflag:$0x2] =	stream.indirect.gather [hbm4b:s4+s20], $0x80, s21, s20, $0xb8;
	[tilespmem:$0x1E800] =	vst v63  }
0x7e: {  	_ =	swait.ge [sflag:s23], $0x4000  }
0x7f: {  	[sflag:s23] =	ssyncset.done $0x0  }
0x80: {  	s28 =	simm.s32 $0x15400;
	[sflag:s23] =	ssyncadd.s32 $0xFFFFC000  }
0x81: {  	[spmem:s1] =	stream.indirect.scatter.add.f32 [tilespmem:s16], [sflag:$0x3], $0x80, s28, s20, $0xb8;
	[tilespmem:$0x1E800] =	vst v63  }
0x82: {  	_ =	swait.ge [sflag:s17], $0x4000  }
0x83: {  	[sflag:s17] =	ssyncset.done $0x0  }
0x84: {  	s28 =	simm.s32 $0x14100;
	[sflag:s17] =	ssyncadd.s32 $0xFFFFC000  }
0x85: {  	[tilespmem:s16], [sflag:$0x1] =	stream.indirect.gather [hbm4b:s4+s20], $0x80, s28, s20, $0xb8;
	[tilespmem:$0x1E800] =	vst v63  }
0x86: {  	_ =	swait.ge [sflag:s24], $0x4000  }
0x87: {  	[sflag:s24] =	ssyncset.done $0x0  }
0x88: {  	s28 =	simm.s32 $0x15480;
	[sflag:s24] =	ssyncadd.s32 $0xFFFFC000  }
0x89: {  	[spmem:s1] =	stream.indirect.scatter.add.f32 [tilespmem:s22], [sflag:$0x3], $0x80, s28, s20, $0xb8;
	[tilespmem:$0x1E800] =	vst v63  }
0x8a: {  	_ =	swait.ge [sflag:s17], $0x4000  }
0x8b: {  	[sflag:s17] =	ssyncset.done $0x0  }
0x8c: {  	s29 =	simm.s32 $0x14180;
	s28 =	simm.s32 $0x400;
	[sflag:s17] =	ssyncadd.s32 $0xFFFFC000  }
.LBB2_6:
0x8d: {  	[tilespmem:s22], [sflag:$0x2] =	stream.indirect.gather [hbm4b:s4+s20], $0x80, s29, s20, $0xb8;
	[tilespmem:$0x1E800] =	vst v63  }
0x8e: {  	s29 =	smov.u32 s28  }
0x8f: {  	p0 =	sne.s32 s28, $0x4800;
	s28 =	sadd.s32 $0x400, s28;
	_ =	swait.ge [sflag:s23], $0x4000  }
0x90: {  	s29 =	sshra.s32 s29, $0x2;
	[sflag:s23] =	ssyncset.done $0x0  }
0x91: {  	s30 =	sadd.s32 $0x15400, s29;
	[sflag:s23] =	ssyncadd.s32 $0xFFFFC000  }
0x92: {  	[spmem:s1] =	stream.indirect.scatter.add.f32 [tilespmem:s16], [sflag:$0x3], $0x80, s30, s20, $0xb8;
	[tilespmem:$0x1E800] =	vst v63  }
0x93: {  	_ =	swait.ge [sflag:s17], $0x4000  }
0x94: {  	[sflag:s17] =	ssyncset.done $0x0  }
0x95: {  	s30 =	sadd.s32 $0x14100, s29;
	[sflag:s17] =	ssyncadd.s32 $0xFFFFC000  }
0x96: {  	[tilespmem:s16], [sflag:$0x1] =	stream.indirect.gather [hbm4b:s4+s20], $0x80, s30, s20, $0xb8;
	[tilespmem:$0x1E800] =	vst v63  }
0x97: {  	_ =	swait.ge [sflag:s24], $0x4000  }
0x98: {  	[sflag:s24] =	ssyncset.done $0x0  }
.Ltmp2:
0x99: {  	s30 =	sadd.s32 $0x15480, s29;
	[sflag:s24] =	ssyncadd.s32 $0xFFFFC000;
	(pc) =	sbr.rel @p0 .LBB2_6-.Ltmp2, $4  }
0x9a: {  	[spmem:s1] =	stream.indirect.scatter.add.f32 [tilespmem:s22], [sflag:$0x3], $0x80, s30, s20, $0xb8;
	[tilespmem:$0x1E800] =	vst v63  }
0x9b: {  	_ =	swait.ge [sflag:s17], $0x4000  }
0x9c: {  	[sflag:s17] =	ssyncset.done $0x0  }
0x9d: {  	s29 =	sadd.s32 $0x14180, s29;
	[sflag:s17] =	ssyncadd.s32 $0xFFFFC000  }
0x9e: {  	[tilespmem:s22], [sflag:$0x2] =	stream.indirect.gather [hbm4b:s4+s20], $0x80, s29, s20, $0xb8;
	[tilespmem:$0x1E800] =	vst v63  }
0x9f: {  	_ =	swait.ge [sflag:s23], $0x4000  }
0xa0: {  	[sflag:s23] =	ssyncset.done $0x0  }
0xa1: {  	[sflag:s23] =	ssyncadd.s32 $0xFFFFC000  }
0xa2: {  	[spmem:s1] =	stream.indirect.scatter.add.f32 [tilespmem:s16], [sflag:$0x3], $0x80, s25, s20, $0xb8;
	[tilespmem:$0x1E800] =	vst v63  }
0xa3: {  	_ =	swait.ge [sflag:s17], $0x4000  }
0xa4: {  	[sflag:s17] =	ssyncset.done $0x0  }
0xa5: {  	[sflag:s17] =	ssyncadd.s32 $0xFFFFC000  }
0xa6: {  	_ =	swait.ge [sflag:s24], $0x4000  }
0xa7: {  	[sflag:s24] =	ssyncset.done $0x0  }
0xa8: {  	[sflag:s24] =	ssyncadd.s32 $0xFFFFC000  }
0xa9: {  	[spmem:s1] =	stream.indirect.scatter.add.f32 [tilespmem:s22], [sflag:$0x3], $0x80, s26, s20, $0xb8;
	[tilespmem:$0x1E800] =	vst v63  }
0xaa: {  	_ =	swait.ge [sflag:s17], $0x4000  }
0xab: {  	s28 =	sshll.u32 s2, $0x6;
	s3 =	sadd.s32 $0x1, s3;
	[sflag:s17] =	ssyncset.done $0x0  }
0xac: {  	s31 =	sshrl.u32 s5, $0x3;
	p0 =	sne.s32 s3, s15;
	[sflag:s17] =	ssyncadd.s32 $0xFFFFC000  }
.Ltmp3:
0xad: {  	s28 =	sor.u32 $0x1C03, s28;
	[bflag:$0x0] =	sbarrier.arrive $0xFFFF;
	(pc) =	sbr.rel @p0 .LBB2_1-.Ltmp3, $4  }
0xae: {  	[hbm:s14], [sflag:s28] =	dma.local [spmem:s31], $0x2800  }
0xaf: {  	_ =	swait.ge [sflag:s17], $0x2800  }
0xb0: {  	[sflag:s17] =	ssyncset.done $0x0  }
0xb1: {  	[sflag:s17] =	ssyncadd.s32 $0xFFFFD800  }
0xb2: {  	_ =	sfence.sel $0x180000  }
0xb3: {  	[bflag:$0x0] =	sbarrier.arrive $0xFFFF  }
0xb4: {  	p0 =	sne.s32 s2, $0x0;
	_ =	strace $0x90000050  }
0xb5: {  	s0 =	sadd.s32 @!p0 $0x100000, s0;
	[bflag:$0x2] =	sbarrier.arrive $0xFFFF  }
0xb6: {  	[sflag:s0] =	ssyncadd.tile.s32 @!p0 $0x1;
	_ =	shalt  }
.Lfunc_end2:
_tile_overlayer_lowered:
.L_overlay_start_2:
0xb7: {  	(tag) =	ssettag $0x2  }
0xb8: {  	s0 =	rddreg [dreg:$0x0];
	s2 =	stileid.u32  }
0xb9: {  	s1 =	rddreg [dreg:$0x1];
	p0 =	sne.s32 s2, $0x0  }
0xba: {  	s3 =	rddreg [dreg:$0x2];
	[bflag:$0x3] =	sbarrier.arrive $0xFFFF;
	s2 =	simm.s32 @!p0 $0x1C03  }
0xbb: {  	[timem:s3], [sflag:s2] =	dma.local @!p0 [hbm:s0], s1  }
0xbc: {  	s0 =	simm.s32 @!p0 $0x3  }
0xbd: {  	_ =	swait.ge @!p0 [sflag:s0], s1  }
0xbe: {  	s1 =	ssub.s32 @!p0 $0x0, s1;
	[sflag:s0] =	ssyncset.done @!p0 $0x0  }
0xbf: {  	[sflag:s0] =	ssyncadd.s32 @!p0 s1  }
0xc0: {  	[bflag:$0x3] =	sbarrier.arrive $0xFFFF  }
0xc1: {  	_ =	shalt  }

</sc_bundles>
